<compile_context>
chip_gen: v7x
topology: tpu7x:2x2x1
jax: 0.10.2.dev20260603
libtpu: 0.0.44.dev20260713+nightly
codegen_flags: <defaults>
</compile_context>

<pallas_src>
import functools

import jax
import jax.numpy as jnp
from jax import lax
from jax.experimental import pallas as pl
from jax.experimental.pallas import tpu as pltpu
from jax.experimental.pallas import tpu_sc as plsc

_B, _L = 64, 512
_SEM, _GRAM, _MORPH, _MODEL = 512, 256, 128, 512
_NL = 10
_N = _B * _L
_FUSE_IN = _MORPH + _MORPH // 4 + _MORPH // 2
_TB = 1024
_K = 4
_PN = _N // _K
_PB = _B // _K



def _make_merged_gather(part):
    info = plsc.get_sparse_core_info()
    nw = info.num_cores * info.num_subcores
    per_w = _PN // nw
    chunk = 64
    n_chunks = per_w // chunk
    mesh = plsc.VectorSubcoreMesh(core_axis_name="c", subcore_axis_name="s")

    @functools.partial(
        pl.kernel,
        mesh=mesh,
        out_type=[
            jax.ShapeDtypeStruct((_PN, _SEM), jnp.float32),
            jax.ShapeDtypeStruct((_PN, 128), jnp.float32),
        ],
        scratch_types=[
            pltpu.VMEM((chunk,), jnp.int32),
            pltpu.VMEM((chunk, _SEM), jnp.float32),
            pltpu.VMEM((chunk, 128), jnp.float32),
            pltpu.SemaphoreType.DMA,
            pltpu.SemaphoreType.DMA,
        ],
    )
    def gather(ids_hbm, emb_hbm, vib_hbm, sem_out, vib_out,
               idx_v, rows_v, vrows_v, s1, s2):
        wid = lax.axis_index("s") * info.num_cores + lax.axis_index("c")
        base0 = wid * per_w

        def body(j, carry):
            obase = base0 + j * chunk
            tok = part * _PN + obase
            row = tok // _L
            col = tok % _L
            pltpu.sync_copy(ids_hbm.at[row, pl.ds(col, chunk)], idx_v)
            g1 = pltpu.async_copy(emb_hbm.at[idx_v], rows_v, s1)
            g2 = pltpu.async_copy(vib_hbm.at[idx_v], vrows_v, s2)
            g1.wait()
            g2.wait()
            pltpu.sync_copy(rows_v, sem_out.at[pl.ds(obase, chunk)])
            pltpu.sync_copy(vrows_v, vib_out.at[pl.ds(obase, chunk)])
            return carry

        lax.fori_loop(0, n_chunks, body, 0)

    return gather


def _make_row_gather(part, width):
    info = plsc.get_sparse_core_info()
    nw = info.num_cores * info.num_subcores
    per_w = _PN // nw
    chunk = 64
    n_chunks = per_w // chunk
    mesh = plsc.VectorSubcoreMesh(core_axis_name="c", subcore_axis_name="s")

    @functools.partial(
        pl.kernel,
        mesh=mesh,
        out_type=jax.ShapeDtypeStruct((_PN, width), jnp.float32),
        scratch_types=[
            pltpu.VMEM((chunk,), jnp.int32),
            pltpu.VMEM((chunk, width), jnp.float32),
            pltpu.SemaphoreType.DMA,
        ],
    )
    def gather(ids_hbm, table_hbm, out, idx_v, rows_v, s1):
        wid = lax.axis_index("s") * info.num_cores + lax.axis_index("c")
        base0 = wid * per_w

        def body(j, carry):
            obase = base0 + j * chunk
            tok = part * _PN + obase
            row = tok // _L
            col = tok % _L
            pltpu.sync_copy(ids_hbm.at[row, pl.ds(col, chunk)], idx_v)
            pltpu.async_copy(table_hbm.at[idx_v], rows_v, s1).wait()
            pltpu.sync_copy(rows_v, out.at[pl.ds(obase, chunk)])
            return carry

        lax.fori_loop(0, n_chunks, body, 0)

    return gather



def _tc_body(sem_ref, vib_ref, pos_ref, cb_ref, depw_ref, depb_ref,
             ln1g_ref, ln1b_ref, fused_ref, fusew_ref, fuseb_ref,
             lnmg_ref, lnmb_ref, projw_ref, projb_ref, lnpg_ref, lnpb_ref,
             out_ref):
    f32 = jnp.float32
    cdim = (((1,), (1,)), ((), ()))
    rdim = (((1,), (0,)), ((), ()))

    ones = jnp.full((_SEM, 1), 1.0, f32)
    posb = pos_ref[...]
    x = sem_ref[...] + jnp.concatenate([posb] * (_TB // _L), axis=0)
    m = lax.dot_general(x, ones, rdim, preferred_element_type=f32) * (1.0 / _SEM)
    ssq = lax.dot_general(x * x, ones, rdim,
                          preferred_element_type=f32) * (1.0 / _SEM)
    v = ssq - m * m
    semn = (x - m) * lax.rsqrt(v + 1e-5) * ln1g_ref[...] + ln1b_ref[...]

    ws = projw_ref[:, 0:_SEM]
    wc = projw_ref[:, _SEM:_SEM + _GRAM]
    wm = projw_ref[:, _SEM + _GRAM:]
    acc = lax.dot_general(semn, ws, cdim, preferred_element_type=f32)

    logits = vib_ref[:, 0:16]
    lane = lax.broadcasted_iota(jnp.int32, logits.shape, 1)
    valid = lane < _NL
    lm = jnp.max(jnp.where(valid, logits, jnp.float32(-1e30)), axis=-1,
                 keepdims=True)
    conf = 1.0 / jnp.sum(jnp.where(valid, jnp.exp(logits - lm), 0.0),
                         axis=-1, keepdims=True)
    is_max = jnp.logical_and(valid, logits >= lm)
    case = jnp.min(jnp.where(is_max, lane, jnp.int32(127)), axis=-1,
                   keepdims=True)
    onehot = (lane == case).astype(f32)

    cb = cb_ref[...]
    row8 = (lax.broadcasted_iota(jnp.int32, (16, 1), 0) == _NL - 2).astype(f32)
    a = cb + row8 * lax.dot_general(cb, depw_ref[...], cdim,
                                    preferred_element_type=f32)
    t1 = lax.dot_general(a, wc, cdim, preferred_element_type=f32)
    t2 = row8 * lax.dot_general(depb_ref[...], wc, cdim,
                                preferred_element_type=f32)
    oh2 = jnp.concatenate([onehot * conf, onehot], axis=1)
    t12 = jnp.concatenate([t1, t2], axis=0)
    acc += lax.dot_general(oh2, t12, rdim, preferred_element_type=f32)

    fm = lax.dot_general(fused_ref[...], fusew_ref[...], cdim,
                         preferred_element_type=f32) + fuseb_ref[...]
    mm = jnp.mean(fm, axis=-1, keepdims=True)
    mv = jnp.mean((fm - mm) ** 2, axis=-1, keepdims=True)
    morph = (fm - mm) * lax.rsqrt(mv + 1e-5) * lnmg_ref[...] + lnmb_ref[...]
    cvec = lax.dot_general(morph, wm, cdim,
                           preferred_element_type=f32) + projb_ref[...]
    acc += cvec

    g = acc * 0.5 * (1.0 + lax.erf(acc * (2.0 ** -0.5)))
    gm = lax.dot_general(g, ones, rdim, preferred_element_type=f32) * (1.0 / _MODEL)
    gsq = lax.dot_general(g * g, ones, rdim,
                          preferred_element_type=f32) * (1.0 / _MODEL)
    gv = gsq - gm * gm
    res = (g - gm) * lax.rsqrt(gv + 1e-5) * lnpg_ref[...] + lnpb_ref[...]
    out_ref[...] = res.reshape(_TB // _L, _L, _MODEL)


def _tc_body_chain(prev_ref, *refs):
    del prev_ref
    _tc_body(*refs)


def _const(shape):
    return pl.BlockSpec(shape, lambda i: (0,) * len(shape))


def _make_tc_call(part):
    data_specs = [
        pl.BlockSpec((_TB, _SEM), lambda i: (i, 0)),
        pl.BlockSpec((_TB, 128), lambda i: (i, 0)),
        _const((_L, _SEM)),
        _const((16, _GRAM)),
        _const((_GRAM, _GRAM)),
        _const((1, _GRAM)),
        _const((1, _SEM)),
        _const((1, _SEM)),
        _const((1, _FUSE_IN)),
        _const((_MORPH, _FUSE_IN)),
        _const((1, _MORPH)),
        _const((1, _MORPH)),
        _const((1, _MORPH)),
        _const((_MODEL, _SEM + _GRAM + _MORPH)),
        _const((1, _MODEL)),
        _const((1, _MODEL)),
        _const((1, _MODEL)),
    ]
    rows_per_blk = _TB // _L
    out_spec = pl.BlockSpec(
        (rows_per_blk, _L, _MODEL),
        lambda i: (part * (_PB // rows_per_blk) + i, 0, 0))
    out_shape = jax.ShapeDtypeStruct((_B, _L, _MODEL), jnp.float32)
    grid = (_PN // _TB,)
    if part == 0:
        return pl.pallas_call(
            _tc_body, grid=grid, in_specs=data_specs,
            out_specs=out_spec, out_shape=out_shape)
    return pl.pallas_call(
        _tc_body_chain, grid=grid,
        in_specs=[pl.BlockSpec(memory_space=pl.ANY)] + data_specs,
        out_specs=out_spec, out_shape=out_shape,
        input_output_aliases={0: 0})


def kernel(input_ids, attention_mask, emb, pos, vib_table, case_basis,
           dep_W, dep_b, conf_scale, ln1_g, ln1_b, sc_emb, gn_emb, tt_emb,
           fuse_W, fuse_b, lnm_g, lnm_b, proj_W, proj_b, lnp_g, lnp_b):
    del attention_mask
    vib128 = jnp.pad(vib_table, ((0, 0), (0, 128 - _NL)))
    sem_0 = _make_row_gather(0, _SEM)(input_ids, emb)
    after_emb0 = (sem_0[0, 0] * 0.0).astype(jnp.int32)
    vib_0 = _make_row_gather(0, 128)(input_ids + after_emb0, vib128)
    parts = [(sem_0, vib_0)] + [
        _make_merged_gather(p)(input_ids, emb, vib128)
        for p in range(1, _K)]

    cb16 = jnp.pad(case_basis * conf_scale[0], ((0, 6), (0, 0)))
    fused = jnp.concatenate([sc_emb[0], gn_emb[0], tt_emb[5]])[None, :]
    weights = (pos[:_L], cb16, dep_W, dep_b[None, :],
               ln1_g[None, :], ln1_b[None, :], fused, fuse_W,
               fuse_b[None, :], lnm_g[None, :], lnm_b[None, :], proj_W,
               proj_b[None, :], lnp_g[None, :], lnp_b[None, :])
    out = _make_tc_call(0)(parts[0][0], parts[0][1], *weights)
    for p in range(1, _K):
        out = _make_tc_call(p)(out, parts[p][0], parts[p][1], *weights)
    return out

# --- scband reference (transcript-rebuilt; emitter-appended) ---
"""Pipeline reference for scband-triple-encoder-11201274708079 (READ-ONLY COPY).

The authoritative reference and input builder live on the scoring server;
editing this copy changes nothing except your own understanding.
"""

import jax, jax.numpy as jnp
import numpy as np

B, L = 64, 512
VOCAB = 50265
SEM, GRAM, MORPH, MODEL = 512, 256, 128, 512
NUM_LABELS = 10

def _orthogonal_case_basis(dim=GRAM):
    rng = np.random.RandomState(0)
    raw = rng.randn(10, dim).astype(np.float32)
    basis = []
    for i in range(10):
        v = raw[i].copy()
        for b in basis:
            v = v - (v @ b) * b
        n = np.linalg.norm(v)
        if n > 1e-6:
            v = v / n
        basis.append(v)
    return jnp.asarray(np.stack(basis))

def _layer_norm(x, g, b, eps=1e-5):
    m = jnp.mean(x, axis=-1, keepdims=True)
    v = jnp.var(x, axis=-1, keepdims=True)
    return (x - m) / jnp.sqrt(v + eps) * g + b

def setup_inputs(seed: int = 0):
    key = jax.random.key(seed)
    ks = jax.random.split(key, 14)
    emb = jax.random.normal(ks[1], (VOCAB, SEM), dtype=jnp.float32) * 0.02
    emb = emb.at[1].set(0.0)  # padding_idx=1
    inp = {
        'input_ids': jax.random.randint(ks[0], (B, L), 0, VOCAB),
        'attention_mask': jnp.ones((B, L), dtype=jnp.float32),
        'emb': emb,
        'pos': jax.random.normal(ks[2], (514, SEM), dtype=jnp.float32) * 0.02,
        'vib_table': jax.random.normal(ks[3], (VOCAB, NUM_LABELS), dtype=jnp.float32),
        'case_basis': _orthogonal_case_basis(),
        'dep_W': jax.random.normal(ks[4], (GRAM, GRAM), dtype=jnp.float32) * 0.02,
        'dep_b': jnp.zeros((GRAM,), dtype=jnp.float32),
        'conf_scale': jnp.ones((1,), dtype=jnp.float32),
        'ln1_g': jnp.ones((SEM,), dtype=jnp.float32),
        'ln1_b': jnp.zeros((SEM,), dtype=jnp.float32),
        'sc_emb': jax.random.normal(ks[5], (27, MORPH), dtype=jnp.float32) * 0.02,
        'gn_emb': jax.random.normal(ks[6], (12, MORPH // 4), dtype=jnp.float32) * 0.02,
        'tt_emb': jax.random.normal(ks[7], (6, MORPH // 2), dtype=jnp.float32) * 0.02,
        'fuse_W': jax.random.normal(ks[8], (MORPH, MORPH + MORPH // 4 + MORPH // 2), dtype=jnp.float32) * 0.02,
        'fuse_b': jnp.zeros((MORPH,), dtype=jnp.float32),
        'lnm_g': jnp.ones((MORPH,), dtype=jnp.float32),
        'lnm_b': jnp.zeros((MORPH,), dtype=jnp.float32),
        'proj_W': jax.random.normal(ks[9], (MODEL, SEM + GRAM + MORPH), dtype=jnp.float32) * 0.02,
        'proj_b': jnp.zeros((MODEL,), dtype=jnp.float32),
        'lnp_g': jnp.ones((MODEL,), dtype=jnp.float32),
        'lnp_b': jnp.zeros((MODEL,), dtype=jnp.float32),
    }
    return inp

def reference(input_ids, attention_mask, emb, pos, vib_table, case_basis, dep_W, dep_b, conf_scale, ln1_g, ln1_b, sc_emb, gn_emb, tt_emb, fuse_W, fuse_b, lnm_g, lnm_b, proj_W, proj_b, lnp_g, lnp_b):
    b, l = input_ids.shape
    # --- SemanticEncoder (eval mode: dropout = identity) ---
    positions = jnp.arange(l)
    sem = jnp.take(emb, input_ids, axis=0) + jnp.take(pos, positions, axis=0)[None, :, :]
    sem = _layer_norm(sem, ln1_g, ln1_b)
    # --- frozen VibhaktiEncoder proxy: per-token logit lookup ---
    logits = jnp.take(vib_table, input_ids, axis=0)
    probs = jax.nn.softmax(logits, axis=-1)
    case_ids = jnp.argmax(probs, axis=-1)
    confidence = jnp.max(probs, axis=-1)
    verb_mask = (case_ids == NUM_LABELS - 2).astype(jnp.float32)
    # --- GrammaticalEncoder ---
    clamped = jnp.clip(case_ids, 0, 9)
    case_vecs = jnp.take(case_basis, clamped, axis=0)
    case_vecs = case_vecs * (confidence[..., None] * conf_scale)
    verb_signal = case_vecs @ dep_W.T + dep_b
    case_vecs = case_vecs + verb_signal * verb_mask[..., None]
    # --- MorphologicalEncoder (Week-3 placeholder ids) ---
    sc_ids = jnp.zeros((b, l), dtype=jnp.int32)
    gn_ids = jnp.zeros((b, l), dtype=jnp.int32)
    tt_ids = jnp.full((b, l), 5, dtype=jnp.int32)
    sc = jnp.take(sc_emb, sc_ids, axis=0)
    gn = jnp.take(gn_emb, gn_ids, axis=0)
    tt = jnp.take(tt_emb, tt_ids, axis=0)
    fused = jnp.concatenate([sc, gn, tt], axis=-1)
    morph = _layer_norm(fused @ fuse_W.T + fuse_b, lnm_g, lnm_b)
    # --- combine + projection ---
    combined = jnp.concatenate([sem, case_vecs, morph], axis=-1)
    out = combined @ proj_W.T + proj_b
    out = jax.nn.gelu(out, approximate=False)
    out = _layer_norm(out, lnp_g, lnp_b)
    return out

if __name__ == "__main__":
    import jax
    _d = setup_inputs()
    print(jax.jit(kernel)(*tuple(_d.values())))

</pallas_src>

<mosaic_0001>
#map = affine_map<(d0, d1) -> (0, 0)>
module attributes {stable_mosaic.version = 14 : i64} {
  func.func @gather(%arg0: i32, %arg1: i32, %arg2: memref<64x512xi32, #tpu.memory_space<hbm>>, %arg3: memref<50265x512xf32, #tpu.memory_space<hbm>>, %arg4: memref<8192x512xf32, #tpu.memory_space<hbm>>, %arg5: memref<64xi32, #tpu.memory_space<vmem>>, %arg6: memref<64x512xf32, #tpu.memory_space<vmem>>, %arg7: memref<!tpu.dma_semaphore, #tpu.memory_space<semaphore_mem>>) attributes {dimension_semantics = [#tpu.dimension_semantics<core_parallel>, #tpu.dimension_semantics<subcore_parallel>], iteration_bounds = array<i64: 2, 16>, scalar_prefetch = 0 : i64, scratch_operands = 3 : i64, tpu.core_type = #tpu.core_type<sc_vector_subcore>, window_params = [{transform_indices = #map}, {transform_indices = #map}, {transform_indices = #map}]} {
    %mul3A = arith.constant 2 : i32
    %mul3A_0 = arith.muli %arg1, %mul3A : i32
    %add3A = arith.addi %mul3A_0, %arg0 : i32
    %mul3A_1 = arith.constant 256 : i32
    %mul3A_2 = arith.muli %add3A, %mul3A_1 : i32
    %scan3A = arith.constant 0 : i32
    %scan3A_3 = arith.constant 0 : i32
    %scan3A_4 = arith.constant 4 : i32
    %scan3A_5 = arith.addi %scan3A_3, %scan3A_4 : i32
    %scan3A_6 = arith.constant 1 : i32
    scf.for %scan3A_8 = %scan3A_3 to %scan3A_5 step %scan3A_6  : i32 {
      %mul3A_9 = arith.constant 64 : i32
      %mul3A_10 = arith.muli %scan3A_8, %mul3A_9 : i32
      %add3A_11 = arith.addi %mul3A_2, %mul3A_10 : i32
      %add3A_12 = arith.constant 0 : i32
      %add3A_13 = arith.addi %add3A_12, %add3A_11 : i32
      %jit3A = arith.constant 512 : i32
      %div3A = arith.divsi %add3A_13, %jit3A : i32
      %sign3A = arith.constant 0 : i32
      %sign3A_14 = arith.cmpi sgt, %add3A_13, %sign3A : i32
      %sign3A_15 = arith.extui %sign3A_14 : i1 to i32
      %sign3A_16 = arith.constant 0 : i32
      %sign3A_17 = arith.cmpi slt, %add3A_13, %sign3A_16 : i32
      %sign3A_18 = arith.extui %sign3A_17 : i1 to i32
      %sign3A_19 = arith.subi %sign3A_15, %sign3A_18 : i32
      %sign3A_20 = arith.constant 0 : i32
      %sign3A_21 = arith.cmpi sgt, %jit3A, %sign3A_20 : i32
      %sign3A_22 = arith.extui %sign3A_21 : i1 to i32
      %sign3A_23 = arith.constant 0 : i32
      %sign3A_24 = arith.cmpi slt, %jit3A, %sign3A_23 : i32
      %sign3A_25 = arith.extui %sign3A_24 : i1 to i32
      %sign3A_26 = arith.subi %sign3A_22, %sign3A_25 : i32
      %ne3A = arith.cmpi ne, %sign3A_19, %sign3A_26 : i32
      %rem3A = arith.remsi %add3A_13, %jit3A : i32
      %ne3A_27 = arith.constant 0 : i32
      %ne3A_28 = arith.cmpi ne, %rem3A, %ne3A_27 : i32
      %and3A = arith.andi %ne3A, %ne3A_28 : i1
      %sub3A = arith.constant 1 : i32
      %sub3A_29 = arith.subi %div3A, %sub3A : i32
      %select_n3A = arith.select %and3A, %sub3A_29, %div3A : i32
      %jit3A_30 = arith.constant 512 : i32
      %eq3A = arith.constant 0 : i32
      %eq3A_31 = arith.cmpi eq, %jit3A_30, %eq3A : i32
      %jit3A_32 = arith.constant 1 : i32
      %select_n3A_33 = arith.select %eq3A_31, %jit3A_32, %jit3A_30 : i32
      %rem3A_34 = arith.remsi %add3A_13, %select_n3A_33 : i32
      %ne3A_35 = arith.constant 0 : i32
      %ne3A_36 = arith.cmpi ne, %rem3A_34, %ne3A_35 : i32
      %lt3A = arith.constant 0 : i32
      %lt3A_37 = arith.cmpi slt, %rem3A_34, %lt3A : i32
      %lt3A_38 = arith.constant 0 : i32
      %lt3A_39 = arith.cmpi slt, %select_n3A_33, %lt3A_38 : i32
      %ne3A_40 = arith.xori %lt3A_37, %lt3A_39 : i1
      %and3A_41 = arith.andi %ne3A_40, %ne3A_36 : i1
      %add3A_42 = arith.addi %rem3A_34, %select_n3A_33 : i32
      %select_n3A_43 = arith.select %and3A_41, %add3A_42, %rem3A_34 : i32
      "tpu.region"() ({
        %run_scoped3A = tpu.sem_alloc : memref<!tpu.dma_semaphore, #tpu.memory_space<semaphore_mem>>
        %dma_start3A_48 = tpu.memref_slice %arg2[%select_n3A, %select_n3A_43] : memref<64x512xi32, #tpu.memory_space<hbm>> -> memref<1x64xi32, #tpu.memory_space<hbm>>
        %dma_start3A_49 = tpu.memref_squeeze %dma_start3A_48 : memref<1x64xi32, #tpu.memory_space<hbm>> -> memref<64xi32, #tpu.memory_space<hbm>>
        %dma_start3A_50 = tpu.memref_slice %arg2[%select_n3A, %select_n3A_43] : memref<64x512xi32, #tpu.memory_space<hbm>> -> memref<1x64xi32, #tpu.memory_space<hbm>>
        %dma_start3A_51 = tpu.memref_squeeze %dma_start3A_50 : memref<1x64xi32, #tpu.memory_space<hbm>> -> memref<64xi32, #tpu.memory_space<hbm>>
        tpu.enqueue_dma source(%dma_start3A_51 : memref<64xi32, #tpu.memory_space<hbm>>) target(%arg5 : memref<64xi32, #tpu.memory_space<vmem>>) target_semaphore(%run_scoped3A : memref<!tpu.dma_semaphore, #tpu.memory_space<semaphore_mem>>)
        %dma_wait3A_52 = tpu.memref_slice %arg2[%select_n3A, %select_n3A_43] : memref<64x512xi32, #tpu.memory_space<hbm>> -> memref<1x64xi32, #tpu.memory_space<hbm>>
        %dma_wait3A_53 = tpu.memref_squeeze %dma_wait3A_52 : memref<1x64xi32, #tpu.memory_space<hbm>> -> memref<64xi32, #tpu.memory_space<hbm>>
        %dma_wait3A_54 = tpu.memref_slice %arg2[%select_n3A, %select_n3A_43] : memref<64x512xi32, #tpu.memory_space<hbm>> -> memref<1x64xi32, #tpu.memory_space<hbm>>
        %dma_wait3A_55 = tpu.memref_squeeze %dma_wait3A_54 : memref<1x64xi32, #tpu.memory_space<hbm>> -> memref<64xi32, #tpu.memory_space<hbm>>
        tpu.wait_dma2 semaphore(%run_scoped3A : memref<!tpu.dma_semaphore, #tpu.memory_space<semaphore_mem>>) src(%dma_wait3A_55 : memref<64xi32, #tpu.memory_space<hbm>>) dst(%arg5 : memref<64xi32, #tpu.memory_space<vmem>>)
        tpu.yield
      }) : () -> ()
      %dma_start3A = arith.constant 0 : i32
      %dma_start3A_44 = arith.constant 0 : i32
      %dma_start3A_45 = tpu.memref_slice %arg3[%dma_start3A, %dma_start3A_44] : memref<50265x512xf32, #tpu.memory_space<hbm>> -> memref<50265x512xf32, #tpu.memory_space<hbm>>
      tpu.enqueue_indirect_dma source(%dma_start3A_45 : memref<50265x512xf32, #tpu.memory_space<hbm>>) target(%arg6 : memref<64x512xf32, #tpu.memory_space<vmem>>) offsets(%arg5 : memref<64xi32, #tpu.memory_space<vmem>>) semaphore(%arg7 : memref<!tpu.dma_semaphore, #tpu.memory_space<semaphore_mem>>)
      %dma_wait3A = arith.constant 0 : i32
      %dma_wait3A_46 = arith.constant 0 : i32
      %dma_wait3A_47 = tpu.memref_slice %arg3[%dma_wait3A, %dma_wait3A_46] : memref<50265x512xf32, #tpu.memory_space<hbm>> -> memref<50265x512xf32, #tpu.memory_space<hbm>>
      tpu.wait_indirect_dma semaphore(%arg7 : memref<!tpu.dma_semaphore, #tpu.memory_space<semaphore_mem>>) src(%dma_wait3A_47 : memref<50265x512xf32, #tpu.memory_space<hbm>>) dst(%arg6 : memref<64x512xf32, #tpu.memory_space<vmem>>)
      "tpu.region"() ({
        %run_scoped3A = tpu.sem_alloc : memref<!tpu.dma_semaphore, #tpu.memory_space<semaphore_mem>>
        %dma_start3A_48 = arith.constant 0 : i32
        %dma_start3A_49 = tpu.memref_slice %arg4[%add3A_11, %dma_start3A_48] : memref<8192x512xf32, #tpu.memory_space<hbm>> -> memref<64x512xf32, #tpu.memory_space<hbm>>
        %dma_start3A_50 = arith.constant 0 : i32
        %dma_start3A_51 = tpu.memref_slice %arg4[%add3A_11, %dma_start3A_50] : memref<8192x512xf32, #tpu.memory_space<hbm>> -> memref<64x512xf32, #tpu.memory_space<hbm>>
        tpu.enqueue_dma source(%arg6 : memref<64x512xf32, #tpu.memory_space<vmem>>) target(%dma_start3A_51 : memref<64x512xf32, #tpu.memory_space<hbm>>) target_semaphore(%run_scoped3A : memref<!tpu.dma_semaphore, #tpu.memory_space<semaphore_mem>>)
        %dma_wait3A_52 = arith.constant 0 : i32
        %dma_wait3A_53 = tpu.memref_slice %arg4[%add3A_11, %dma_wait3A_52] : memref<8192x512xf32, #tpu.memory_space<hbm>> -> memref<64x512xf32, #tpu.memory_space<hbm>>
        %dma_wait3A_54 = arith.constant 0 : i32
        %dma_wait3A_55 = tpu.memref_slice %arg4[%add3A_11, %dma_wait3A_54] : memref<8192x512xf32, #tpu.memory_space<hbm>> -> memref<64x512xf32, #tpu.memory_space<hbm>>
        tpu.wait_dma2 semaphore(%run_scoped3A : memref<!tpu.dma_semaphore, #tpu.memory_space<semaphore_mem>>) src(%arg6 : memref<64x512xf32, #tpu.memory_space<vmem>>) dst(%dma_wait3A_55 : memref<64x512xf32, #tpu.memory_space<hbm>>)
        tpu.yield
      }) : () -> ()
    }
    %scan3A_7 = arith.constant 4 : i32
    return
  }
}

#map = affine_map<(d0, d1) -> (0, 0)>
module attributes {stable_mosaic.version = 14 : i64} {
  func.func @gather(%arg0: i32, %arg1: i32, %arg2: memref<64x512xi32, #tpu.memory_space<hbm>>, %arg3: memref<50265x512xf32, #tpu.memory_space<hbm>>, %arg4: memref<50265x128xf32, #tpu.memory_space<hbm>>, %arg5: memref<8192x512xf32, #tpu.memory_space<hbm>>, %arg6: memref<8192x128xf32, #tpu.memory_space<hbm>>, %arg7: memref<64xi32, #tpu.memory_space<vmem>>, %arg8: memref<64x512xf32, #tpu.memory_space<vmem>>, %arg9: memref<64x128xf32, #tpu.memory_space<vmem>>, %arg10: memref<!tpu.dma_semaphore, #tpu.memory_space<semaphore_mem>>, %arg11: memref<!tpu.dma_semaphore, #tpu.memory_space<semaphore_mem>>) attributes {dimension_semantics = [#tpu.dimension_semantics<core_parallel>, #tpu.dimension_semantics<subcore_parallel>], iteration_bounds = array<i64: 2, 16>, scalar_prefetch = 0 : i64, scratch_operands = 5 : i64, tpu.core_type = #tpu.core_type<sc_vector_subcore>, window_params = [{transform_indices = #map}, {transform_indices = #map}, {transform_indices = #map}, {transform_indices = #map}, {transform_indices = #map}]} {
    %mul3A = arith.constant 2 : i32
    %mul3A_0 = arith.muli %arg1, %mul3A : i32
    %add3A = arith.addi %mul3A_0, %arg0 : i32
    %mul3A_1 = arith.constant 256 : i32
    %mul3A_2 = arith.muli %add3A, %mul3A_1 : i32
    %scan3A = arith.constant 0 : i32
    %scan3A_3 = arith.constant 0 : i32
    %scan3A_4 = arith.constant 4 : i32
    %scan3A_5 = arith.addi %scan3A_3, %scan3A_4 : i32
    %scan3A_6 = arith.constant 1 : i32
    scf.for %scan3A_8 = %scan3A_3 to %scan3A_5 step %scan3A_6  : i32 {
      %mul3A_9 = arith.constant 64 : i32
      %mul3A_10 = arith.muli %scan3A_8, %mul3A_9 : i32
      %add3A_11 = arith.addi %mul3A_2, %mul3A_10 : i32
      %add3A_12 = arith.constant 8192 : i32
      %add3A_13 = arith.addi %add3A_12, %add3A_11 : i32
      %jit3A = arith.constant 512 : i32
      %div3A = arith.divsi %add3A_13, %jit3A : i32
      %sign3A = arith.constant 0 : i32
      %sign3A_14 = arith.cmpi sgt, %add3A_13, %sign3A : i32
      %sign3A_15 = arith.extui %sign3A_14 : i1 to i32
      %sign3A_16 = arith.constant 0 : i32
      %sign3A_17 = arith.cmpi slt, %add3A_13, %sign3A_16 : i32
      %sign3A_18 = arith.extui %sign3A_17 : i1 to i32
      %sign3A_19 = arith.subi %sign3A_15, %sign3A_18 : i32
      %sign3A_20 = arith.constant 0 : i32
      %sign3A_21 = arith.cmpi sgt, %jit3A, %sign3A_20 : i32
      %sign3A_22 = arith.extui %sign3A_21 : i1 to i32
      %sign3A_23 = arith.constant 0 : i32
      %sign3A_24 = arith.cmpi slt, %jit3A, %sign3A_23 : i32
      %sign3A_25 = arith.extui %sign3A_24 : i1 to i32
      %sign3A_26 = arith.subi %sign3A_22, %sign3A_25 : i32
      %ne3A = arith.cmpi ne, %sign3A_19, %sign3A_26 : i32
      %rem3A = arith.remsi %add3A_13, %jit3A : i32
      %ne3A_27 = arith.constant 0 : i32
      %ne3A_28 = arith.cmpi ne, %rem3A, %ne3A_27 : i32
      %and3A = arith.andi %ne3A, %ne3A_28 : i1
      %sub3A = arith.constant 1 : i32
      %sub3A_29 = arith.subi %div3A, %sub3A : i32
      %select_n3A = arith.select %and3A, %sub3A_29, %div3A : i32
      %jit3A_30 = arith.constant 512 : i32
      %eq3A = arith.constant 0 : i32
      %eq3A_31 = arith.cmpi eq, %jit3A_30, %eq3A : i32
      %jit3A_32 = arith.constant 1 : i32
      %select_n3A_33 = arith.select %eq3A_31, %jit3A_32, %jit3A_30 : i32
      %rem3A_34 = arith.remsi %add3A_13, %select_n3A_33 : i32
      %ne3A_35 = arith.constant 0 : i32
      %ne3A_36 = arith.cmpi ne, %rem3A_34, %ne3A_35 : i32
      %lt3A = arith.constant 0 : i32
      %lt3A_37 = arith.cmpi slt, %rem3A_34, %lt3A : i32
      %lt3A_38 = arith.constant 0 : i32
      %lt3A_39 = arith.cmpi slt, %select_n3A_33, %lt3A_38 : i32
      %ne3A_40 = arith.xori %lt3A_37, %lt3A_39 : i1
      %and3A_41 = arith.andi %ne3A_40, %ne3A_36 : i1
      %add3A_42 = arith.addi %rem3A_34, %select_n3A_33 : i32
      %select_n3A_43 = arith.select %and3A_41, %add3A_42, %rem3A_34 : i32
      "tpu.region"() ({
        %run_scoped3A = tpu.sem_alloc : memref<!tpu.dma_semaphore, #tpu.memory_space<semaphore_mem>>
        %dma_start3A_54 = tpu.memref_slice %arg2[%select_n3A, %select_n3A_43] : memref<64x512xi32, #tpu.memory_space<hbm>> -> memref<1x64xi32, #tpu.memory_space<hbm>>
        %dma_start3A_55 = tpu.memref_squeeze %dma_start3A_54 : memref<1x64xi32, #tpu.memory_space<hbm>> -> memref<64xi32, #tpu.memory_space<hbm>>
        %dma_start3A_56 = tpu.memref_slice %arg2[%select_n3A, %select_n3A_43] : memref<64x512xi32, #tpu.memory_space<hbm>> -> memref<1x64xi32, #tpu.memory_space<hbm>>
        %dma_start3A_57 = tpu.memref_squeeze %dma_start3A_56 : memref<1x64xi32, #tpu.memory_space<hbm>> -> memref<64xi32, #tpu.memory_space<hbm>>
        tpu.enqueue_dma source(%dma_start3A_57 : memref<64xi32, #tpu.memory_space<hbm>>) target(%arg7 : memref<64xi32, #tpu.memory_space<vmem>>) target_semaphore(%run_scoped3A : memref<!tpu.dma_semaphore, #tpu.memory_space<semaphore_mem>>)
        %dma_wait3A_58 = tpu.memref_slice %arg2[%select_n3A, %select_n3A_43] : memref<64x512xi32, #tpu.memory_space<hbm>> -> memref<1x64xi32, #tpu.memory_space<hbm>>
        %dma_wait3A_59 = tpu.memref_squeeze %dma_wait3A_58 : memref<1x64xi32, #tpu.memory_space<hbm>> -> memref<64xi32, #tpu.memory_space<hbm>>
        %dma_wait3A_60 = tpu.memref_slice %arg2[%select_n3A, %select_n3A_43] : memref<64x512xi32, #tpu.memory_space<hbm>> -> memref<1x64xi32, #tpu.memory_space<hbm>>
        %dma_wait3A_61 = tpu.memref_squeeze %dma_wait3A_60 : memref<1x64xi32, #tpu.memory_space<hbm>> -> memref<64xi32, #tpu.memory_space<hbm>>
        tpu.wait_dma2 semaphore(%run_scoped3A : memref<!tpu.dma_semaphore, #tpu.memory_space<semaphore_mem>>) src(%dma_wait3A_61 : memref<64xi32, #tpu.memory_space<hbm>>) dst(%arg7 : memref<64xi32, #tpu.memory_space<vmem>>)
        tpu.yield
      }) : () -> ()
      %dma_start3A = arith.constant 0 : i32
      %dma_start3A_44 = arith.constant 0 : i32
      %dma_start3A_45 = tpu.memref_slice %arg3[%dma_start3A, %dma_start3A_44] : memref<50265x512xf32, #tpu.memory_space<hbm>> -> memref<50265x512xf32, #tpu.memory_space<hbm>>
      tpu.enqueue_indirect_dma source(%dma_start3A_45 : memref<50265x512xf32, #tpu.memory_space<hbm>>) target(%arg8 : memref<64x512xf32, #tpu.memory_space<vmem>>) offsets(%arg7 : memref<64xi32, #tpu.memory_space<vmem>>) semaphore(%arg10 : memref<!tpu.dma_semaphore, #tpu.memory_space<semaphore_mem>>)
      %dma_start3A_46 = arith.constant 0 : i32
      %dma_start3A_47 = arith.constant 0 : i32
      %dma_start3A_48 = tpu.memref_slice %arg4[%dma_start3A_46, %dma_start3A_47] : memref<50265x128xf32, #tpu.memory_space<hbm>> -> memref<50265x128xf32, #tpu.memory_space<hbm>>
      tpu.enqueue_indirect_dma source(%dma_start3A_48 : memref<50265x128xf32, #tpu.memory_space<hbm>>) target(%arg9 : memref<64x128xf32, #tpu.memory_space<vmem>>) offsets(%arg7 : memref<64xi32, #tpu.memory_space<vmem>>) semaphore(%arg11 : memref<!tpu.dma_semaphore, #tpu.memory_space<semaphore_mem>>)
      %dma_wait3A = arith.constant 0 : i32
      %dma_wait3A_49 = arith.constant 0 : i32
      %dma_wait3A_50 = tpu.memref_slice %arg3[%dma_wait3A, %dma_wait3A_49] : memref<50265x512xf32, #tpu.memory_space<hbm>> -> memref<50265x512xf32, #tpu.memory_space<hbm>>
      tpu.wait_indirect_dma semaphore(%arg10 : memref<!tpu.dma_semaphore, #tpu.memory_space<semaphore_mem>>) src(%dma_wait3A_50 : memref<50265x512xf32, #tpu.memory_space<hbm>>) dst(%arg8 : memref<64x512xf32, #tpu.memory_space<vmem>>)
      %dma_wait3A_51 = arith.constant 0 : i32
      %dma_wait3A_52 = arith.constant 0 : i32
      %dma_wait3A_53 = tpu.memref_slice %arg4[%dma_wait3A_51, %dma_wait3A_52] : memref<50265x128xf32, #tpu.memory_space<hbm>> -> memref<50265x128xf32, #tpu.memory_space<hbm>>
      tpu.wait_indirect_dma semaphore(%arg11 : memref<!tpu.dma_semaphore, #tpu.memory_space<semaphore_mem>>) src(%dma_wait3A_53 : memref<50265x128xf32, #tpu.memory_space<hbm>>) dst(%arg9 : memref<64x128xf32, #tpu.memory_space<vmem>>)
      "tpu.region"() ({
        %run_scoped3A = tpu.sem_alloc : memref<!tpu.dma_semaphore, #tpu.memory_space<semaphore_mem>>
        %dma_start3A_54 = arith.constant 0 : i32
        %dma_start3A_55 = tpu.memref_slice %arg5[%add3A_11, %dma_start3A_54] : memref<8192x512xf32, #tpu.memory_space<hbm>> -> memref<64x512xf32, #tpu.memory_space<hbm>>
        %dma_start3A_56 = arith.constant 0 : i32
        %dma_start3A_57 = tpu.memref_slice %arg5[%add3A_11, %dma_start3A_56] : memref<8192x512xf32, #tpu.memory_space<hbm>> -> memref<64x512xf32, #tpu.memory_space<hbm>>
        tpu.enqueue_dma source(%arg8 : memref<64x512xf32, #tpu.memory_space<vmem>>) target(%dma_start3A_57 : memref<64x512xf32, #tpu.memory_space<hbm>>) target_semaphore(%run_scoped3A : memref<!tpu.dma_semaphore, #tpu.memory_space<semaphore_mem>>)
        %dma_wait3A_58 = arith.constant 0 : i32
        %dma_wait3A_59 = tpu.memref_slice %arg5[%add3A_11, %dma_wait3A_58] : memref<8192x512xf32, #tpu.memory_space<hbm>> -> memref<64x512xf32, #tpu.memory_space<hbm>>
        %dma_wait3A_60 = arith.constant 0 : i32
        %dma_wait3A_61 = tpu.memref_slice %arg5[%add3A_11, %dma_wait3A_60] : memref<8192x512xf32, #tpu.memory_space<hbm>> -> memref<64x512xf32, #tpu.memory_space<hbm>>
        tpu.wait_dma2 semaphore(%run_scoped3A : memref<!tpu.dma_semaphore, #tpu.memory_space<semaphore_mem>>) src(%arg8 : memref<64x512xf32, #tpu.memory_space<vmem>>) dst(%dma_wait3A_61 : memref<64x512xf32, #tpu.memory_space<hbm>>)
        tpu.yield
      }) : () -> ()
      "tpu.region"() ({
        %run_scoped3A = tpu.sem_alloc : memref<!tpu.dma_semaphore, #tpu.memory_space<semaphore_mem>>
        %dma_start3A_54 = arith.constant 0 : i32
        %dma_start3A_55 = tpu.memref_slice %arg6[%add3A_11, %dma_start3A_54] : memref<8192x128xf32, #tpu.memory_space<hbm>> -> memref<64x128xf32, #tpu.memory_space<hbm>>
        %dma_start3A_56 = arith.constant 0 : i32
        %dma_start3A_57 = tpu.memref_slice %arg6[%add3A_11, %dma_start3A_56] : memref<8192x128xf32, #tpu.memory_space<hbm>> -> memref<64x128xf32, #tpu.memory_space<hbm>>
        tpu.enqueue_dma source(%arg9 : memref<64x128xf32, #tpu.memory_space<vmem>>) target(%dma_start3A_57 : memref<64x128xf32, #tpu.memory_space<hbm>>) target_semaphore(%run_scoped3A : memref<!tpu.dma_semaphore, #tpu.memory_space<semaphore_mem>>)
        %dma_wait3A_58 = arith.constant 0 : i32
        %dma_wait3A_59 = tpu.memref_slice %arg6[%add3A_11, %dma_wait3A_58] : memref<8192x128xf32, #tpu.memory_space<hbm>> -> memref<64x128xf32, #tpu.memory_space<hbm>>
        %dma_wait3A_60 = arith.constant 0 : i32
        %dma_wait3A_61 = tpu.memref_slice %arg6[%add3A_11, %dma_wait3A_60] : memref<8192x128xf32, #tpu.memory_space<hbm>> -> memref<64x128xf32, #tpu.memory_space<hbm>>
        tpu.wait_dma2 semaphore(%run_scoped3A : memref<!tpu.dma_semaphore, #tpu.memory_space<semaphore_mem>>) src(%arg9 : memref<64x128xf32, #tpu.memory_space<vmem>>) dst(%dma_wait3A_61 : memref<64x128xf32, #tpu.memory_space<hbm>>)
        tpu.yield
      }) : () -> ()
    }
    %scan3A_7 = arith.constant 4 : i32
    return
  }
}

#map = affine_map<(d0, d1) -> (0, 0)>
module attributes {stable_mosaic.version = 14 : i64} {
  func.func @gather(%arg0: i32, %arg1: i32, %arg2: memref<64x512xi32, #tpu.memory_space<hbm>>, %arg3: memref<50265x128xf32, #tpu.memory_space<hbm>>, %arg4: memref<8192x128xf32, #tpu.memory_space<hbm>>, %arg5: memref<64xi32, #tpu.memory_space<vmem>>, %arg6: memref<64x128xf32, #tpu.memory_space<vmem>>, %arg7: memref<!tpu.dma_semaphore, #tpu.memory_space<semaphore_mem>>) attributes {dimension_semantics = [#tpu.dimension_semantics<core_parallel>, #tpu.dimension_semantics<subcore_parallel>], iteration_bounds = array<i64: 2, 16>, scalar_prefetch = 0 : i64, scratch_operands = 3 : i64, tpu.core_type = #tpu.core_type<sc_vector_subcore>, window_params = [{transform_indices = #map}, {transform_indices = #map}, {transform_indices = #map}]} {
    %mul3A = arith.constant 2 : i32
    %mul3A_0 = arith.muli %arg1, %mul3A : i32
    %add3A = arith.addi %mul3A_0, %arg0 : i32
    %mul3A_1 = arith.constant 256 : i32
    %mul3A_2 = arith.muli %add3A, %mul3A_1 : i32
    %scan3A = arith.constant 0 : i32
    %scan3A_3 = arith.constant 0 : i32
    %scan3A_4 = arith.constant 4 : i32
    %scan3A_5 = arith.addi %scan3A_3, %scan3A_4 : i32
    %scan3A_6 = arith.constant 1 : i32
    scf.for %scan3A_8 = %scan3A_3 to %scan3A_5 step %scan3A_6  : i32 {
      %mul3A_9 = arith.constant 64 : i32
      %mul3A_10 = arith.muli %scan3A_8, %mul3A_9 : i32
      %add3A_11 = arith.addi %mul3A_2, %mul3A_10 : i32
      %add3A_12 = arith.constant 0 : i32
      %add3A_13 = arith.addi %add3A_12, %add3A_11 : i32
      %jit3A = arith.constant 512 : i32
      %div3A = arith.divsi %add3A_13, %jit3A : i32
      %sign3A = arith.constant 0 : i32
      %sign3A_14 = arith.cmpi sgt, %add3A_13, %sign3A : i32
      %sign3A_15 = arith.extui %sign3A_14 : i1 to i32
      %sign3A_16 = arith.constant 0 : i32
      %sign3A_17 = arith.cmpi slt, %add3A_13, %sign3A_16 : i32
      %sign3A_18 = arith.extui %sign3A_17 : i1 to i32
      %sign3A_19 = arith.subi %sign3A_15, %sign3A_18 : i32
      %sign3A_20 = arith.constant 0 : i32
      %sign3A_21 = arith.cmpi sgt, %jit3A, %sign3A_20 : i32
      %sign3A_22 = arith.extui %sign3A_21 : i1 to i32
      %sign3A_23 = arith.constant 0 : i32
      %sign3A_24 = arith.cmpi slt, %jit3A, %sign3A_23 : i32
      %sign3A_25 = arith.extui %sign3A_24 : i1 to i32
      %sign3A_26 = arith.subi %sign3A_22, %sign3A_25 : i32
      %ne3A = arith.cmpi ne, %sign3A_19, %sign3A_26 : i32
      %rem3A = arith.remsi %add3A_13, %jit3A : i32
      %ne3A_27 = arith.constant 0 : i32
      %ne3A_28 = arith.cmpi ne, %rem3A, %ne3A_27 : i32
      %and3A = arith.andi %ne3A, %ne3A_28 : i1
      %sub3A = arith.constant 1 : i32
      %sub3A_29 = arith.subi %div3A, %sub3A : i32
      %select_n3A = arith.select %and3A, %sub3A_29, %div3A : i32
      %jit3A_30 = arith.constant 512 : i32
      %eq3A = arith.constant 0 : i32
      %eq3A_31 = arith.cmpi eq, %jit3A_30, %eq3A : i32
      %jit3A_32 = arith.constant 1 : i32
      %select_n3A_33 = arith.select %eq3A_31, %jit3A_32, %jit3A_30 : i32
      %rem3A_34 = arith.remsi %add3A_13, %select_n3A_33 : i32
      %ne3A_35 = arith.constant 0 : i32
      %ne3A_36 = arith.cmpi ne, %rem3A_34, %ne3A_35 : i32
      %lt3A = arith.constant 0 : i32
      %lt3A_37 = arith.cmpi slt, %rem3A_34, %lt3A : i32
      %lt3A_38 = arith.constant 0 : i32
      %lt3A_39 = arith.cmpi slt, %select_n3A_33, %lt3A_38 : i32
      %ne3A_40 = arith.xori %lt3A_37, %lt3A_39 : i1
      %and3A_41 = arith.andi %ne3A_40, %ne3A_36 : i1
      %add3A_42 = arith.addi %rem3A_34, %select_n3A_33 : i32
      %select_n3A_43 = arith.select %and3A_41, %add3A_42, %rem3A_34 : i32
      "tpu.region"() ({
        %run_scoped3A = tpu.sem_alloc : memref<!tpu.dma_semaphore, #tpu.memory_space<semaphore_mem>>
        %dma_start3A_48 = tpu.memref_slice %arg2[%select_n3A, %select_n3A_43] : memref<64x512xi32, #tpu.memory_space<hbm>> -> memref<1x64xi32, #tpu.memory_space<hbm>>
        %dma_start3A_49 = tpu.memref_squeeze %dma_start3A_48 : memref<1x64xi32, #tpu.memory_space<hbm>> -> memref<64xi32, #tpu.memory_space<hbm>>
        %dma_start3A_50 = tpu.memref_slice %arg2[%select_n3A, %select_n3A_43] : memref<64x512xi32, #tpu.memory_space<hbm>> -> memref<1x64xi32, #tpu.memory_space<hbm>>
        %dma_start3A_51 = tpu.memref_squeeze %dma_start3A_50 : memref<1x64xi32, #tpu.memory_space<hbm>> -> memref<64xi32, #tpu.memory_space<hbm>>
        tpu.enqueue_dma source(%dma_start3A_51 : memref<64xi32, #tpu.memory_space<hbm>>) target(%arg5 : memref<64xi32, #tpu.memory_space<vmem>>) target_semaphore(%run_scoped3A : memref<!tpu.dma_semaphore, #tpu.memory_space<semaphore_mem>>)
        %dma_wait3A_52 = tpu.memref_slice %arg2[%select_n3A, %select_n3A_43] : memref<64x512xi32, #tpu.memory_space<hbm>> -> memref<1x64xi32, #tpu.memory_space<hbm>>
        %dma_wait3A_53 = tpu.memref_squeeze %dma_wait3A_52 : memref<1x64xi32, #tpu.memory_space<hbm>> -> memref<64xi32, #tpu.memory_space<hbm>>
        %dma_wait3A_54 = tpu.memref_slice %arg2[%select_n3A, %select_n3A_43] : memref<64x512xi32, #tpu.memory_space<hbm>> -> memref<1x64xi32, #tpu.memory_space<hbm>>
        %dma_wait3A_55 = tpu.memref_squeeze %dma_wait3A_54 : memref<1x64xi32, #tpu.memory_space<hbm>> -> memref<64xi32, #tpu.memory_space<hbm>>
        tpu.wait_dma2 semaphore(%run_scoped3A : memref<!tpu.dma_semaphore, #tpu.memory_space<semaphore_mem>>) src(%dma_wait3A_55 : memref<64xi32, #tpu.memory_space<hbm>>) dst(%arg5 : memref<64xi32, #tpu.memory_space<vmem>>)
        tpu.yield
      }) : () -> ()
      %dma_start3A = arith.constant 0 : i32
      %dma_start3A_44 = arith.constant 0 : i32
      %dma_start3A_45 = tpu.memref_slice %arg3[%dma_start3A, %dma_start3A_44] : memref<50265x128xf32, #tpu.memory_space<hbm>> -> memref<50265x128xf32, #tpu.memory_space<hbm>>
      tpu.enqueue_indirect_dma source(%dma_start3A_45 : memref<50265x128xf32, #tpu.memory_space<hbm>>) target(%arg6 : memref<64x128xf32, #tpu.memory_space<vmem>>) offsets(%arg5 : memref<64xi32, #tpu.memory_space<vmem>>) semaphore(%arg7 : memref<!tpu.dma_semaphore, #tpu.memory_space<semaphore_mem>>)
      %dma_wait3A = arith.constant 0 : i32
      %dma_wait3A_46 = arith.constant 0 : i32
      %dma_wait3A_47 = tpu.memref_slice %arg3[%dma_wait3A, %dma_wait3A_46] : memref<50265x128xf32, #tpu.memory_space<hbm>> -> memref<50265x128xf32, #tpu.memory_space<hbm>>
      tpu.wait_indirect_dma semaphore(%arg7 : memref<!tpu.dma_semaphore, #tpu.memory_space<semaphore_mem>>) src(%dma_wait3A_47 : memref<50265x128xf32, #tpu.memory_space<hbm>>) dst(%arg6 : memref<64x128xf32, #tpu.memory_space<vmem>>)
      "tpu.region"() ({
        %run_scoped3A = tpu.sem_alloc : memref<!tpu.dma_semaphore, #tpu.memory_space<semaphore_mem>>
        %dma_start3A_48 = arith.constant 0 : i32
        %dma_start3A_49 = tpu.memref_slice %arg4[%add3A_11, %dma_start3A_48] : memref<8192x128xf32, #tpu.memory_space<hbm>> -> memref<64x128xf32, #tpu.memory_space<hbm>>
        %dma_start3A_50 = arith.constant 0 : i32
        %dma_start3A_51 = tpu.memref_slice %arg4[%add3A_11, %dma_start3A_50] : memref<8192x128xf32, #tpu.memory_space<hbm>> -> memref<64x128xf32, #tpu.memory_space<hbm>>
        tpu.enqueue_dma source(%arg6 : memref<64x128xf32, #tpu.memory_space<vmem>>) target(%dma_start3A_51 : memref<64x128xf32, #tpu.memory_space<hbm>>) target_semaphore(%run_scoped3A : memref<!tpu.dma_semaphore, #tpu.memory_space<semaphore_mem>>)
        %dma_wait3A_52 = arith.constant 0 : i32
        %dma_wait3A_53 = tpu.memref_slice %arg4[%add3A_11, %dma_wait3A_52] : memref<8192x128xf32, #tpu.memory_space<hbm>> -> memref<64x128xf32, #tpu.memory_space<hbm>>
        %dma_wait3A_54 = arith.constant 0 : i32
        %dma_wait3A_55 = tpu.memref_slice %arg4[%add3A_11, %dma_wait3A_54] : memref<8192x128xf32, #tpu.memory_space<hbm>> -> memref<64x128xf32, #tpu.memory_space<hbm>>
        tpu.wait_dma2 semaphore(%run_scoped3A : memref<!tpu.dma_semaphore, #tpu.memory_space<semaphore_mem>>) src(%arg6 : memref<64x128xf32, #tpu.memory_space<vmem>>) dst(%dma_wait3A_55 : memref<64x128xf32, #tpu.memory_space<hbm>>)
        tpu.yield
      }) : () -> ()
    }
    %scan3A_7 = arith.constant 4 : i32
    return
  }
}

#map = affine_map<(d0, d1) -> (0, 0)>
module attributes {stable_mosaic.version = 14 : i64} {
  func.func @gather(%arg0: i32, %arg1: i32, %arg2: memref<64x512xi32, #tpu.memory_space<hbm>>, %arg3: memref<50265x512xf32, #tpu.memory_space<hbm>>, %arg4: memref<50265x128xf32, #tpu.memory_space<hbm>>, %arg5: memref<8192x512xf32, #tpu.memory_space<hbm>>, %arg6: memref<8192x128xf32, #tpu.memory_space<hbm>>, %arg7: memref<64xi32, #tpu.memory_space<vmem>>, %arg8: memref<64x512xf32, #tpu.memory_space<vmem>>, %arg9: memref<64x128xf32, #tpu.memory_space<vmem>>, %arg10: memref<!tpu.dma_semaphore, #tpu.memory_space<semaphore_mem>>, %arg11: memref<!tpu.dma_semaphore, #tpu.memory_space<semaphore_mem>>) attributes {dimension_semantics = [#tpu.dimension_semantics<core_parallel>, #tpu.dimension_semantics<subcore_parallel>], iteration_bounds = array<i64: 2, 16>, scalar_prefetch = 0 : i64, scratch_operands = 5 : i64, tpu.core_type = #tpu.core_type<sc_vector_subcore>, window_params = [{transform_indices = #map}, {transform_indices = #map}, {transform_indices = #map}, {transform_indices = #map}, {transform_indices = #map}]} {
    %mul3A = arith.constant 2 : i32
    %mul3A_0 = arith.muli %arg1, %mul3A : i32
    %add3A = arith.addi %mul3A_0, %arg0 : i32
    %mul3A_1 = arith.constant 256 : i32
    %mul3A_2 = arith.muli %add3A, %mul3A_1 : i32
    %scan3A = arith.constant 0 : i32
    %scan3A_3 = arith.constant 0 : i32
    %scan3A_4 = arith.constant 4 : i32
    %scan3A_5 = arith.addi %scan3A_3, %scan3A_4 : i32
    %scan3A_6 = arith.constant 1 : i32
    scf.for %scan3A_8 = %scan3A_3 to %scan3A_5 step %scan3A_6  : i32 {
      %mul3A_9 = arith.constant 64 : i32
      %mul3A_10 = arith.muli %scan3A_8, %mul3A_9 : i32
      %add3A_11 = arith.addi %mul3A_2, %mul3A_10 : i32
      %add3A_12 = arith.constant 16384 : i32
      %add3A_13 = arith.addi %add3A_12, %add3A_11 : i32
      %jit3A = arith.constant 512 : i32
      %div3A = arith.divsi %add3A_13, %jit3A : i32
      %sign3A = arith.constant 0 : i32
      %sign3A_14 = arith.cmpi sgt, %add3A_13, %sign3A : i32
      %sign3A_15 = arith.extui %sign3A_14 : i1 to i32
      %sign3A_16 = arith.constant 0 : i32
      %sign3A_17 = arith.cmpi slt, %add3A_13, %sign3A_16 : i32
      %sign3A_18 = arith.extui %sign3A_17 : i1 to i32
      %sign3A_19 = arith.subi %sign3A_15, %sign3A_18 : i32
      %sign3A_20 = arith.constant 0 : i32
      %sign3A_21 = arith.cmpi sgt, %jit3A, %sign3A_20 : i32
      %sign3A_22 = arith.extui %sign3A_21 : i1 to i32
      %sign3A_23 = arith.constant 0 : i32
      %sign3A_24 = arith.cmpi slt, %jit3A, %sign3A_23 : i32
      %sign3A_25 = arith.extui %sign3A_24 : i1 to i32
      %sign3A_26 = arith.subi %sign3A_22, %sign3A_25 : i32
      %ne3A = arith.cmpi ne, %sign3A_19, %sign3A_26 : i32
      %rem3A = arith.remsi %add3A_13, %jit3A : i32
      %ne3A_27 = arith.constant 0 : i32
      %ne3A_28 = arith.cmpi ne, %rem3A, %ne3A_27 : i32
      %and3A = arith.andi %ne3A, %ne3A_28 : i1
      %sub3A = arith.constant 1 : i32
      %sub3A_29 = arith.subi %div3A, %sub3A : i32
      %select_n3A = arith.select %and3A, %sub3A_29, %div3A : i32
      %jit3A_30 = arith.constant 512 : i32
      %eq3A = arith.constant 0 : i32
      %eq3A_31 = arith.cmpi eq, %jit3A_30, %eq3A : i32
      %jit3A_32 = arith.constant 1 : i32
      %select_n3A_33 = arith.select %eq3A_31, %jit3A_32, %jit3A_30 : i32
      %rem3A_34 = arith.remsi %add3A_13, %select_n3A_33 : i32
      %ne3A_35 = arith.constant 0 : i32
      %ne3A_36 = arith.cmpi ne, %rem3A_34, %ne3A_35 : i32
      %lt3A = arith.constant 0 : i32
      %lt3A_37 = arith.cmpi slt, %rem3A_34, %lt3A : i32
      %lt3A_38 = arith.constant 0 : i32
      %lt3A_39 = arith.cmpi slt, %select_n3A_33, %lt3A_38 : i32
      %ne3A_40 = arith.xori %lt3A_37, %lt3A_39 : i1
      %and3A_41 = arith.andi %ne3A_40, %ne3A_36 : i1
      %add3A_42 = arith.addi %rem3A_34, %select_n3A_33 : i32
      %select_n3A_43 = arith.select %and3A_41, %add3A_42, %rem3A_34 : i32
      "tpu.region"() ({
        %run_scoped3A = tpu.sem_alloc : memref<!tpu.dma_semaphore, #tpu.memory_space<semaphore_mem>>
        %dma_start3A_54 = tpu.memref_slice %arg2[%select_n3A, %select_n3A_43] : memref<64x512xi32, #tpu.memory_space<hbm>> -> memref<1x64xi32, #tpu.memory_space<hbm>>
        %dma_start3A_55 = tpu.memref_squeeze %dma_start3A_54 : memref<1x64xi32, #tpu.memory_space<hbm>> -> memref<64xi32, #tpu.memory_space<hbm>>
        %dma_start3A_56 = tpu.memref_slice %arg2[%select_n3A, %select_n3A_43] : memref<64x512xi32, #tpu.memory_space<hbm>> -> memref<1x64xi32, #tpu.memory_space<hbm>>
        %dma_start3A_57 = tpu.memref_squeeze %dma_start3A_56 : memref<1x64xi32, #tpu.memory_space<hbm>> -> memref<64xi32, #tpu.memory_space<hbm>>
        tpu.enqueue_dma source(%dma_start3A_57 : memref<64xi32, #tpu.memory_space<hbm>>) target(%arg7 : memref<64xi32, #tpu.memory_space<vmem>>) target_semaphore(%run_scoped3A : memref<!tpu.dma_semaphore, #tpu.memory_space<semaphore_mem>>)
        %dma_wait3A_58 = tpu.memref_slice %arg2[%select_n3A, %select_n3A_43] : memref<64x512xi32, #tpu.memory_space<hbm>> -> memref<1x64xi32, #tpu.memory_space<hbm>>
        %dma_wait3A_59 = tpu.memref_squeeze %dma_wait3A_58 : memref<1x64xi32, #tpu.memory_space<hbm>> -> memref<64xi32, #tpu.memory_space<hbm>>
        %dma_wait3A_60 = tpu.memref_slice %arg2[%select_n3A, %select_n3A_43] : memref<64x512xi32, #tpu.memory_space<hbm>> -> memref<1x64xi32, #tpu.memory_space<hbm>>
        %dma_wait3A_61 = tpu.memref_squeeze %dma_wait3A_60 : memref<1x64xi32, #tpu.memory_space<hbm>> -> memref<64xi32, #tpu.memory_space<hbm>>
        tpu.wait_dma2 semaphore(%run_scoped3A : memref<!tpu.dma_semaphore, #tpu.memory_space<semaphore_mem>>) src(%dma_wait3A_61 : memref<64xi32, #tpu.memory_space<hbm>>) dst(%arg7 : memref<64xi32, #tpu.memory_space<vmem>>)
        tpu.yield
      }) : () -> ()
      %dma_start3A = arith.constant 0 : i32
      %dma_start3A_44 = arith.constant 0 : i32
      %dma_start3A_45 = tpu.memref_slice %arg3[%dma_start3A, %dma_start3A_44] : memref<50265x512xf32, #tpu.memory_space<hbm>> -> memref<50265x512xf32, #tpu.memory_space<hbm>>
      tpu.enqueue_indirect_dma source(%dma_start3A_45 : memref<50265x512xf32, #tpu.memory_space<hbm>>) target(%arg8 : memref<64x512xf32, #tpu.memory_space<vmem>>) offsets(%arg7 : memref<64xi32, #tpu.memory_space<vmem>>) semaphore(%arg10 : memref<!tpu.dma_semaphore, #tpu.memory_space<semaphore_mem>>)
      %dma_start3A_46 = arith.constant 0 : i32
      %dma_start3A_47 = arith.constant 0 : i32
      %dma_start3A_48 = tpu.memref_slice %arg4[%dma_start3A_46, %dma_start3A_47] : memref<50265x128xf32, #tpu.memory_space<hbm>> -> memref<50265x128xf32, #tpu.memory_space<hbm>>
      tpu.enqueue_indirect_dma source(%dma_start3A_48 : memref<50265x128xf32, #tpu.memory_space<hbm>>) target(%arg9 : memref<64x128xf32, #tpu.memory_space<vmem>>) offsets(%arg7 : memref<64xi32, #tpu.memory_space<vmem>>) semaphore(%arg11 : memref<!tpu.dma_semaphore, #tpu.memory_space<semaphore_mem>>)
      %dma_wait3A = arith.constant 0 : i32
      %dma_wait3A_49 = arith.constant 0 : i32
      %dma_wait3A_50 = tpu.memref_slice %arg3[%dma_wait3A, %dma_wait3A_49] : memref<50265x512xf32, #tpu.memory_space<hbm>> -> memref<50265x512xf32, #tpu.memory_space<hbm>>
      tpu.wait_indirect_dma semaphore(%arg10 : memref<!tpu.dma_semaphore, #tpu.memory_space<semaphore_mem>>) src(%dma_wait3A_50 : memref<50265x512xf32, #tpu.memory_space<hbm>>) dst(%arg8 : memref<64x512xf32, #tpu.memory_space<vmem>>)
      %dma_wait3A_51 = arith.constant 0 : i32
      %dma_wait3A_52 = arith.constant 0 : i32
      %dma_wait3A_53 = tpu.memref_slice %arg4[%dma_wait3A_51, %dma_wait3A_52] : memref<50265x128xf32, #tpu.memory_space<hbm>> -> memref<50265x128xf32, #tpu.memory_space<hbm>>
      tpu.wait_indirect_dma semaphore(%arg11 : memref<!tpu.dma_semaphore, #tpu.memory_space<semaphore_mem>>) src(%dma_wait3A_53 : memref<50265x128xf32, #tpu.memory_space<hbm>>) dst(%arg9 : memref<64x128xf32, #tpu.memory_space<vmem>>)
      "tpu.region"() ({
        %run_scoped3A = tpu.sem_alloc : memref<!tpu.dma_semaphore, #tpu.memory_space<semaphore_mem>>
        %dma_start3A_54 = arith.constant 0 : i32
        %dma_start3A_55 = tpu.memref_slice %arg5[%add3A_11, %dma_start3A_54] : memref<8192x512xf32, #tpu.memory_space<hbm>> -> memref<64x512xf32, #tpu.memory_space<hbm>>
        %dma_start3A_56 = arith.constant 0 : i32
        %dma_start3A_57 = tpu.memref_slice %arg5[%add3A_11, %dma_start3A_56] : memref<8192x512xf32, #tpu.memory_space<hbm>> -> memref<64x512xf32, #tpu.memory_space<hbm>>
        tpu.enqueue_dma source(%arg8 : memref<64x512xf32, #tpu.memory_space<vmem>>) target(%dma_start3A_57 : memref<64x512xf32, #tpu.memory_space<hbm>>) target_semaphore(%run_scoped3A : memref<!tpu.dma_semaphore, #tpu.memory_space<semaphore_mem>>)
        %dma_wait3A_58 = arith.constant 0 : i32
        %dma_wait3A_59 = tpu.memref_slice %arg5[%add3A_11, %dma_wait3A_58] : memref<8192x512xf32, #tpu.memory_space<hbm>> -> memref<64x512xf32, #tpu.memory_space<hbm>>
        %dma_wait3A_60 = arith.constant 0 : i32
        %dma_wait3A_61 = tpu.memref_slice %arg5[%add3A_11, %dma_wait3A_60] : memref<8192x512xf32, #tpu.memory_space<hbm>> -> memref<64x512xf32, #tpu.memory_space<hbm>>
        tpu.wait_dma2 semaphore(%run_scoped3A : memref<!tpu.dma_semaphore, #tpu.memory_space<semaphore_mem>>) src(%arg8 : memref<64x512xf32, #tpu.memory_space<vmem>>) dst(%dma_wait3A_61 : memref<64x512xf32, #tpu.memory_space<hbm>>)
        tpu.yield
      }) : () -> ()
      "tpu.region"() ({
        %run_scoped3A = tpu.sem_alloc : memref<!tpu.dma_semaphore, #tpu.memory_space<semaphore_mem>>
        %dma_start3A_54 = arith.constant 0 : i32
        %dma_start3A_55 = tpu.memref_slice %arg6[%add3A_11, %dma_start3A_54] : memref<8192x128xf32, #tpu.memory_space<hbm>> -> memref<64x128xf32, #tpu.memory_space<hbm>>
        %dma_start3A_56 = arith.constant 0 : i32
        %dma_start3A_57 = tpu.memref_slice %arg6[%add3A_11, %dma_start3A_56] : memref<8192x128xf32, #tpu.memory_space<hbm>> -> memref<64x128xf32, #tpu.memory_space<hbm>>
        tpu.enqueue_dma source(%arg9 : memref<64x128xf32, #tpu.memory_space<vmem>>) target(%dma_start3A_57 : memref<64x128xf32, #tpu.memory_space<hbm>>) target_semaphore(%run_scoped3A : memref<!tpu.dma_semaphore, #tpu.memory_space<semaphore_mem>>)
        %dma_wait3A_58 = arith.constant 0 : i32
        %dma_wait3A_59 = tpu.memref_slice %arg6[%add3A_11, %dma_wait3A_58] : memref<8192x128xf32, #tpu.memory_space<hbm>> -> memref<64x128xf32, #tpu.memory_space<hbm>>
        %dma_wait3A_60 = arith.constant 0 : i32
        %dma_wait3A_61 = tpu.memref_slice %arg6[%add3A_11, %dma_wait3A_60] : memref<8192x128xf32, #tpu.memory_space<hbm>> -> memref<64x128xf32, #tpu.memory_space<hbm>>
        tpu.wait_dma2 semaphore(%run_scoped3A : memref<!tpu.dma_semaphore, #tpu.memory_space<semaphore_mem>>) src(%arg9 : memref<64x128xf32, #tpu.memory_space<vmem>>) dst(%dma_wait3A_61 : memref<64x128xf32, #tpu.memory_space<hbm>>)
        tpu.yield
      }) : () -> ()
    }
    %scan3A_7 = arith.constant 4 : i32
    return
  }
}

#map = affine_map<(d0, d1) -> (0, 0)>
module attributes {stable_mosaic.version = 14 : i64} {
  func.func @gather(%arg0: i32, %arg1: i32, %arg2: memref<64x512xi32, #tpu.memory_space<hbm>>, %arg3: memref<50265x512xf32, #tpu.memory_space<hbm>>, %arg4: memref<50265x128xf32, #tpu.memory_space<hbm>>, %arg5: memref<8192x512xf32, #tpu.memory_space<hbm>>, %arg6: memref<8192x128xf32, #tpu.memory_space<hbm>>, %arg7: memref<64xi32, #tpu.memory_space<vmem>>, %arg8: memref<64x512xf32, #tpu.memory_space<vmem>>, %arg9: memref<64x128xf32, #tpu.memory_space<vmem>>, %arg10: memref<!tpu.dma_semaphore, #tpu.memory_space<semaphore_mem>>, %arg11: memref<!tpu.dma_semaphore, #tpu.memory_space<semaphore_mem>>) attributes {dimension_semantics = [#tpu.dimension_semantics<core_parallel>, #tpu.dimension_semantics<subcore_parallel>], iteration_bounds = array<i64: 2, 16>, scalar_prefetch = 0 : i64, scratch_operands = 5 : i64, tpu.core_type = #tpu.core_type<sc_vector_subcore>, window_params = [{transform_indices = #map}, {transform_indices = #map}, {transform_indices = #map}, {transform_indices = #map}, {transform_indices = #map}]} {
    %mul3A = arith.constant 2 : i32
    %mul3A_0 = arith.muli %arg1, %mul3A : i32
    %add3A = arith.addi %mul3A_0, %arg0 : i32
    %mul3A_1 = arith.constant 256 : i32
    %mul3A_2 = arith.muli %add3A, %mul3A_1 : i32
    %scan3A = arith.constant 0 : i32
    %scan3A_3 = arith.constant 0 : i32
    %scan3A_4 = arith.constant 4 : i32
    %scan3A_5 = arith.addi %scan3A_3, %scan3A_4 : i32
    %scan3A_6 = arith.constant 1 : i32
    scf.for %scan3A_8 = %scan3A_3 to %scan3A_5 step %scan3A_6  : i32 {
      %mul3A_9 = arith.constant 64 : i32
      %mul3A_10 = arith.muli %scan3A_8, %mul3A_9 : i32
      %add3A_11 = arith.addi %mul3A_2, %mul3A_10 : i32
      %add3A_12 = arith.constant 24576 : i32
      %add3A_13 = arith.addi %add3A_12, %add3A_11 : i32
      %jit3A = arith.constant 512 : i32
      %div3A = arith.divsi %add3A_13, %jit3A : i32
      %sign3A = arith.constant 0 : i32
      %sign3A_14 = arith.cmpi sgt, %add3A_13, %sign3A : i32
      %sign3A_15 = arith.extui %sign3A_14 : i1 to i32
      %sign3A_16 = arith.constant 0 : i32
      %sign3A_17 = arith.cmpi slt, %add3A_13, %sign3A_16 : i32
      %sign3A_18 = arith.extui %sign3A_17 : i1 to i32
      %sign3A_19 = arith.subi %sign3A_15, %sign3A_18 : i32
      %sign3A_20 = arith.constant 0 : i32
      %sign3A_21 = arith.cmpi sgt, %jit3A, %sign3A_20 : i32
      %sign3A_22 = arith.extui %sign3A_21 : i1 to i32
      %sign3A_23 = arith.constant 0 : i32
      %sign3A_24 = arith.cmpi slt, %jit3A, %sign3A_23 : i32
      %sign3A_25 = arith.extui %sign3A_24 : i1 to i32
      %sign3A_26 = arith.subi %sign3A_22, %sign3A_25 : i32
      %ne3A = arith.cmpi ne, %sign3A_19, %sign3A_26 : i32
      %rem3A = arith.remsi %add3A_13, %jit3A : i32
      %ne3A_27 = arith.constant 0 : i32
      %ne3A_28 = arith.cmpi ne, %rem3A, %ne3A_27 : i32
      %and3A = arith.andi %ne3A, %ne3A_28 : i1
      %sub3A = arith.constant 1 : i32
      %sub3A_29 = arith.subi %div3A, %sub3A : i32
      %select_n3A = arith.select %and3A, %sub3A_29, %div3A : i32
      %jit3A_30 = arith.constant 512 : i32
      %eq3A = arith.constant 0 : i32
      %eq3A_31 = arith.cmpi eq, %jit3A_30, %eq3A : i32
      %jit3A_32 = arith.constant 1 : i32
      %select_n3A_33 = arith.select %eq3A_31, %jit3A_32, %jit3A_30 : i32
      %rem3A_34 = arith.remsi %add3A_13, %select_n3A_33 : i32
      %ne3A_35 = arith.constant 0 : i32
      %ne3A_36 = arith.cmpi ne, %rem3A_34, %ne3A_35 : i32
      %lt3A = arith.constant 0 : i32
      %lt3A_37 = arith.cmpi slt, %rem3A_34, %lt3A : i32
      %lt3A_38 = arith.constant 0 : i32
      %lt3A_39 = arith.cmpi slt, %select_n3A_33, %lt3A_38 : i32
      %ne3A_40 = arith.xori %lt3A_37, %lt3A_39 : i1
      %and3A_41 = arith.andi %ne3A_40, %ne3A_36 : i1
      %add3A_42 = arith.addi %rem3A_34, %select_n3A_33 : i32
      %select_n3A_43 = arith.select %and3A_41, %add3A_42, %rem3A_34 : i32
      "tpu.region"() ({
        %run_scoped3A = tpu.sem_alloc : memref<!tpu.dma_semaphore, #tpu.memory_space<semaphore_mem>>
        %dma_start3A_54 = tpu.memref_slice %arg2[%select_n3A, %select_n3A_43] : memref<64x512xi32, #tpu.memory_space<hbm>> -> memref<1x64xi32, #tpu.memory_space<hbm>>
        %dma_start3A_55 = tpu.memref_squeeze %dma_start3A_54 : memref<1x64xi32, #tpu.memory_space<hbm>> -> memref<64xi32, #tpu.memory_space<hbm>>
        %dma_start3A_56 = tpu.memref_slice %arg2[%select_n3A, %select_n3A_43] : memref<64x512xi32, #tpu.memory_space<hbm>> -> memref<1x64xi32, #tpu.memory_space<hbm>>
        %dma_start3A_57 = tpu.memref_squeeze %dma_start3A_56 : memref<1x64xi32, #tpu.memory_space<hbm>> -> memref<64xi32, #tpu.memory_space<hbm>>
        tpu.enqueue_dma source(%dma_start3A_57 : memref<64xi32, #tpu.memory_space<hbm>>) target(%arg7 : memref<64xi32, #tpu.memory_space<vmem>>) target_semaphore(%run_scoped3A : memref<!tpu.dma_semaphore, #tpu.memory_space<semaphore_mem>>)
        %dma_wait3A_58 = tpu.memref_slice %arg2[%select_n3A, %select_n3A_43] : memref<64x512xi32, #tpu.memory_space<hbm>> -> memref<1x64xi32, #tpu.memory_space<hbm>>
        %dma_wait3A_59 = tpu.memref_squeeze %dma_wait3A_58 : memref<1x64xi32, #tpu.memory_space<hbm>> -> memref<64xi32, #tpu.memory_space<hbm>>
        %dma_wait3A_60 = tpu.memref_slice %arg2[%select_n3A, %select_n3A_43] : memref<64x512xi32, #tpu.memory_space<hbm>> -> memref<1x64xi32, #tpu.memory_space<hbm>>
        %dma_wait3A_61 = tpu.memref_squeeze %dma_wait3A_60 : memref<1x64xi32, #tpu.memory_space<hbm>> -> memref<64xi32, #tpu.memory_space<hbm>>
        tpu.wait_dma2 semaphore(%run_scoped3A : memref<!tpu.dma_semaphore, #tpu.memory_space<semaphore_mem>>) src(%dma_wait3A_61 : memref<64xi32, #tpu.memory_space<hbm>>) dst(%arg7 : memref<64xi32, #tpu.memory_space<vmem>>)
        tpu.yield
      }) : () -> ()
      %dma_start3A = arith.constant 0 : i32
      %dma_start3A_44 = arith.constant 0 : i32
      %dma_start3A_45 = tpu.memref_slice %arg3[%dma_start3A, %dma_start3A_44] : memref<50265x512xf32, #tpu.memory_space<hbm>> -> memref<50265x512xf32, #tpu.memory_space<hbm>>
      tpu.enqueue_indirect_dma source(%dma_start3A_45 : memref<50265x512xf32, #tpu.memory_space<hbm>>) target(%arg8 : memref<64x512xf32, #tpu.memory_space<vmem>>) offsets(%arg7 : memref<64xi32, #tpu.memory_space<vmem>>) semaphore(%arg10 : memref<!tpu.dma_semaphore, #tpu.memory_space<semaphore_mem>>)
      %dma_start3A_46 = arith.constant 0 : i32
      %dma_start3A_47 = arith.constant 0 : i32
      %dma_start3A_48 = tpu.memref_slice %arg4[%dma_start3A_46, %dma_start3A_47] : memref<50265x128xf32, #tpu.memory_space<hbm>> -> memref<50265x128xf32, #tpu.memory_space<hbm>>
      tpu.enqueue_indirect_dma source(%dma_start3A_48 : memref<50265x128xf32, #tpu.memory_space<hbm>>) target(%arg9 : memref<64x128xf32, #tpu.memory_space<vmem>>) offsets(%arg7 : memref<64xi32, #tpu.memory_space<vmem>>) semaphore(%arg11 : memref<!tpu.dma_semaphore, #tpu.memory_space<semaphore_mem>>)
      %dma_wait3A = arith.constant 0 : i32
      %dma_wait3A_49 = arith.constant 0 : i32
      %dma_wait3A_50 = tpu.memref_slice %arg3[%dma_wait3A, %dma_wait3A_49] : memref<50265x512xf32, #tpu.memory_space<hbm>> -> memref<50265x512xf32, #tpu.memory_space<hbm>>
      tpu.wait_indirect_dma semaphore(%arg10 : memref<!tpu.dma_semaphore, #tpu.memory_space<semaphore_mem>>) src(%dma_wait3A_50 : memref<50265x512xf32, #tpu.memory_space<hbm>>) dst(%arg8 : memref<64x512xf32, #tpu.memory_space<vmem>>)
      %dma_wait3A_51 = arith.constant 0 : i32
      %dma_wait3A_52 = arith.constant 0 : i32
      %dma_wait3A_53 = tpu.memref_slice %arg4[%dma_wait3A_51, %dma_wait3A_52] : memref<50265x128xf32, #tpu.memory_space<hbm>> -> memref<50265x128xf32, #tpu.memory_space<hbm>>
      tpu.wait_indirect_dma semaphore(%arg11 : memref<!tpu.dma_semaphore, #tpu.memory_space<semaphore_mem>>) src(%dma_wait3A_53 : memref<50265x128xf32, #tpu.memory_space<hbm>>) dst(%arg9 : memref<64x128xf32, #tpu.memory_space<vmem>>)
      "tpu.region"() ({
        %run_scoped3A = tpu.sem_alloc : memref<!tpu.dma_semaphore, #tpu.memory_space<semaphore_mem>>
        %dma_start3A_54 = arith.constant 0 : i32
        %dma_start3A_55 = tpu.memref_slice %arg5[%add3A_11, %dma_start3A_54] : memref<8192x512xf32, #tpu.memory_space<hbm>> -> memref<64x512xf32, #tpu.memory_space<hbm>>
        %dma_start3A_56 = arith.constant 0 : i32
        %dma_start3A_57 = tpu.memref_slice %arg5[%add3A_11, %dma_start3A_56] : memref<8192x512xf32, #tpu.memory_space<hbm>> -> memref<64x512xf32, #tpu.memory_space<hbm>>
        tpu.enqueue_dma source(%arg8 : memref<64x512xf32, #tpu.memory_space<vmem>>) target(%dma_start3A_57 : memref<64x512xf32, #tpu.memory_space<hbm>>) target_semaphore(%run_scoped3A : memref<!tpu.dma_semaphore, #tpu.memory_space<semaphore_mem>>)
        %dma_wait3A_58 = arith.constant 0 : i32
        %dma_wait3A_59 = tpu.memref_slice %arg5[%add3A_11, %dma_wait3A_58] : memref<8192x512xf32, #tpu.memory_space<hbm>> -> memref<64x512xf32, #tpu.memory_space<hbm>>
        %dma_wait3A_60 = arith.constant 0 : i32
        %dma_wait3A_61 = tpu.memref_slice %arg5[%add3A_11, %dma_wait3A_60] : memref<8192x512xf32, #tpu.memory_space<hbm>> -> memref<64x512xf32, #tpu.memory_space<hbm>>
        tpu.wait_dma2 semaphore(%run_scoped3A : memref<!tpu.dma_semaphore, #tpu.memory_space<semaphore_mem>>) src(%arg8 : memref<64x512xf32, #tpu.memory_space<vmem>>) dst(%dma_wait3A_61 : memref<64x512xf32, #tpu.memory_space<hbm>>)
        tpu.yield
      }) : () -> ()
      "tpu.region"() ({
        %run_scoped3A = tpu.sem_alloc : memref<!tpu.dma_semaphore, #tpu.memory_space<semaphore_mem>>
        %dma_start3A_54 = arith.constant 0 : i32
        %dma_start3A_55 = tpu.memref_slice %arg6[%add3A_11, %dma_start3A_54] : memref<8192x128xf32, #tpu.memory_space<hbm>> -> memref<64x128xf32, #tpu.memory_space<hbm>>
        %dma_start3A_56 = arith.constant 0 : i32
        %dma_start3A_57 = tpu.memref_slice %arg6[%add3A_11, %dma_start3A_56] : memref<8192x128xf32, #tpu.memory_space<hbm>> -> memref<64x128xf32, #tpu.memory_space<hbm>>
        tpu.enqueue_dma source(%arg9 : memref<64x128xf32, #tpu.memory_space<vmem>>) target(%dma_start3A_57 : memref<64x128xf32, #tpu.memory_space<hbm>>) target_semaphore(%run_scoped3A : memref<!tpu.dma_semaphore, #tpu.memory_space<semaphore_mem>>)
        %dma_wait3A_58 = arith.constant 0 : i32
        %dma_wait3A_59 = tpu.memref_slice %arg6[%add3A_11, %dma_wait3A_58] : memref<8192x128xf32, #tpu.memory_space<hbm>> -> memref<64x128xf32, #tpu.memory_space<hbm>>
        %dma_wait3A_60 = arith.constant 0 : i32
        %dma_wait3A_61 = tpu.memref_slice %arg6[%add3A_11, %dma_wait3A_60] : memref<8192x128xf32, #tpu.memory_space<hbm>> -> memref<64x128xf32, #tpu.memory_space<hbm>>
        tpu.wait_dma2 semaphore(%run_scoped3A : memref<!tpu.dma_semaphore, #tpu.memory_space<semaphore_mem>>) src(%arg9 : memref<64x128xf32, #tpu.memory_space<vmem>>) dst(%dma_wait3A_61 : memref<64x128xf32, #tpu.memory_space<hbm>>)
        tpu.yield
      }) : () -> ()
    }
    %scan3A_7 = arith.constant 4 : i32
    return
  }
}

module attributes {stable_mosaic.version = 14 : i64} {
  func.func @_tc_body_chain(%arg0: i32, %arg1: memref<64x512x512xf32, #tpu.memory_space<any>>, %arg2: memref<1024x512xf32, #tpu.memory_space<vmem>>, %arg3: memref<1024x128xf32, #tpu.memory_space<vmem>>, %arg4: memref<512x512xf32, #tpu.memory_space<vmem>>, %arg5: memref<16x256xf32, #tpu.memory_space<vmem>>, %arg6: memref<256x256xf32, #tpu.memory_space<vmem>>, %arg7: memref<1x256xf32, #tpu.memory_space<vmem>>, %arg8: memref<1x512xf32, #tpu.memory_space<vmem>>, %arg9: memref<1x512xf32, #tpu.memory_space<vmem>>, %arg10: memref<1x224xf32, #tpu.memory_space<vmem>>, %arg11: memref<128x224xf32, #tpu.memory_space<vmem>>, %arg12: memref<1x128xf32, #tpu.memory_space<vmem>>, %arg13: memref<1x128xf32, #tpu.memory_space<vmem>>, %arg14: memref<1x128xf32, #tpu.memory_space<vmem>>, %arg15: memref<512x896xf32, #tpu.memory_space<vmem>>, %arg16: memref<1x512xf32, #tpu.memory_space<vmem>>, %arg17: memref<1x512xf32, #tpu.memory_space<vmem>>, %arg18: memref<1x512xf32, #tpu.memory_space<vmem>>, %arg19: memref<2x512x512xf32, #tpu.memory_space<vmem>>) attributes {dimension_semantics = [#tpu.dimension_semantics<arbitrary>], iteration_bounds = array<i64: 8>, scalar_prefetch = 0 : i64, scratch_operands = 0 : i64, tpu.core_type = #tpu.core_type<tc>, window_params = [{}, {transform_indices = @transform_1, window_bounds = array<i64: 1024, 512>}, {transform_indices = @transform_2, window_bounds = array<i64: 1024, 128>}, {pipeline_mode = #tpu.pipeline_mode<synchronous>, transform_indices = @transform_3, window_bounds = array<i64: 512, 512>}, {pipeline_mode = #tpu.pipeline_mode<synchronous>, transform_indices = @transform_4, window_bounds = array<i64: 16, 256>}, {pipeline_mode = #tpu.pipeline_mode<synchronous>, transform_indices = @transform_5, window_bounds = array<i64: 256, 256>}, {pipeline_mode = #tpu.pipeline_mode<synchronous>, transform_indices = @transform_6, window_bounds = array<i64: 1, 256>}, {pipeline_mode = #tpu.pipeline_mode<synchronous>, transform_indices = @transform_7, window_bounds = array<i64: 1, 512>}, {pipeline_mode = #tpu.pipeline_mode<synchronous>, transform_indices = @transform_8, window_bounds = array<i64: 1, 512>}, {pipeline_mode = #tpu.pipeline_mode<synchronous>, transform_indices = @transform_9, window_bounds = array<i64: 1, 224>}, {pipeline_mode = #tpu.pipeline_mode<synchronous>, transform_indices = @transform_10, window_bounds = array<i64: 128, 224>}, {pipeline_mode = #tpu.pipeline_mode<synchronous>, transform_indices = @transform_11, window_bounds = array<i64: 1, 128>}, {pipeline_mode = #tpu.pipeline_mode<synchronous>, transform_indices = @transform_12, window_bounds = array<i64: 1, 128>}, {pipeline_mode = #tpu.pipeline_mode<synchronous>, transform_indices = @transform_13, window_bounds = array<i64: 1, 128>}, {pipeline_mode = #tpu.pipeline_mode<synchronous>, transform_indices = @transform_14, window_bounds = array<i64: 512, 896>}, {pipeline_mode = #tpu.pipeline_mode<synchronous>, transform_indices = @transform_15, window_bounds = array<i64: 1, 512>}, {pipeline_mode = #tpu.pipeline_mode<synchronous>, transform_indices = @transform_16, window_bounds = array<i64: 1, 512>}, {pipeline_mode = #tpu.pipeline_mode<synchronous>, transform_indices = @transform_17, window_bounds = array<i64: 1, 512>}, {transform_indices = @transform_18, window_bounds = array<i64: 2, 512, 512>}]} {
    %broadcast_in_dim3A = arith.constant 1.000000e+00 : f32
    %broadcast_in_dim3A_0 = vector.broadcast %broadcast_in_dim3A : f32 to vector<512x1xf32>
    %get3A = arith.constant 0 : index
    %get3A_1 = arith.constant 0 : index
    %get3A_2 = vector.load %arg4[%get3A, %get3A_1] : memref<512x512xf32, #tpu.memory_space<vmem>>, vector<512x512xf32>
    %get3A_3 = arith.constant 0 : index
    %get3A_4 = arith.constant 0 : index
    %get3A_5 = vector.load %arg2[%get3A_3, %get3A_4] : memref<1024x512xf32, #tpu.memory_space<vmem>>, vector<1024x512xf32>
    %concatenate3A = tpu.concatenate %get3A_2, %get3A_2 in 0 : vector<512x512xf32>, vector<512x512xf32> -> vector<1024x512xf32>
    %add3A = arith.addf %get3A_5, %concatenate3A : vector<1024x512xf32>
    %dot_general3A = arith.constant dense<0.000000e+00> : vector<1024x1xf32>
    %dot_general3A_6 = tpu.matmul %add3A, %broadcast_in_dim3A_0, %dot_general3A {dimension_numbers = #tpu.dot_dimension_numbers<[1], [0], [0], [1], [0, 0, 1, 1], [], []>, transpose_lhs_hint = false} : vector<1024x512xf32>, vector<512x1xf32>, vector<1024x1xf32> -> vector<1024x1xf32>
    %mul3A = arith.constant 0.001953125 : f32
    %mul3A_7 = vector.broadcast %mul3A : f32 to vector<1024x1xf32>
    %mul3A_8 = arith.mulf %dot_general3A_6, %mul3A_7 : vector<1024x1xf32>
    %mul3A_9 = arith.mulf %add3A, %add3A : vector<1024x512xf32>
    %dot_general3A_10 = arith.constant dense<0.000000e+00> : vector<1024x1xf32>
    %dot_general3A_11 = tpu.matmul %mul3A_9, %broadcast_in_dim3A_0, %dot_general3A_10 {dimension_numbers = #tpu.dot_dimension_numbers<[1], [0], [0], [1], [0, 0, 1, 1], [], []>, transpose_lhs_hint = false} : vector<1024x512xf32>, vector<512x1xf32>, vector<1024x1xf32> -> vector<1024x1xf32>
    %mul3A_12 = arith.constant 0.001953125 : f32
    %mul3A_13 = vector.broadcast %mul3A_12 : f32 to vector<1024x1xf32>
    %mul3A_14 = arith.mulf %dot_general3A_11, %mul3A_13 : vector<1024x1xf32>
    %mul3A_15 = arith.mulf %mul3A_8, %mul3A_8 : vector<1024x1xf32>
    %sub3A = arith.subf %mul3A_14, %mul3A_15 : vector<1024x1xf32>
    %sub3A_16 = vector.broadcast %mul3A_8 : vector<1024x1xf32> to vector<1024x512xf32>
    %sub3A_17 = arith.subf %add3A, %sub3A_16 : vector<1024x512xf32>
    %add3A_18 = arith.constant 9.99999974E-6 : f32
    %add3A_19 = vector.broadcast %add3A_18 : f32 to vector<1024x1xf32>
    %add3A_20 = arith.addf %sub3A, %add3A_19 : vector<1024x1xf32>
    %rsqrt3A = math.rsqrt %add3A_20 : vector<1024x1xf32>
    %mul3A_21 = vector.broadcast %rsqrt3A : vector<1024x1xf32> to vector<1024x512xf32>
    %mul3A_22 = arith.mulf %sub3A_17, %mul3A_21 : vector<1024x512xf32>
    %get3A_23 = arith.constant 0 : index
    %get3A_24 = arith.constant 0 : index
    %get3A_25 = vector.load %arg8[%get3A_23, %get3A_24] : memref<1x512xf32, #tpu.memory_space<vmem>>, vector<1x512xf32>
    %mul3A_26 = vector.broadcast %get3A_25 : vector<1x512xf32> to vector<1024x512xf32>
    %mul3A_27 = arith.mulf %mul3A_22, %mul3A_26 : vector<1024x512xf32>
    %get3A_28 = arith.constant 0 : index
    %get3A_29 = arith.constant 0 : index
    %get3A_30 = vector.load %arg9[%get3A_28, %get3A_29] : memref<1x512xf32, #tpu.memory_space<vmem>>, vector<1x512xf32>
    %add3A_31 = vector.broadcast %get3A_30 : vector<1x512xf32> to vector<1024x512xf32>
    %add3A_32 = arith.addf %mul3A_27, %add3A_31 : vector<1024x512xf32>
    %get3A_33 = arith.constant 0 : index
    %get3A_34 = arith.constant 0 : index
    %get3A_35 = vector.load %arg15[%get3A_33, %get3A_34] : memref<512x896xf32, #tpu.memory_space<vmem>>, vector<512x512xf32>
    %get3A_36 = arith.constant 0 : index
    %get3A_37 = arith.constant 512 : index
    %get3A_38 = vector.load %arg15[%get3A_36, %get3A_37] : memref<512x896xf32, #tpu.memory_space<vmem>>, vector<512x256xf32>
    %get3A_39 = arith.constant 0 : index
    %get3A_40 = arith.constant 768 : index
    %get3A_41 = vector.load %arg15[%get3A_39, %get3A_40] : memref<512x896xf32, #tpu.memory_space<vmem>>, vector<512x128xf32>
    %dot_general3A_42 = arith.constant dense<0.000000e+00> : vector<1024x512xf32>
    %dot_general3A_43 = tpu.matmul %add3A_32, %get3A_35, %dot_general3A_42 {dimension_numbers = #tpu.dot_dimension_numbers<[1], [1], [0], [0], [0, 0, 1, 0], [], []>, transpose_lhs_hint = false} : vector<1024x512xf32>, vector<512x512xf32>, vector<1024x512xf32> -> vector<1024x512xf32>
    %get3A_44 = arith.constant 0 : index
    %get3A_45 = arith.constant 0 : index
    %get3A_46 = vector.load %arg3[%get3A_44, %get3A_45] : memref<1024x128xf32, #tpu.memory_space<vmem>>, vector<1024x16xf32>
    %iota3A = tpu.iota {dimensions = array<i32: 1>} : vector<1024x16xi32>
    %lt3A = arith.constant 10 : i32
    %lt3A_47 = vector.broadcast %lt3A : i32 to vector<1024x16xi32>
    %lt3A_48 = arith.cmpi slt, %iota3A, %lt3A_47 : vector<1024x16xi32>
    %jit3A = arith.constant -1.000000e+30 : f32
    %broadcast_in_dim3A_49 = vector.broadcast %jit3A : f32 to vector<1024x16xf32>
    %select_n3A = arith.select %lt3A_48, %get3A_46, %broadcast_in_dim3A_49 : vector<1024x16xi1>, vector<1024x16xf32>
    %reduce_max3A = arith.constant dense<0xFF800000> : vector<1024xf32>
    %reduce_max3A_50 = vector.multi_reduction <maximumf>, %select_n3A, %reduce_max3A [1] : vector<1024x16xf32> to vector<1024xf32>
    %broadcast_in_dim3A_51 = vector.shape_cast %reduce_max3A_50 : vector<1024xf32> to vector<1024x1xf32>
    %sub3A_52 = vector.broadcast %broadcast_in_dim3A_51 : vector<1024x1xf32> to vector<1024x16xf32>
    %sub3A_53 = arith.subf %get3A_46, %sub3A_52 : vector<1024x16xf32>
    %exp3A = math.exp %sub3A_53 : vector<1024x16xf32>
    %jit3A_54 = arith.constant 0.000000e+00 : f32
    %broadcast_in_dim3A_55 = vector.broadcast %jit3A_54 : f32 to vector<1024x16xf32>
    %select_n3A_56 = arith.select %lt3A_48, %exp3A, %broadcast_in_dim3A_55 : vector<1024x16xi1>, vector<1024x16xf32>
    %reduce_sum3A = arith.constant dense<0.000000e+00> : vector<1024xf32>
    %reduce_sum3A_57 = vector.multi_reduction <add>, %select_n3A_56, %reduce_sum3A [1] : vector<1024x16xf32> to vector<1024xf32>
    %broadcast_in_dim3A_58 = vector.shape_cast %reduce_sum3A_57 : vector<1024xf32> to vector<1024x1xf32>
    %div3A = arith.constant 1.000000e+00 : f32
    %div3A_59 = vector.broadcast %div3A : f32 to vector<1024x1xf32>
    %div3A_60 = arith.divf %div3A_59, %broadcast_in_dim3A_58 : vector<1024x1xf32>
    %ge3A = vector.broadcast %broadcast_in_dim3A_51 : vector<1024x1xf32> to vector<1024x16xf32>
    %ge3A_61 = arith.cmpf oge, %get3A_46, %ge3A : vector<1024x16xf32>
    %and3A = arith.andi %lt3A_48, %ge3A_61 : vector<1024x16xi1>
    %jit3A_62 = arith.constant 127 : i32
    %broadcast_in_dim3A_63 = vector.broadcast %jit3A_62 : i32 to vector<1024x16xi32>
    %select_n3A_64 = arith.select %and3A, %iota3A, %broadcast_in_dim3A_63 : vector<1024x16xi1>, vector<1024x16xi32>
    %reduce_min3A = arith.constant dense<2147483647> : vector<1024xi32>
    %reduce_min3A_65 = vector.multi_reduction <minsi>, %select_n3A_64, %reduce_min3A [1] : vector<1024x16xi32> to vector<1024xi32>
    %broadcast_in_dim3A_66 = vector.shape_cast %reduce_min3A_65 : vector<1024xi32> to vector<1024x1xi32>
    %eq3A = vector.broadcast %broadcast_in_dim3A_66 : vector<1024x1xi32> to vector<1024x16xi32>
    %eq3A_67 = arith.cmpi eq, %iota3A, %eq3A : vector<1024x16xi32>
    %convert_element_type3A = arith.extui %eq3A_67 : vector<1024x16xi1> to vector<1024x16xi32>
    %convert_element_type3A_68 = arith.sitofp %convert_element_type3A : vector<1024x16xi32> to vector<1024x16xf32>
    %get3A_69 = arith.constant 0 : index
    %get3A_70 = arith.constant 0 : index
    %get3A_71 = vector.load %arg5[%get3A_69, %get3A_70] : memref<16x256xf32, #tpu.memory_space<vmem>>, vector<16x256xf32>
    %iota3A_72 = tpu.iota {dimensions = array<i32: 0>} : vector<16x1xi32>
    %eq3A_73 = arith.constant 8 : i32
    %eq3A_74 = vector.broadcast %eq3A_73 : i32 to vector<16x1xi32>
    %eq3A_75 = arith.cmpi eq, %iota3A_72, %eq3A_74 : vector<16x1xi32>
    %convert_element_type3A_76 = arith.extui %eq3A_75 : vector<16x1xi1> to vector<16x1xi32>
    %convert_element_type3A_77 = arith.sitofp %convert_element_type3A_76 : vector<16x1xi32> to vector<16x1xf32>
    %get3A_78 = arith.constant 0 : index
    %get3A_79 = arith.constant 0 : index
    %get3A_80 = vector.load %arg6[%get3A_78, %get3A_79] : memref<256x256xf32, #tpu.memory_space<vmem>>, vector<256x256xf32>
    %dot_general3A_81 = arith.constant dense<0.000000e+00> : vector<16x256xf32>
    %dot_general3A_82 = tpu.matmul %get3A_71, %get3A_80, %dot_general3A_81 {dimension_numbers = #tpu.dot_dimension_numbers<[1], [1], [0], [0], [0, 0, 1, 0], [], []>, transpose_lhs_hint = false} : vector<16x256xf32>, vector<256x256xf32>, vector<16x256xf32> -> vector<16x256xf32>
    %mul3A_83 = vector.broadcast %convert_element_type3A_77 : vector<16x1xf32> to vector<16x256xf32>
    %mul3A_84 = arith.mulf %mul3A_83, %dot_general3A_82 : vector<16x256xf32>
    %add3A_85 = arith.addf %get3A_71, %mul3A_84 : vector<16x256xf32>
    %dot_general3A_86 = arith.constant dense<0.000000e+00> : vector<16x512xf32>
    %dot_general3A_87 = tpu.matmul %add3A_85, %get3A_38, %dot_general3A_86 {dimension_numbers = #tpu.dot_dimension_numbers<[1], [1], [0], [0], [0, 0, 1, 0], [], []>, transpose_lhs_hint = false} : vector<16x256xf32>, vector<512x256xf32>, vector<16x512xf32> -> vector<16x512xf32>
    %get3A_88 = arith.constant 0 : index
    %get3A_89 = arith.constant 0 : index
    %get3A_90 = vector.load %arg7[%get3A_88, %get3A_89] : memref<1x256xf32, #tpu.memory_space<vmem>>, vector<1x256xf32>
    %dot_general3A_91 = arith.constant dense<0.000000e+00> : vector<1x512xf32>
    %dot_general3A_92 = tpu.matmul %get3A_90, %get3A_38, %dot_general3A_91 {dimension_numbers = #tpu.dot_dimension_numbers<[1], [1], [0], [0], [0, 0, 1, 0], [], []>, transpose_lhs_hint = false} : vector<1x256xf32>, vector<512x256xf32>, vector<1x512xf32> -> vector<1x512xf32>
    %mul3A_93 = vector.broadcast %convert_element_type3A_77 : vector<16x1xf32> to vector<16x512xf32>
    %mul3A_94 = vector.broadcast %dot_general3A_92 : vector<1x512xf32> to vector<16x512xf32>
    %mul3A_95 = arith.mulf %mul3A_93, %mul3A_94 : vector<16x512xf32>
    %mul3A_96 = vector.broadcast %div3A_60 : vector<1024x1xf32> to vector<1024x16xf32>
    %mul3A_97 = arith.mulf %convert_element_type3A_68, %mul3A_96 : vector<1024x16xf32>
    %concatenate3A_98 = tpu.concatenate %mul3A_97, %convert_element_type3A_68 in 1 : vector<1024x16xf32>, vector<1024x16xf32> -> vector<1024x32xf32>
    %concatenate3A_99 = tpu.concatenate %dot_general3A_87, %mul3A_95 in 0 : vector<16x512xf32>, vector<16x512xf32> -> vector<32x512xf32>
    %dot_general3A_100 = arith.constant dense<0.000000e+00> : vector<1024x512xf32>
    %dot_general3A_101 = tpu.matmul %concatenate3A_98, %concatenate3A_99, %dot_general3A_100 {dimension_numbers = #tpu.dot_dimension_numbers<[1], [0], [0], [1], [0, 0, 1, 1], [], []>, transpose_lhs_hint = false} : vector<1024x32xf32>, vector<32x512xf32>, vector<1024x512xf32> -> vector<1024x512xf32>
    %add3A_102 = arith.addf %dot_general3A_43, %dot_general3A_101 : vector<1024x512xf32>
    %get3A_103 = arith.constant 0 : index
    %get3A_104 = arith.constant 0 : index
    %get3A_105 = vector.load %arg10[%get3A_103, %get3A_104] : memref<1x224xf32, #tpu.memory_space<vmem>>, vector<1x224xf32>
    %get3A_106 = arith.constant 0 : index
    %get3A_107 = arith.constant 0 : index
    %get3A_108 = vector.load %arg11[%get3A_106, %get3A_107] : memref<128x224xf32, #tpu.memory_space<vmem>>, vector<128x224xf32>
    %dot_general3A_109 = arith.constant dense<0.000000e+00> : vector<1x128xf32>
    %dot_general3A_110 = tpu.matmul %get3A_105, %get3A_108, %dot_general3A_109 {dimension_numbers = #tpu.dot_dimension_numbers<[1], [1], [0], [0], [0, 0, 1, 0], [], []>, transpose_lhs_hint = false} : vector<1x224xf32>, vector<128x224xf32>, vector<1x128xf32> -> vector<1x128xf32>
    %get3A_111 = arith.constant 0 : index
    %get3A_112 = arith.constant 0 : index
    %get3A_113 = vector.load %arg12[%get3A_111, %get3A_112] : memref<1x128xf32, #tpu.memory_space<vmem>>, vector<1x128xf32>
    %add3A_114 = arith.addf %dot_general3A_110, %get3A_113 : vector<1x128xf32>
    %reduce_sum3A_115 = arith.constant dense<0.000000e+00> : vector<1xf32>
    %reduce_sum3A_116 = vector.multi_reduction <add>, %add3A_114, %reduce_sum3A_115 [1] : vector<1x128xf32> to vector<1xf32>
    %broadcast_in_dim3A_117 = vector.shape_cast %reduce_sum3A_116 : vector<1xf32> to vector<1x1xf32>
    %div3A_118 = arith.constant 1.280000e+02 : f32
    %div3A_119 = vector.broadcast %div3A_118 : f32 to vector<1x1xf32>
    %div3A_120 = arith.divf %broadcast_in_dim3A_117, %div3A_119 : vector<1x1xf32>
    %sub3A_121 = vector.broadcast %div3A_120 : vector<1x1xf32> to vector<1x128xf32>
    %sub3A_122 = arith.subf %add3A_114, %sub3A_121 : vector<1x128xf32>
    %integer_pow3A = arith.mulf %sub3A_122, %sub3A_122 : vector<1x128xf32>
    %reduce_sum3A_123 = arith.constant dense<0.000000e+00> : vector<1xf32>
    %reduce_sum3A_124 = vector.multi_reduction <add>, %integer_pow3A, %reduce_sum3A_123 [1] : vector<1x128xf32> to vector<1xf32>
    %broadcast_in_dim3A_125 = vector.shape_cast %reduce_sum3A_124 : vector<1xf32> to vector<1x1xf32>
    %div3A_126 = arith.constant 1.280000e+02 : f32
    %div3A_127 = vector.broadcast %div3A_126 : f32 to vector<1x1xf32>
    %div3A_128 = arith.divf %broadcast_in_dim3A_125, %div3A_127 : vector<1x1xf32>
    %sub3A_129 = vector.broadcast %div3A_120 : vector<1x1xf32> to vector<1x128xf32>
    %sub3A_130 = arith.subf %add3A_114, %sub3A_129 : vector<1x128xf32>
    %add3A_131 = arith.constant 9.99999974E-6 : f32
    %add3A_132 = vector.broadcast %add3A_131 : f32 to vector<1x1xf32>
    %add3A_133 = arith.addf %div3A_128, %add3A_132 : vector<1x1xf32>
    %rsqrt3A_134 = math.rsqrt %add3A_133 : vector<1x1xf32>
    %mul3A_135 = vector.broadcast %rsqrt3A_134 : vector<1x1xf32> to vector<1x128xf32>
    %mul3A_136 = arith.mulf %sub3A_130, %mul3A_135 : vector<1x128xf32>
    %get3A_137 = arith.constant 0 : index
    %get3A_138 = arith.constant 0 : index
    %get3A_139 = vector.load %arg13[%get3A_137, %get3A_138] : memref<1x128xf32, #tpu.memory_space<vmem>>, vector<1x128xf32>
    %mul3A_140 = arith.mulf %mul3A_136, %get3A_139 : vector<1x128xf32>
    %get3A_141 = arith.constant 0 : index
    %get3A_142 = arith.constant 0 : index
    %get3A_143 = vector.load %arg14[%get3A_141, %get3A_142] : memref<1x128xf32, #tpu.memory_space<vmem>>, vector<1x128xf32>
    %add3A_144 = arith.addf %mul3A_140, %get3A_143 : vector<1x128xf32>
    %dot_general3A_145 = arith.constant dense<0.000000e+00> : vector<1x512xf32>
    %dot_general3A_146 = tpu.matmul %add3A_144, %get3A_41, %dot_general3A_145 {dimension_numbers = #tpu.dot_dimension_numbers<[1], [1], [0], [0], [0, 0, 1, 0], [], []>, transpose_lhs_hint = false} : vector<1x128xf32>, vector<512x128xf32>, vector<1x512xf32> -> vector<1x512xf32>
    %get3A_147 = arith.constant 0 : index
    %get3A_148 = arith.constant 0 : index
    %get3A_149 = vector.load %arg16[%get3A_147, %get3A_148] : memref<1x512xf32, #tpu.memory_space<vmem>>, vector<1x512xf32>
    %add3A_150 = arith.addf %dot_general3A_146, %get3A_149 : vector<1x512xf32>
    %add3A_151 = vector.broadcast %add3A_150 : vector<1x512xf32> to vector<1024x512xf32>
    %add3A_152 = arith.addf %add3A_102, %add3A_151 : vector<1024x512xf32>
    %mul3A_153 = arith.constant 5.000000e-01 : f32
    %mul3A_154 = vector.broadcast %mul3A_153 : f32 to vector<1024x512xf32>
    %mul3A_155 = arith.mulf %add3A_152, %mul3A_154 : vector<1024x512xf32>
    %mul3A_156 = arith.constant 0.707106769 : f32
    %mul3A_157 = vector.broadcast %mul3A_156 : f32 to vector<1024x512xf32>
    %mul3A_158 = arith.mulf %add3A_152, %mul3A_157 : vector<1024x512xf32>
    %erf3A = math.erf %mul3A_158 : vector<1024x512xf32>
    %add3A_159 = arith.constant 1.000000e+00 : f32
    %add3A_160 = vector.broadcast %add3A_159 : f32 to vector<1024x512xf32>
    %add3A_161 = arith.addf %add3A_160, %erf3A : vector<1024x512xf32>
    %mul3A_162 = arith.mulf %mul3A_155, %add3A_161 : vector<1024x512xf32>
    %dot_general3A_163 = arith.constant dense<0.000000e+00> : vector<1024x1xf32>
    %dot_general3A_164 = tpu.matmul %mul3A_162, %broadcast_in_dim3A_0, %dot_general3A_163 {dimension_numbers = #tpu.dot_dimension_numbers<[1], [0], [0], [1], [0, 0, 1, 1], [], []>, transpose_lhs_hint = false} : vector<1024x512xf32>, vector<512x1xf32>, vector<1024x1xf32> -> vector<1024x1xf32>
    %mul3A_165 = arith.constant 0.001953125 : f32
    %mul3A_166 = vector.broadcast %mul3A_165 : f32 to vector<1024x1xf32>
    %mul3A_167 = arith.mulf %dot_general3A_164, %mul3A_166 : vector<1024x1xf32>
    %mul3A_168 = arith.mulf %mul3A_162, %mul3A_162 : vector<1024x512xf32>
    %dot_general3A_169 = arith.constant dense<0.000000e+00> : vector<1024x1xf32>
    %dot_general3A_170 = tpu.matmul %mul3A_168, %broadcast_in_dim3A_0, %dot_general3A_169 {dimension_numbers = #tpu.dot_dimension_numbers<[1], [0], [0], [1], [0, 0, 1, 1], [], []>, transpose_lhs_hint = false} : vector<1024x512xf32>, vector<512x1xf32>, vector<1024x1xf32> -> vector<1024x1xf32>
    %mul3A_171 = arith.constant 0.001953125 : f32
    %mul3A_172 = vector.broadcast %mul3A_171 : f32 to vector<1024x1xf32>
    %mul3A_173 = arith.mulf %dot_general3A_170, %mul3A_172 : vector<1024x1xf32>
    %mul3A_174 = arith.mulf %mul3A_167, %mul3A_167 : vector<1024x1xf32>
    %sub3A_175 = arith.subf %mul3A_173, %mul3A_174 : vector<1024x1xf32>
    %sub3A_176 = vector.broadcast %mul3A_167 : vector<1024x1xf32> to vector<1024x512xf32>
    %sub3A_177 = arith.subf %mul3A_162, %sub3A_176 : vector<1024x512xf32>
    %add3A_178 = arith.constant 9.99999974E-6 : f32
    %add3A_179 = vector.broadcast %add3A_178 : f32 to vector<1024x1xf32>
    %add3A_180 = arith.addf %sub3A_175, %add3A_179 : vector<1024x1xf32>
    %rsqrt3A_181 = math.rsqrt %add3A_180 : vector<1024x1xf32>
    %mul3A_182 = vector.broadcast %rsqrt3A_181 : vector<1024x1xf32> to vector<1024x512xf32>
    %mul3A_183 = arith.mulf %sub3A_177, %mul3A_182 : vector<1024x512xf32>
    %get3A_184 = arith.constant 0 : index
    %get3A_185 = arith.constant 0 : index
    %get3A_186 = vector.load %arg17[%get3A_184, %get3A_185] : memref<1x512xf32, #tpu.memory_space<vmem>>, vector<1x512xf32>
    %mul3A_187 = vector.broadcast %get3A_186 : vector<1x512xf32> to vector<1024x512xf32>
    %mul3A_188 = arith.mulf %mul3A_183, %mul3A_187 : vector<1024x512xf32>
    %get3A_189 = arith.constant 0 : index
    %get3A_190 = arith.constant 0 : index
    %get3A_191 = vector.load %arg18[%get3A_189, %get3A_190] : memref<1x512xf32, #tpu.memory_space<vmem>>, vector<1x512xf32>
    %add3A_192 = vector.broadcast %get3A_191 : vector<1x512xf32> to vector<1024x512xf32>
    %add3A_193 = arith.addf %mul3A_188, %add3A_192 : vector<1024x512xf32>
    %reshape3A = vector.shape_cast %add3A_193 : vector<1024x512xf32> to vector<2x512x512xf32>
    %swap3A = arith.constant 0 : index
    %swap3A_194 = arith.constant 0 : index
    %swap3A_195 = arith.constant 0 : index
    %swap3A_196 = vector.load %arg19[%swap3A, %swap3A_194, %swap3A_195] : memref<2x512x512xf32, #tpu.memory_space<vmem>>, vector<2x512x512xf32>
    tpu.vector_store %arg19[%swap3A, %swap3A_194, %swap3A_195], %reshape3A {strides = array<i32>} : memref<2x512x512xf32, #tpu.memory_space<vmem>>, vector<2x512x512xf32>,
    return
  }
  func.func @transform_1(%arg0: i32) -> (i32, i32) {
    %c0_i32 = arith.constant 0 : i32
    %c0_i32_0 = arith.constant 0 : i32
    return %arg0, %c0_i32 : i32, i32
  }
  func.func @transform_2(%arg0: i32) -> (i32, i32) {
    %c0_i32 = arith.constant 0 : i32
    %c0_i32_0 = arith.constant 0 : i32
    return %arg0, %c0_i32 : i32, i32
  }
  func.func @transform_3(%arg0: i32) -> (i32, i32) {
    %c0_i32 = arith.constant 0 : i32
    %c0_i32_0 = arith.constant 0 : i32
    %c0_i32_1 = arith.constant 0 : i32
    return %c0_i32, %c0_i32_0 : i32, i32
  }
  func.func @transform_4(%arg0: i32) -> (i32, i32) {
    %c0_i32 = arith.constant 0 : i32
    %c0_i32_0 = arith.constant 0 : i32
    %c0_i32_1 = arith.constant 0 : i32
    return %c0_i32, %c0_i32_0 : i32, i32
  }
  func.func @transform_5(%arg0: i32) -> (i32, i32) {
    %c0_i32 = arith.constant 0 : i32
    %c0_i32_0 = arith.constant 0 : i32
    %c0_i32_1 = arith.constant 0 : i32
    return %c0_i32, %c0_i32_0 : i32, i32
  }
  func.func @transform_6(%arg0: i32) -> (i32, i32) {
    %c0_i32 = arith.constant 0 : i32
    %c0_i32_0 = arith.constant 0 : i32
    %c0_i32_1 = arith.constant 0 : i32
    return %c0_i32, %c0_i32_0 : i32, i32
  }
  func.func @transform_7(%arg0: i32) -> (i32, i32) {
    %c0_i32 = arith.constant 0 : i32
    %c0_i32_0 = arith.constant 0 : i32
    %c0_i32_1 = arith.constant 0 : i32
    return %c0_i32, %c0_i32_0 : i32, i32
  }
  func.func @transform_8(%arg0: i32) -> (i32, i32) {
    %c0_i32 = arith.constant 0 : i32
    %c0_i32_0 = arith.constant 0 : i32
    %c0_i32_1 = arith.constant 0 : i32
    return %c0_i32, %c0_i32_0 : i32, i32
  }
  func.func @transform_9(%arg0: i32) -> (i32, i32) {
    %c0_i32 = arith.constant 0 : i32
    %c0_i32_0 = arith.constant 0 : i32
    %c0_i32_1 = arith.constant 0 : i32
    return %c0_i32, %c0_i32_0 : i32, i32
  }
  func.func @transform_10(%arg0: i32) -> (i32, i32) {
    %c0_i32 = arith.constant 0 : i32
    %c0_i32_0 = arith.constant 0 : i32
    %c0_i32_1 = arith.constant 0 : i32
    return %c0_i32, %c0_i32_0 : i32, i32
  }
  func.func @transform_11(%arg0: i32) -> (i32, i32) {
    %c0_i32 = arith.constant 0 : i32
    %c0_i32_0 = arith.constant 0 : i32
    %c0_i32_1 = arith.constant 0 : i32
    return %c0_i32, %c0_i32_0 : i32, i32
  }
  func.func @transform_12(%arg0: i32) -> (i32, i32) {
    %c0_i32 = arith.constant 0 : i32
    %c0_i32_0 = arith.constant 0 : i32
    %c0_i32_1 = arith.constant 0 : i32
    return %c0_i32, %c0_i32_0 : i32, i32
  }
  func.func @transform_13(%arg0: i32) -> (i32, i32) {
    %c0_i32 = arith.constant 0 : i32
    %c0_i32_0 = arith.constant 0 : i32
    %c0_i32_1 = arith.constant 0 : i32
    return %c0_i32, %c0_i32_0 : i32, i32
  }
  func.func @transform_14(%arg0: i32) -> (i32, i32) {
    %c0_i32 = arith.constant 0 : i32
    %c0_i32_0 = arith.constant 0 : i32
    %c0_i32_1 = arith.constant 0 : i32
    return %c0_i32, %c0_i32_0 : i32, i32
  }
  func.func @transform_15(%arg0: i32) -> (i32, i32) {
    %c0_i32 = arith.constant 0 : i32
    %c0_i32_0 = arith.constant 0 : i32
    %c0_i32_1 = arith.constant 0 : i32
    return %c0_i32, %c0_i32_0 : i32, i32
  }
  func.func @transform_16(%arg0: i32) -> (i32, i32) {
    %c0_i32 = arith.constant 0 : i32
    %c0_i32_0 = arith.constant 0 : i32
    %c0_i32_1 = arith.constant 0 : i32
    return %c0_i32, %c0_i32_0 : i32, i32
  }
  func.func @transform_17(%arg0: i32) -> (i32, i32) {
    %c0_i32 = arith.constant 0 : i32
    %c0_i32_0 = arith.constant 0 : i32
    %c0_i32_1 = arith.constant 0 : i32
    return %c0_i32, %c0_i32_0 : i32, i32
  }
  func.func @transform_18(%arg0: i32) -> (i32, i32, i32) {
    %add3A = arith.constant 8 : i32
    %add3A_0 = arith.addi %add3A, %arg0 : i32
    %c0_i32 = arith.constant 0 : i32
    %c0_i32_1 = arith.constant 0 : i32
    %c0_i32_2 = arith.constant 0 : i32
    return %add3A_0, %c0_i32, %c0_i32_1 : i32, i32, i32
  }
}

module attributes {stable_mosaic.version = 14 : i64} {
  func.func @_tc_body(%arg0: i32, %arg1: memref<1024x512xf32, #tpu.memory_space<vmem>>, %arg2: memref<1024x128xf32, #tpu.memory_space<vmem>>, %arg3: memref<512x512xf32, #tpu.memory_space<vmem>>, %arg4: memref<16x256xf32, #tpu.memory_space<vmem>>, %arg5: memref<256x256xf32, #tpu.memory_space<vmem>>, %arg6: memref<1x256xf32, #tpu.memory_space<vmem>>, %arg7: memref<1x512xf32, #tpu.memory_space<vmem>>, %arg8: memref<1x512xf32, #tpu.memory_space<vmem>>, %arg9: memref<1x224xf32, #tpu.memory_space<vmem>>, %arg10: memref<128x224xf32, #tpu.memory_space<vmem>>, %arg11: memref<1x128xf32, #tpu.memory_space<vmem>>, %arg12: memref<1x128xf32, #tpu.memory_space<vmem>>, %arg13: memref<1x128xf32, #tpu.memory_space<vmem>>, %arg14: memref<512x896xf32, #tpu.memory_space<vmem>>, %arg15: memref<1x512xf32, #tpu.memory_space<vmem>>, %arg16: memref<1x512xf32, #tpu.memory_space<vmem>>, %arg17: memref<1x512xf32, #tpu.memory_space<vmem>>, %arg18: memref<2x512x512xf32, #tpu.memory_space<vmem>>) attributes {dimension_semantics = [#tpu.dimension_semantics<arbitrary>], iteration_bounds = array<i64: 8>, scalar_prefetch = 0 : i64, scratch_operands = 0 : i64, tpu.core_type = #tpu.core_type<tc>, window_params = [{transform_indices = @transform_0, window_bounds = array<i64: 1024, 512>}, {transform_indices = @transform_1, window_bounds = array<i64: 1024, 128>}, {pipeline_mode = #tpu.pipeline_mode<synchronous>, transform_indices = @transform_2, window_bounds = array<i64: 512, 512>}, {pipeline_mode = #tpu.pipeline_mode<synchronous>, transform_indices = @transform_3, window_bounds = array<i64: 16, 256>}, {pipeline_mode = #tpu.pipeline_mode<synchronous>, transform_indices = @transform_4, window_bounds = array<i64: 256, 256>}, {pipeline_mode = #tpu.pipeline_mode<synchronous>, transform_indices = @transform_5, window_bounds = array<i64: 1, 256>}, {pipeline_mode = #tpu.pipeline_mode<synchronous>, transform_indices = @transform_6, window_bounds = array<i64: 1, 512>}, {pipeline_mode = #tpu.pipeline_mode<synchronous>, transform_indices = @transform_7, window_bounds = array<i64: 1, 512>}, {pipeline_mode = #tpu.pipeline_mode<synchronous>, transform_indices = @transform_8, window_bounds = array<i64: 1, 224>}, {pipeline_mode = #tpu.pipeline_mode<synchronous>, transform_indices = @transform_9, window_bounds = array<i64: 128, 224>}, {pipeline_mode = #tpu.pipeline_mode<synchronous>, transform_indices = @transform_10, window_bounds = array<i64: 1, 128>}, {pipeline_mode = #tpu.pipeline_mode<synchronous>, transform_indices = @transform_11, window_bounds = array<i64: 1, 128>}, {pipeline_mode = #tpu.pipeline_mode<synchronous>, transform_indices = @transform_12, window_bounds = array<i64: 1, 128>}, {pipeline_mode = #tpu.pipeline_mode<synchronous>, transform_indices = @transform_13, window_bounds = array<i64: 512, 896>}, {pipeline_mode = #tpu.pipeline_mode<synchronous>, transform_indices = @transform_14, window_bounds = array<i64: 1, 512>}, {pipeline_mode = #tpu.pipeline_mode<synchronous>, transform_indices = @transform_15, window_bounds = array<i64: 1, 512>}, {pipeline_mode = #tpu.pipeline_mode<synchronous>, transform_indices = @transform_16, window_bounds = array<i64: 1, 512>}, {transform_indices = @transform_17, window_bounds = array<i64: 2, 512, 512>}]} {
    %broadcast_in_dim3A = arith.constant 1.000000e+00 : f32
    %broadcast_in_dim3A_0 = vector.broadcast %broadcast_in_dim3A : f32 to vector<512x1xf32>
    %get3A = arith.constant 0 : index
    %get3A_1 = arith.constant 0 : index
    %get3A_2 = vector.load %arg3[%get3A, %get3A_1] : memref<512x512xf32, #tpu.memory_space<vmem>>, vector<512x512xf32>
    %get3A_3 = arith.constant 0 : index
    %get3A_4 = arith.constant 0 : index
    %get3A_5 = vector.load %arg1[%get3A_3, %get3A_4] : memref<1024x512xf32, #tpu.memory_space<vmem>>, vector<1024x512xf32>
    %concatenate3A = tpu.concatenate %get3A_2, %get3A_2 in 0 : vector<512x512xf32>, vector<512x512xf32> -> vector<1024x512xf32>
    %add3A = arith.addf %get3A_5, %concatenate3A : vector<1024x512xf32>
    %dot_general3A = arith.constant dense<0.000000e+00> : vector<1024x1xf32>
    %dot_general3A_6 = tpu.matmul %add3A, %broadcast_in_dim3A_0, %dot_general3A {dimension_numbers = #tpu.dot_dimension_numbers<[1], [0], [0], [1], [0, 0, 1, 1], [], []>, transpose_lhs_hint = false} : vector<1024x512xf32>, vector<512x1xf32>, vector<1024x1xf32> -> vector<1024x1xf32>
    %mul3A = arith.constant 0.001953125 : f32
    %mul3A_7 = vector.broadcast %mul3A : f32 to vector<1024x1xf32>
    %mul3A_8 = arith.mulf %dot_general3A_6, %mul3A_7 : vector<1024x1xf32>
    %mul3A_9 = arith.mulf %add3A, %add3A : vector<1024x512xf32>
    %dot_general3A_10 = arith.constant dense<0.000000e+00> : vector<1024x1xf32>
    %dot_general3A_11 = tpu.matmul %mul3A_9, %broadcast_in_dim3A_0, %dot_general3A_10 {dimension_numbers = #tpu.dot_dimension_numbers<[1], [0], [0], [1], [0, 0, 1, 1], [], []>, transpose_lhs_hint = false} : vector<1024x512xf32>, vector<512x1xf32>, vector<1024x1xf32> -> vector<1024x1xf32>
    %mul3A_12 = arith.constant 0.001953125 : f32
    %mul3A_13 = vector.broadcast %mul3A_12 : f32 to vector<1024x1xf32>
    %mul3A_14 = arith.mulf %dot_general3A_11, %mul3A_13 : vector<1024x1xf32>
    %mul3A_15 = arith.mulf %mul3A_8, %mul3A_8 : vector<1024x1xf32>
    %sub3A = arith.subf %mul3A_14, %mul3A_15 : vector<1024x1xf32>
    %sub3A_16 = vector.broadcast %mul3A_8 : vector<1024x1xf32> to vector<1024x512xf32>
    %sub3A_17 = arith.subf %add3A, %sub3A_16 : vector<1024x512xf32>
    %add3A_18 = arith.constant 9.99999974E-6 : f32
    %add3A_19 = vector.broadcast %add3A_18 : f32 to vector<1024x1xf32>
    %add3A_20 = arith.addf %sub3A, %add3A_19 : vector<1024x1xf32>
    %rsqrt3A = math.rsqrt %add3A_20 : vector<1024x1xf32>
    %mul3A_21 = vector.broadcast %rsqrt3A : vector<1024x1xf32> to vector<1024x512xf32>
    %mul3A_22 = arith.mulf %sub3A_17, %mul3A_21 : vector<1024x512xf32>
    %get3A_23 = arith.constant 0 : index
    %get3A_24 = arith.constant 0 : index
    %get3A_25 = vector.load %arg7[%get3A_23, %get3A_24] : memref<1x512xf32, #tpu.memory_space<vmem>>, vector<1x512xf32>
    %mul3A_26 = vector.broadcast %get3A_25 : vector<1x512xf32> to vector<1024x512xf32>
    %mul3A_27 = arith.mulf %mul3A_22, %mul3A_26 : vector<1024x512xf32>
    %get3A_28 = arith.constant 0 : index
    %get3A_29 = arith.constant 0 : index
    %get3A_30 = vector.load %arg8[%get3A_28, %get3A_29] : memref<1x512xf32, #tpu.memory_space<vmem>>, vector<1x512xf32>
    %add3A_31 = vector.broadcast %get3A_30 : vector<1x512xf32> to vector<1024x512xf32>
    %add3A_32 = arith.addf %mul3A_27, %add3A_31 : vector<1024x512xf32>
    %get3A_33 = arith.constant 0 : index
    %get3A_34 = arith.constant 0 : index
    %get3A_35 = vector.load %arg14[%get3A_33, %get3A_34] : memref<512x896xf32, #tpu.memory_space<vmem>>, vector<512x512xf32>
    %get3A_36 = arith.constant 0 : index
    %get3A_37 = arith.constant 512 : index
    %get3A_38 = vector.load %arg14[%get3A_36, %get3A_37] : memref<512x896xf32, #tpu.memory_space<vmem>>, vector<512x256xf32>
    %get3A_39 = arith.constant 0 : index
    %get3A_40 = arith.constant 768 : index
    %get3A_41 = vector.load %arg14[%get3A_39, %get3A_40] : memref<512x896xf32, #tpu.memory_space<vmem>>, vector<512x128xf32>
    %dot_general3A_42 = arith.constant dense<0.000000e+00> : vector<1024x512xf32>
    %dot_general3A_43 = tpu.matmul %add3A_32, %get3A_35, %dot_general3A_42 {dimension_numbers = #tpu.dot_dimension_numbers<[1], [1], [0], [0], [0, 0, 1, 0], [], []>, transpose_lhs_hint = false} : vector<1024x512xf32>, vector<512x512xf32>, vector<1024x512xf32> -> vector<1024x512xf32>
    %get3A_44 = arith.constant 0 : index
    %get3A_45 = arith.constant 0 : index
    %get3A_46 = vector.load %arg2[%get3A_44, %get3A_45] : memref<1024x128xf32, #tpu.memory_space<vmem>>, vector<1024x16xf32>
    %iota3A = tpu.iota {dimensions = array<i32: 1>} : vector<1024x16xi32>
    %lt3A = arith.constant 10 : i32
    %lt3A_47 = vector.broadcast %lt3A : i32 to vector<1024x16xi32>
    %lt3A_48 = arith.cmpi slt, %iota3A, %lt3A_47 : vector<1024x16xi32>
    %jit3A = arith.constant -1.000000e+30 : f32
    %broadcast_in_dim3A_49 = vector.broadcast %jit3A : f32 to vector<1024x16xf32>
    %select_n3A = arith.select %lt3A_48, %get3A_46, %broadcast_in_dim3A_49 : vector<1024x16xi1>, vector<1024x16xf32>
    %reduce_max3A = arith.constant dense<0xFF800000> : vector<1024xf32>
    %reduce_max3A_50 = vector.multi_reduction <maximumf>, %select_n3A, %reduce_max3A [1] : vector<1024x16xf32> to vector<1024xf32>
    %broadcast_in_dim3A_51 = vector.shape_cast %reduce_max3A_50 : vector<1024xf32> to vector<1024x1xf32>
    %sub3A_52 = vector.broadcast %broadcast_in_dim3A_51 : vector<1024x1xf32> to vector<1024x16xf32>
    %sub3A_53 = arith.subf %get3A_46, %sub3A_52 : vector<1024x16xf32>
    %exp3A = math.exp %sub3A_53 : vector<1024x16xf32>
    %jit3A_54 = arith.constant 0.000000e+00 : f32
    %broadcast_in_dim3A_55 = vector.broadcast %jit3A_54 : f32 to vector<1024x16xf32>
    %select_n3A_56 = arith.select %lt3A_48, %exp3A, %broadcast_in_dim3A_55 : vector<1024x16xi1>, vector<1024x16xf32>
    %reduce_sum3A = arith.constant dense<0.000000e+00> : vector<1024xf32>
    %reduce_sum3A_57 = vector.multi_reduction <add>, %select_n3A_56, %reduce_sum3A [1] : vector<1024x16xf32> to vector<1024xf32>
    %broadcast_in_dim3A_58 = vector.shape_cast %reduce_sum3A_57 : vector<1024xf32> to vector<1024x1xf32>
    %div3A = arith.constant 1.000000e+00 : f32
    %div3A_59 = vector.broadcast %div3A : f32 to vector<1024x1xf32>
    %div3A_60 = arith.divf %div3A_59, %broadcast_in_dim3A_58 : vector<1024x1xf32>
    %ge3A = vector.broadcast %broadcast_in_dim3A_51 : vector<1024x1xf32> to vector<1024x16xf32>
    %ge3A_61 = arith.cmpf oge, %get3A_46, %ge3A : vector<1024x16xf32>
    %and3A = arith.andi %lt3A_48, %ge3A_61 : vector<1024x16xi1>
    %jit3A_62 = arith.constant 127 : i32
    %broadcast_in_dim3A_63 = vector.broadcast %jit3A_62 : i32 to vector<1024x16xi32>
    %select_n3A_64 = arith.select %and3A, %iota3A, %broadcast_in_dim3A_63 : vector<1024x16xi1>, vector<1024x16xi32>
    %reduce_min3A = arith.constant dense<2147483647> : vector<1024xi32>
    %reduce_min3A_65 = vector.multi_reduction <minsi>, %select_n3A_64, %reduce_min3A [1] : vector<1024x16xi32> to vector<1024xi32>
    %broadcast_in_dim3A_66 = vector.shape_cast %reduce_min3A_65 : vector<1024xi32> to vector<1024x1xi32>
    %eq3A = vector.broadcast %broadcast_in_dim3A_66 : vector<1024x1xi32> to vector<1024x16xi32>
    %eq3A_67 = arith.cmpi eq, %iota3A, %eq3A : vector<1024x16xi32>
    %convert_element_type3A = arith.extui %eq3A_67 : vector<1024x16xi1> to vector<1024x16xi32>
    %convert_element_type3A_68 = arith.sitofp %convert_element_type3A : vector<1024x16xi32> to vector<1024x16xf32>
    %get3A_69 = arith.constant 0 : index
    %get3A_70 = arith.constant 0 : index
    %get3A_71 = vector.load %arg4[%get3A_69, %get3A_70] : memref<16x256xf32, #tpu.memory_space<vmem>>, vector<16x256xf32>
    %iota3A_72 = tpu.iota {dimensions = array<i32: 0>} : vector<16x1xi32>
    %eq3A_73 = arith.constant 8 : i32
    %eq3A_74 = vector.broadcast %eq3A_73 : i32 to vector<16x1xi32>
    %eq3A_75 = arith.cmpi eq, %iota3A_72, %eq3A_74 : vector<16x1xi32>
    %convert_element_type3A_76 = arith.extui %eq3A_75 : vector<16x1xi1> to vector<16x1xi32>
    %convert_element_type3A_77 = arith.sitofp %convert_element_type3A_76 : vector<16x1xi32> to vector<16x1xf32>
    %get3A_78 = arith.constant 0 : index
    %get3A_79 = arith.constant 0 : index
    %get3A_80 = vector.load %arg5[%get3A_78, %get3A_79] : memref<256x256xf32, #tpu.memory_space<vmem>>, vector<256x256xf32>
    %dot_general3A_81 = arith.constant dense<0.000000e+00> : vector<16x256xf32>
    %dot_general3A_82 = tpu.matmul %get3A_71, %get3A_80, %dot_general3A_81 {dimension_numbers = #tpu.dot_dimension_numbers<[1], [1], [0], [0], [0, 0, 1, 0], [], []>, transpose_lhs_hint = false} : vector<16x256xf32>, vector<256x256xf32>, vector<16x256xf32> -> vector<16x256xf32>
    %mul3A_83 = vector.broadcast %convert_element_type3A_77 : vector<16x1xf32> to vector<16x256xf32>
    %mul3A_84 = arith.mulf %mul3A_83, %dot_general3A_82 : vector<16x256xf32>
    %add3A_85 = arith.addf %get3A_71, %mul3A_84 : vector<16x256xf32>
    %dot_general3A_86 = arith.constant dense<0.000000e+00> : vector<16x512xf32>
    %dot_general3A_87 = tpu.matmul %add3A_85, %get3A_38, %dot_general3A_86 {dimension_numbers = #tpu.dot_dimension_numbers<[1], [1], [0], [0], [0, 0, 1, 0], [], []>, transpose_lhs_hint = false} : vector<16x256xf32>, vector<512x256xf32>, vector<16x512xf32> -> vector<16x512xf32>
    %get3A_88 = arith.constant 0 : index
    %get3A_89 = arith.constant 0 : index
    %get3A_90 = vector.load %arg6[%get3A_88, %get3A_89] : memref<1x256xf32, #tpu.memory_space<vmem>>, vector<1x256xf32>
    %dot_general3A_91 = arith.constant dense<0.000000e+00> : vector<1x512xf32>
    %dot_general3A_92 = tpu.matmul %get3A_90, %get3A_38, %dot_general3A_91 {dimension_numbers = #tpu.dot_dimension_numbers<[1], [1], [0], [0], [0, 0, 1, 0], [], []>, transpose_lhs_hint = false} : vector<1x256xf32>, vector<512x256xf32>, vector<1x512xf32> -> vector<1x512xf32>
    %mul3A_93 = vector.broadcast %convert_element_type3A_77 : vector<16x1xf32> to vector<16x512xf32>
    %mul3A_94 = vector.broadcast %dot_general3A_92 : vector<1x512xf32> to vector<16x512xf32>
    %mul3A_95 = arith.mulf %mul3A_93, %mul3A_94 : vector<16x512xf32>
    %mul3A_96 = vector.broadcast %div3A_60 : vector<1024x1xf32> to vector<1024x16xf32>
    %mul3A_97 = arith.mulf %convert_element_type3A_68, %mul3A_96 : vector<1024x16xf32>
    %concatenate3A_98 = tpu.concatenate %mul3A_97, %convert_element_type3A_68 in 1 : vector<1024x16xf32>, vector<1024x16xf32> -> vector<1024x32xf32>
    %concatenate3A_99 = tpu.concatenate %dot_general3A_87, %mul3A_95 in 0 : vector<16x512xf32>, vector<16x512xf32> -> vector<32x512xf32>
    %dot_general3A_100 = arith.constant dense<0.000000e+00> : vector<1024x512xf32>
    %dot_general3A_101 = tpu.matmul %concatenate3A_98, %concatenate3A_99, %dot_general3A_100 {dimension_numbers = #tpu.dot_dimension_numbers<[1], [0], [0], [1], [0, 0, 1, 1], [], []>, transpose_lhs_hint = false} : vector<1024x32xf32>, vector<32x512xf32>, vector<1024x512xf32> -> vector<1024x512xf32>
    %add3A_102 = arith.addf %dot_general3A_43, %dot_general3A_101 : vector<1024x512xf32>
    %get3A_103 = arith.constant 0 : index
    %get3A_104 = arith.constant 0 : index
    %get3A_105 = vector.load %arg9[%get3A_103, %get3A_104] : memref<1x224xf32, #tpu.memory_space<vmem>>, vector<1x224xf32>
    %get3A_106 = arith.constant 0 : index
    %get3A_107 = arith.constant 0 : index
    %get3A_108 = vector.load %arg10[%get3A_106, %get3A_107] : memref<128x224xf32, #tpu.memory_space<vmem>>, vector<128x224xf32>
    %dot_general3A_109 = arith.constant dense<0.000000e+00> : vector<1x128xf32>
    %dot_general3A_110 = tpu.matmul %get3A_105, %get3A_108, %dot_general3A_109 {dimension_numbers = #tpu.dot_dimension_numbers<[1], [1], [0], [0], [0, 0, 1, 0], [], []>, transpose_lhs_hint = false} : vector<1x224xf32>, vector<128x224xf32>, vector<1x128xf32> -> vector<1x128xf32>
    %get3A_111 = arith.constant 0 : index
    %get3A_112 = arith.constant 0 : index
    %get3A_113 = vector.load %arg11[%get3A_111, %get3A_112] : memref<1x128xf32, #tpu.memory_space<vmem>>, vector<1x128xf32>
    %add3A_114 = arith.addf %dot_general3A_110, %get3A_113 : vector<1x128xf32>
    %reduce_sum3A_115 = arith.constant dense<0.000000e+00> : vector<1xf32>
    %reduce_sum3A_116 = vector.multi_reduction <add>, %add3A_114, %reduce_sum3A_115 [1] : vector<1x128xf32> to vector<1xf32>
    %broadcast_in_dim3A_117 = vector.shape_cast %reduce_sum3A_116 : vector<1xf32> to vector<1x1xf32>
    %div3A_118 = arith.constant 1.280000e+02 : f32
    %div3A_119 = vector.broadcast %div3A_118 : f32 to vector<1x1xf32>
    %div3A_120 = arith.divf %broadcast_in_dim3A_117, %div3A_119 : vector<1x1xf32>
    %sub3A_121 = vector.broadcast %div3A_120 : vector<1x1xf32> to vector<1x128xf32>
    %sub3A_122 = arith.subf %add3A_114, %sub3A_121 : vector<1x128xf32>
    %integer_pow3A = arith.mulf %sub3A_122, %sub3A_122 : vector<1x128xf32>
    %reduce_sum3A_123 = arith.constant dense<0.000000e+00> : vector<1xf32>
    %reduce_sum3A_124 = vector.multi_reduction <add>, %integer_pow3A, %reduce_sum3A_123 [1] : vector<1x128xf32> to vector<1xf32>
    %broadcast_in_dim3A_125 = vector.shape_cast %reduce_sum3A_124 : vector<1xf32> to vector<1x1xf32>
    %div3A_126 = arith.constant 1.280000e+02 : f32
    %div3A_127 = vector.broadcast %div3A_126 : f32 to vector<1x1xf32>
    %div3A_128 = arith.divf %broadcast_in_dim3A_125, %div3A_127 : vector<1x1xf32>
    %sub3A_129 = vector.broadcast %div3A_120 : vector<1x1xf32> to vector<1x128xf32>
    %sub3A_130 = arith.subf %add3A_114, %sub3A_129 : vector<1x128xf32>
    %add3A_131 = arith.constant 9.99999974E-6 : f32
    %add3A_132 = vector.broadcast %add3A_131 : f32 to vector<1x1xf32>
    %add3A_133 = arith.addf %div3A_128, %add3A_132 : vector<1x1xf32>
    %rsqrt3A_134 = math.rsqrt %add3A_133 : vector<1x1xf32>
    %mul3A_135 = vector.broadcast %rsqrt3A_134 : vector<1x1xf32> to vector<1x128xf32>
    %mul3A_136 = arith.mulf %sub3A_130, %mul3A_135 : vector<1x128xf32>
    %get3A_137 = arith.constant 0 : index
    %get3A_138 = arith.constant 0 : index
    %get3A_139 = vector.load %arg12[%get3A_137, %get3A_138] : memref<1x128xf32, #tpu.memory_space<vmem>>, vector<1x128xf32>
    %mul3A_140 = arith.mulf %mul3A_136, %get3A_139 : vector<1x128xf32>
    %get3A_141 = arith.constant 0 : index
    %get3A_142 = arith.constant 0 : index
    %get3A_143 = vector.load %arg13[%get3A_141, %get3A_142] : memref<1x128xf32, #tpu.memory_space<vmem>>, vector<1x128xf32>
    %add3A_144 = arith.addf %mul3A_140, %get3A_143 : vector<1x128xf32>
    %dot_general3A_145 = arith.constant dense<0.000000e+00> : vector<1x512xf32>
    %dot_general3A_146 = tpu.matmul %add3A_144, %get3A_41, %dot_general3A_145 {dimension_numbers = #tpu.dot_dimension_numbers<[1], [1], [0], [0], [0, 0, 1, 0], [], []>, transpose_lhs_hint = false} : vector<1x128xf32>, vector<512x128xf32>, vector<1x512xf32> -> vector<1x512xf32>
    %get3A_147 = arith.constant 0 : index
    %get3A_148 = arith.constant 0 : index
    %get3A_149 = vector.load %arg15[%get3A_147, %get3A_148] : memref<1x512xf32, #tpu.memory_space<vmem>>, vector<1x512xf32>
    %add3A_150 = arith.addf %dot_general3A_146, %get3A_149 : vector<1x512xf32>
    %add3A_151 = vector.broadcast %add3A_150 : vector<1x512xf32> to vector<1024x512xf32>
    %add3A_152 = arith.addf %add3A_102, %add3A_151 : vector<1024x512xf32>
    %mul3A_153 = arith.constant 5.000000e-01 : f32
    %mul3A_154 = vector.broadcast %mul3A_153 : f32 to vector<1024x512xf32>
    %mul3A_155 = arith.mulf %add3A_152, %mul3A_154 : vector<1024x512xf32>
    %mul3A_156 = arith.constant 0.707106769 : f32
    %mul3A_157 = vector.broadcast %mul3A_156 : f32 to vector<1024x512xf32>
    %mul3A_158 = arith.mulf %add3A_152, %mul3A_157 : vector<1024x512xf32>
    %erf3A = math.erf %mul3A_158 : vector<1024x512xf32>
    %add3A_159 = arith.constant 1.000000e+00 : f32
    %add3A_160 = vector.broadcast %add3A_159 : f32 to vector<1024x512xf32>
    %add3A_161 = arith.addf %add3A_160, %erf3A : vector<1024x512xf32>
    %mul3A_162 = arith.mulf %mul3A_155, %add3A_161 : vector<1024x512xf32>
    %dot_general3A_163 = arith.constant dense<0.000000e+00> : vector<1024x1xf32>
    %dot_general3A_164 = tpu.matmul %mul3A_162, %broadcast_in_dim3A_0, %dot_general3A_163 {dimension_numbers = #tpu.dot_dimension_numbers<[1], [0], [0], [1], [0, 0, 1, 1], [], []>, transpose_lhs_hint = false} : vector<1024x512xf32>, vector<512x1xf32>, vector<1024x1xf32> -> vector<1024x1xf32>
    %mul3A_165 = arith.constant 0.001953125 : f32
    %mul3A_166 = vector.broadcast %mul3A_165 : f32 to vector<1024x1xf32>
    %mul3A_167 = arith.mulf %dot_general3A_164, %mul3A_166 : vector<1024x1xf32>
    %mul3A_168 = arith.mulf %mul3A_162, %mul3A_162 : vector<1024x512xf32>
    %dot_general3A_169 = arith.constant dense<0.000000e+00> : vector<1024x1xf32>
    %dot_general3A_170 = tpu.matmul %mul3A_168, %broadcast_in_dim3A_0, %dot_general3A_169 {dimension_numbers = #tpu.dot_dimension_numbers<[1], [0], [0], [1], [0, 0, 1, 1], [], []>, transpose_lhs_hint = false} : vector<1024x512xf32>, vector<512x1xf32>, vector<1024x1xf32> -> vector<1024x1xf32>
    %mul3A_171 = arith.constant 0.001953125 : f32
    %mul3A_172 = vector.broadcast %mul3A_171 : f32 to vector<1024x1xf32>
    %mul3A_173 = arith.mulf %dot_general3A_170, %mul3A_172 : vector<1024x1xf32>
    %mul3A_174 = arith.mulf %mul3A_167, %mul3A_167 : vector<1024x1xf32>
    %sub3A_175 = arith.subf %mul3A_173, %mul3A_174 : vector<1024x1xf32>
    %sub3A_176 = vector.broadcast %mul3A_167 : vector<1024x1xf32> to vector<1024x512xf32>
    %sub3A_177 = arith.subf %mul3A_162, %sub3A_176 : vector<1024x512xf32>
    %add3A_178 = arith.constant 9.99999974E-6 : f32
    %add3A_179 = vector.broadcast %add3A_178 : f32 to vector<1024x1xf32>
    %add3A_180 = arith.addf %sub3A_175, %add3A_179 : vector<1024x1xf32>
    %rsqrt3A_181 = math.rsqrt %add3A_180 : vector<1024x1xf32>
    %mul3A_182 = vector.broadcast %rsqrt3A_181 : vector<1024x1xf32> to vector<1024x512xf32>
    %mul3A_183 = arith.mulf %sub3A_177, %mul3A_182 : vector<1024x512xf32>
    %get3A_184 = arith.constant 0 : index
    %get3A_185 = arith.constant 0 : index
    %get3A_186 = vector.load %arg16[%get3A_184, %get3A_185] : memref<1x512xf32, #tpu.memory_space<vmem>>, vector<1x512xf32>
    %mul3A_187 = vector.broadcast %get3A_186 : vector<1x512xf32> to vector<1024x512xf32>
    %mul3A_188 = arith.mulf %mul3A_183, %mul3A_187 : vector<1024x512xf32>
    %get3A_189 = arith.constant 0 : index
    %get3A_190 = arith.constant 0 : index
    %get3A_191 = vector.load %arg17[%get3A_189, %get3A_190] : memref<1x512xf32, #tpu.memory_space<vmem>>, vector<1x512xf32>
    %add3A_192 = vector.broadcast %get3A_191 : vector<1x512xf32> to vector<1024x512xf32>
    %add3A_193 = arith.addf %mul3A_188, %add3A_192 : vector<1024x512xf32>
    %reshape3A = vector.shape_cast %add3A_193 : vector<1024x512xf32> to vector<2x512x512xf32>
    %swap3A = arith.constant 0 : index
    %swap3A_194 = arith.constant 0 : index
    %swap3A_195 = arith.constant 0 : index
    %swap3A_196 = vector.load %arg18[%swap3A, %swap3A_194, %swap3A_195] : memref<2x512x512xf32, #tpu.memory_space<vmem>>, vector<2x512x512xf32>
    tpu.vector_store %arg18[%swap3A, %swap3A_194, %swap3A_195], %reshape3A {strides = array<i32>} : memref<2x512x512xf32, #tpu.memory_space<vmem>>, vector<2x512x512xf32>,
    return
  }
  func.func @transform_0(%arg0: i32) -> (i32, i32) {
    %c0_i32 = arith.constant 0 : i32
    %c0_i32_0 = arith.constant 0 : i32
    return %arg0, %c0_i32 : i32, i32
  }
  func.func @transform_1(%arg0: i32) -> (i32, i32) {
    %c0_i32 = arith.constant 0 : i32
    %c0_i32_0 = arith.constant 0 : i32
    return %arg0, %c0_i32 : i32, i32
  }
  func.func @transform_2(%arg0: i32) -> (i32, i32) {
    %c0_i32 = arith.constant 0 : i32
    %c0_i32_0 = arith.constant 0 : i32
    %c0_i32_1 = arith.constant 0 : i32
    return %c0_i32, %c0_i32_0 : i32, i32
  }
  func.func @transform_3(%arg0: i32) -> (i32, i32) {
    %c0_i32 = arith.constant 0 : i32
    %c0_i32_0 = arith.constant 0 : i32
    %c0_i32_1 = arith.constant 0 : i32
    return %c0_i32, %c0_i32_0 : i32, i32
  }
  func.func @transform_4(%arg0: i32) -> (i32, i32) {
    %c0_i32 = arith.constant 0 : i32
    %c0_i32_0 = arith.constant 0 : i32
    %c0_i32_1 = arith.constant 0 : i32
    return %c0_i32, %c0_i32_0 : i32, i32
  }
  func.func @transform_5(%arg0: i32) -> (i32, i32) {
    %c0_i32 = arith.constant 0 : i32
    %c0_i32_0 = arith.constant 0 : i32
    %c0_i32_1 = arith.constant 0 : i32
    return %c0_i32, %c0_i32_0 : i32, i32
  }
  func.func @transform_6(%arg0: i32) -> (i32, i32) {
    %c0_i32 = arith.constant 0 : i32
    %c0_i32_0 = arith.constant 0 : i32
    %c0_i32_1 = arith.constant 0 : i32
    return %c0_i32, %c0_i32_0 : i32, i32
  }
  func.func @transform_7(%arg0: i32) -> (i32, i32) {
    %c0_i32 = arith.constant 0 : i32
    %c0_i32_0 = arith.constant 0 : i32
    %c0_i32_1 = arith.constant 0 : i32
    return %c0_i32, %c0_i32_0 : i32, i32
  }
  func.func @transform_8(%arg0: i32) -> (i32, i32) {
    %c0_i32 = arith.constant 0 : i32
    %c0_i32_0 = arith.constant 0 : i32
    %c0_i32_1 = arith.constant 0 : i32
    return %c0_i32, %c0_i32_0 : i32, i32
  }
  func.func @transform_9(%arg0: i32) -> (i32, i32) {
    %c0_i32 = arith.constant 0 : i32
    %c0_i32_0 = arith.constant 0 : i32
    %c0_i32_1 = arith.constant 0 : i32
    return %c0_i32, %c0_i32_0 : i32, i32
  }
  func.func @transform_10(%arg0: i32) -> (i32, i32) {
    %c0_i32 = arith.constant 0 : i32
    %c0_i32_0 = arith.constant 0 : i32
    %c0_i32_1 = arith.constant 0 : i32
    return %c0_i32, %c0_i32_0 : i32, i32
  }
  func.func @transform_11(%arg0: i32) -> (i32, i32) {
    %c0_i32 = arith.constant 0 : i32
    %c0_i32_0 = arith.constant 0 : i32
    %c0_i32_1 = arith.constant 0 : i32
    return %c0_i32, %c0_i32_0 : i32, i32
  }
  func.func @transform_12(%arg0: i32) -> (i32, i32) {
    %c0_i32 = arith.constant 0 : i32
    %c0_i32_0 = arith.constant 0 : i32
    %c0_i32_1 = arith.constant 0 : i32
    return %c0_i32, %c0_i32_0 : i32, i32
  }
  func.func @transform_13(%arg0: i32) -> (i32, i32) {
    %c0_i32 = arith.constant 0 : i32
    %c0_i32_0 = arith.constant 0 : i32
    %c0_i32_1 = arith.constant 0 : i32
    return %c0_i32, %c0_i32_0 : i32, i32
  }
  func.func @transform_14(%arg0: i32) -> (i32, i32) {
    %c0_i32 = arith.constant 0 : i32
    %c0_i32_0 = arith.constant 0 : i32
    %c0_i32_1 = arith.constant 0 : i32
    return %c0_i32, %c0_i32_0 : i32, i32
  }
  func.func @transform_15(%arg0: i32) -> (i32, i32) {
    %c0_i32 = arith.constant 0 : i32
    %c0_i32_0 = arith.constant 0 : i32
    %c0_i32_1 = arith.constant 0 : i32
    return %c0_i32, %c0_i32_0 : i32, i32
  }
  func.func @transform_16(%arg0: i32) -> (i32, i32) {
    %c0_i32 = arith.constant 0 : i32
    %c0_i32_0 = arith.constant 0 : i32
    %c0_i32_1 = arith.constant 0 : i32
    return %c0_i32, %c0_i32_0 : i32, i32
  }
  func.func @transform_17(%arg0: i32) -> (i32, i32, i32) {
    %add3A = arith.constant 0 : i32
    %add3A_0 = arith.addi %add3A, %arg0 : i32
    %c0_i32 = arith.constant 0 : i32
    %c0_i32_1 = arith.constant 0 : i32
    %c0_i32_2 = arith.constant 0 : i32
    return %add3A_0, %c0_i32, %c0_i32_1 : i32, i32, i32
  }
}

module attributes {stable_mosaic.version = 14 : i64} {
  func.func @_tc_body_chain(%arg0: i32, %arg1: memref<64x512x512xf32, #tpu.memory_space<any>>, %arg2: memref<1024x512xf32, #tpu.memory_space<vmem>>, %arg3: memref<1024x128xf32, #tpu.memory_space<vmem>>, %arg4: memref<512x512xf32, #tpu.memory_space<vmem>>, %arg5: memref<16x256xf32, #tpu.memory_space<vmem>>, %arg6: memref<256x256xf32, #tpu.memory_space<vmem>>, %arg7: memref<1x256xf32, #tpu.memory_space<vmem>>, %arg8: memref<1x512xf32, #tpu.memory_space<vmem>>, %arg9: memref<1x512xf32, #tpu.memory_space<vmem>>, %arg10: memref<1x224xf32, #tpu.memory_space<vmem>>, %arg11: memref<128x224xf32, #tpu.memory_space<vmem>>, %arg12: memref<1x128xf32, #tpu.memory_space<vmem>>, %arg13: memref<1x128xf32, #tpu.memory_space<vmem>>, %arg14: memref<1x128xf32, #tpu.memory_space<vmem>>, %arg15: memref<512x896xf32, #tpu.memory_space<vmem>>, %arg16: memref<1x512xf32, #tpu.memory_space<vmem>>, %arg17: memref<1x512xf32, #tpu.memory_space<vmem>>, %arg18: memref<1x512xf32, #tpu.memory_space<vmem>>, %arg19: memref<2x512x512xf32, #tpu.memory_space<vmem>>) attributes {dimension_semantics = [#tpu.dimension_semantics<arbitrary>], iteration_bounds = array<i64: 8>, scalar_prefetch = 0 : i64, scratch_operands = 0 : i64, tpu.core_type = #tpu.core_type<tc>, window_params = [{}, {transform_indices = @transform_1, window_bounds = array<i64: 1024, 512>}, {transform_indices = @transform_2, window_bounds = array<i64: 1024, 128>}, {pipeline_mode = #tpu.pipeline_mode<synchronous>, transform_indices = @transform_3, window_bounds = array<i64: 512, 512>}, {pipeline_mode = #tpu.pipeline_mode<synchronous>, transform_indices = @transform_4, window_bounds = array<i64: 16, 256>}, {pipeline_mode = #tpu.pipeline_mode<synchronous>, transform_indices = @transform_5, window_bounds = array<i64: 256, 256>}, {pipeline_mode = #tpu.pipeline_mode<synchronous>, transform_indices = @transform_6, window_bounds = array<i64: 1, 256>}, {pipeline_mode = #tpu.pipeline_mode<synchronous>, transform_indices = @transform_7, window_bounds = array<i64: 1, 512>}, {pipeline_mode = #tpu.pipeline_mode<synchronous>, transform_indices = @transform_8, window_bounds = array<i64: 1, 512>}, {pipeline_mode = #tpu.pipeline_mode<synchronous>, transform_indices = @transform_9, window_bounds = array<i64: 1, 224>}, {pipeline_mode = #tpu.pipeline_mode<synchronous>, transform_indices = @transform_10, window_bounds = array<i64: 128, 224>}, {pipeline_mode = #tpu.pipeline_mode<synchronous>, transform_indices = @transform_11, window_bounds = array<i64: 1, 128>}, {pipeline_mode = #tpu.pipeline_mode<synchronous>, transform_indices = @transform_12, window_bounds = array<i64: 1, 128>}, {pipeline_mode = #tpu.pipeline_mode<synchronous>, transform_indices = @transform_13, window_bounds = array<i64: 1, 128>}, {pipeline_mode = #tpu.pipeline_mode<synchronous>, transform_indices = @transform_14, window_bounds = array<i64: 512, 896>}, {pipeline_mode = #tpu.pipeline_mode<synchronous>, transform_indices = @transform_15, window_bounds = array<i64: 1, 512>}, {pipeline_mode = #tpu.pipeline_mode<synchronous>, transform_indices = @transform_16, window_bounds = array<i64: 1, 512>}, {pipeline_mode = #tpu.pipeline_mode<synchronous>, transform_indices = @transform_17, window_bounds = array<i64: 1, 512>}, {transform_indices = @transform_18, window_bounds = array<i64: 2, 512, 512>}]} {
    %broadcast_in_dim3A = arith.constant 1.000000e+00 : f32
    %broadcast_in_dim3A_0 = vector.broadcast %broadcast_in_dim3A : f32 to vector<512x1xf32>
    %get3A = arith.constant 0 : index
    %get3A_1 = arith.constant 0 : index
    %get3A_2 = vector.load %arg4[%get3A, %get3A_1] : memref<512x512xf32, #tpu.memory_space<vmem>>, vector<512x512xf32>
    %get3A_3 = arith.constant 0 : index
    %get3A_4 = arith.constant 0 : index
    %get3A_5 = vector.load %arg2[%get3A_3, %get3A_4] : memref<1024x512xf32, #tpu.memory_space<vmem>>, vector<1024x512xf32>
    %concatenate3A = tpu.concatenate %get3A_2, %get3A_2 in 0 : vector<512x512xf32>, vector<512x512xf32> -> vector<1024x512xf32>
    %add3A = arith.addf %get3A_5, %concatenate3A : vector<1024x512xf32>
    %dot_general3A = arith.constant dense<0.000000e+00> : vector<1024x1xf32>
    %dot_general3A_6 = tpu.matmul %add3A, %broadcast_in_dim3A_0, %dot_general3A {dimension_numbers = #tpu.dot_dimension_numbers<[1], [0], [0], [1], [0, 0, 1, 1], [], []>, transpose_lhs_hint = false} : vector<1024x512xf32>, vector<512x1xf32>, vector<1024x1xf32> -> vector<1024x1xf32>
    %mul3A = arith.constant 0.001953125 : f32
    %mul3A_7 = vector.broadcast %mul3A : f32 to vector<1024x1xf32>
    %mul3A_8 = arith.mulf %dot_general3A_6, %mul3A_7 : vector<1024x1xf32>
    %mul3A_9 = arith.mulf %add3A, %add3A : vector<1024x512xf32>
    %dot_general3A_10 = arith.constant dense<0.000000e+00> : vector<1024x1xf32>
    %dot_general3A_11 = tpu.matmul %mul3A_9, %broadcast_in_dim3A_0, %dot_general3A_10 {dimension_numbers = #tpu.dot_dimension_numbers<[1], [0], [0], [1], [0, 0, 1, 1], [], []>, transpose_lhs_hint = false} : vector<1024x512xf32>, vector<512x1xf32>, vector<1024x1xf32> -> vector<1024x1xf32>
    %mul3A_12 = arith.constant 0.001953125 : f32
    %mul3A_13 = vector.broadcast %mul3A_12 : f32 to vector<1024x1xf32>
    %mul3A_14 = arith.mulf %dot_general3A_11, %mul3A_13 : vector<1024x1xf32>
    %mul3A_15 = arith.mulf %mul3A_8, %mul3A_8 : vector<1024x1xf32>
    %sub3A = arith.subf %mul3A_14, %mul3A_15 : vector<1024x1xf32>
    %sub3A_16 = vector.broadcast %mul3A_8 : vector<1024x1xf32> to vector<1024x512xf32>
    %sub3A_17 = arith.subf %add3A, %sub3A_16 : vector<1024x512xf32>
    %add3A_18 = arith.constant 9.99999974E-6 : f32
    %add3A_19 = vector.broadcast %add3A_18 : f32 to vector<1024x1xf32>
    %add3A_20 = arith.addf %sub3A, %add3A_19 : vector<1024x1xf32>
    %rsqrt3A = math.rsqrt %add3A_20 : vector<1024x1xf32>
    %mul3A_21 = vector.broadcast %rsqrt3A : vector<1024x1xf32> to vector<1024x512xf32>
    %mul3A_22 = arith.mulf %sub3A_17, %mul3A_21 : vector<1024x512xf32>
    %get3A_23 = arith.constant 0 : index
    %get3A_24 = arith.constant 0 : index
    %get3A_25 = vector.load %arg8[%get3A_23, %get3A_24] : memref<1x512xf32, #tpu.memory_space<vmem>>, vector<1x512xf32>
    %mul3A_26 = vector.broadcast %get3A_25 : vector<1x512xf32> to vector<1024x512xf32>
    %mul3A_27 = arith.mulf %mul3A_22, %mul3A_26 : vector<1024x512xf32>
    %get3A_28 = arith.constant 0 : index
    %get3A_29 = arith.constant 0 : index
    %get3A_30 = vector.load %arg9[%get3A_28, %get3A_29] : memref<1x512xf32, #tpu.memory_space<vmem>>, vector<1x512xf32>
    %add3A_31 = vector.broadcast %get3A_30 : vector<1x512xf32> to vector<1024x512xf32>
    %add3A_32 = arith.addf %mul3A_27, %add3A_31 : vector<1024x512xf32>
    %get3A_33 = arith.constant 0 : index
    %get3A_34 = arith.constant 0 : index
    %get3A_35 = vector.load %arg15[%get3A_33, %get3A_34] : memref<512x896xf32, #tpu.memory_space<vmem>>, vector<512x512xf32>
    %get3A_36 = arith.constant 0 : index
    %get3A_37 = arith.constant 512 : index
    %get3A_38 = vector.load %arg15[%get3A_36, %get3A_37] : memref<512x896xf32, #tpu.memory_space<vmem>>, vector<512x256xf32>
    %get3A_39 = arith.constant 0 : index
    %get3A_40 = arith.constant 768 : index
    %get3A_41 = vector.load %arg15[%get3A_39, %get3A_40] : memref<512x896xf32, #tpu.memory_space<vmem>>, vector<512x128xf32>
    %dot_general3A_42 = arith.constant dense<0.000000e+00> : vector<1024x512xf32>
    %dot_general3A_43 = tpu.matmul %add3A_32, %get3A_35, %dot_general3A_42 {dimension_numbers = #tpu.dot_dimension_numbers<[1], [1], [0], [0], [0, 0, 1, 0], [], []>, transpose_lhs_hint = false} : vector<1024x512xf32>, vector<512x512xf32>, vector<1024x512xf32> -> vector<1024x512xf32>
    %get3A_44 = arith.constant 0 : index
    %get3A_45 = arith.constant 0 : index
    %get3A_46 = vector.load %arg3[%get3A_44, %get3A_45] : memref<1024x128xf32, #tpu.memory_space<vmem>>, vector<1024x16xf32>
    %iota3A = tpu.iota {dimensions = array<i32: 1>} : vector<1024x16xi32>
    %lt3A = arith.constant 10 : i32
    %lt3A_47 = vector.broadcast %lt3A : i32 to vector<1024x16xi32>
    %lt3A_48 = arith.cmpi slt, %iota3A, %lt3A_47 : vector<1024x16xi32>
    %jit3A = arith.constant -1.000000e+30 : f32
    %broadcast_in_dim3A_49 = vector.broadcast %jit3A : f32 to vector<1024x16xf32>
    %select_n3A = arith.select %lt3A_48, %get3A_46, %broadcast_in_dim3A_49 : vector<1024x16xi1>, vector<1024x16xf32>
    %reduce_max3A = arith.constant dense<0xFF800000> : vector<1024xf32>
    %reduce_max3A_50 = vector.multi_reduction <maximumf>, %select_n3A, %reduce_max3A [1] : vector<1024x16xf32> to vector<1024xf32>
    %broadcast_in_dim3A_51 = vector.shape_cast %reduce_max3A_50 : vector<1024xf32> to vector<1024x1xf32>
    %sub3A_52 = vector.broadcast %broadcast_in_dim3A_51 : vector<1024x1xf32> to vector<1024x16xf32>
    %sub3A_53 = arith.subf %get3A_46, %sub3A_52 : vector<1024x16xf32>
    %exp3A = math.exp %sub3A_53 : vector<1024x16xf32>
    %jit3A_54 = arith.constant 0.000000e+00 : f32
    %broadcast_in_dim3A_55 = vector.broadcast %jit3A_54 : f32 to vector<1024x16xf32>
    %select_n3A_56 = arith.select %lt3A_48, %exp3A, %broadcast_in_dim3A_55 : vector<1024x16xi1>, vector<1024x16xf32>
    %reduce_sum3A = arith.constant dense<0.000000e+00> : vector<1024xf32>
    %reduce_sum3A_57 = vector.multi_reduction <add>, %select_n3A_56, %reduce_sum3A [1] : vector<1024x16xf32> to vector<1024xf32>
    %broadcast_in_dim3A_58 = vector.shape_cast %reduce_sum3A_57 : vector<1024xf32> to vector<1024x1xf32>
    %div3A = arith.constant 1.000000e+00 : f32
    %div3A_59 = vector.broadcast %div3A : f32 to vector<1024x1xf32>
    %div3A_60 = arith.divf %div3A_59, %broadcast_in_dim3A_58 : vector<1024x1xf32>
    %ge3A = vector.broadcast %broadcast_in_dim3A_51 : vector<1024x1xf32> to vector<1024x16xf32>
    %ge3A_61 = arith.cmpf oge, %get3A_46, %ge3A : vector<1024x16xf32>
    %and3A = arith.andi %lt3A_48, %ge3A_61 : vector<1024x16xi1>
    %jit3A_62 = arith.constant 127 : i32
    %broadcast_in_dim3A_63 = vector.broadcast %jit3A_62 : i32 to vector<1024x16xi32>
    %select_n3A_64 = arith.select %and3A, %iota3A, %broadcast_in_dim3A_63 : vector<1024x16xi1>, vector<1024x16xi32>
    %reduce_min3A = arith.constant dense<2147483647> : vector<1024xi32>
    %reduce_min3A_65 = vector.multi_reduction <minsi>, %select_n3A_64, %reduce_min3A [1] : vector<1024x16xi32> to vector<1024xi32>
    %broadcast_in_dim3A_66 = vector.shape_cast %reduce_min3A_65 : vector<1024xi32> to vector<1024x1xi32>
    %eq3A = vector.broadcast %broadcast_in_dim3A_66 : vector<1024x1xi32> to vector<1024x16xi32>
    %eq3A_67 = arith.cmpi eq, %iota3A, %eq3A : vector<1024x16xi32>
    %convert_element_type3A = arith.extui %eq3A_67 : vector<1024x16xi1> to vector<1024x16xi32>
    %convert_element_type3A_68 = arith.sitofp %convert_element_type3A : vector<1024x16xi32> to vector<1024x16xf32>
    %get3A_69 = arith.constant 0 : index
    %get3A_70 = arith.constant 0 : index
    %get3A_71 = vector.load %arg5[%get3A_69, %get3A_70] : memref<16x256xf32, #tpu.memory_space<vmem>>, vector<16x256xf32>
    %iota3A_72 = tpu.iota {dimensions = array<i32: 0>} : vector<16x1xi32>
    %eq3A_73 = arith.constant 8 : i32
    %eq3A_74 = vector.broadcast %eq3A_73 : i32 to vector<16x1xi32>
    %eq3A_75 = arith.cmpi eq, %iota3A_72, %eq3A_74 : vector<16x1xi32>
    %convert_element_type3A_76 = arith.extui %eq3A_75 : vector<16x1xi1> to vector<16x1xi32>
    %convert_element_type3A_77 = arith.sitofp %convert_element_type3A_76 : vector<16x1xi32> to vector<16x1xf32>
    %get3A_78 = arith.constant 0 : index
    %get3A_79 = arith.constant 0 : index
    %get3A_80 = vector.load %arg6[%get3A_78, %get3A_79] : memref<256x256xf32, #tpu.memory_space<vmem>>, vector<256x256xf32>
    %dot_general3A_81 = arith.constant dense<0.000000e+00> : vector<16x256xf32>
    %dot_general3A_82 = tpu.matmul %get3A_71, %get3A_80, %dot_general3A_81 {dimension_numbers = #tpu.dot_dimension_numbers<[1], [1], [0], [0], [0, 0, 1, 0], [], []>, transpose_lhs_hint = false} : vector<16x256xf32>, vector<256x256xf32>, vector<16x256xf32> -> vector<16x256xf32>
    %mul3A_83 = vector.broadcast %convert_element_type3A_77 : vector<16x1xf32> to vector<16x256xf32>
    %mul3A_84 = arith.mulf %mul3A_83, %dot_general3A_82 : vector<16x256xf32>
    %add3A_85 = arith.addf %get3A_71, %mul3A_84 : vector<16x256xf32>
    %dot_general3A_86 = arith.constant dense<0.000000e+00> : vector<16x512xf32>
    %dot_general3A_87 = tpu.matmul %add3A_85, %get3A_38, %dot_general3A_86 {dimension_numbers = #tpu.dot_dimension_numbers<[1], [1], [0], [0], [0, 0, 1, 0], [], []>, transpose_lhs_hint = false} : vector<16x256xf32>, vector<512x256xf32>, vector<16x512xf32> -> vector<16x512xf32>
    %get3A_88 = arith.constant 0 : index
    %get3A_89 = arith.constant 0 : index
    %get3A_90 = vector.load %arg7[%get3A_88, %get3A_89] : memref<1x256xf32, #tpu.memory_space<vmem>>, vector<1x256xf32>
    %dot_general3A_91 = arith.constant dense<0.000000e+00> : vector<1x512xf32>
    %dot_general3A_92 = tpu.matmul %get3A_90, %get3A_38, %dot_general3A_91 {dimension_numbers = #tpu.dot_dimension_numbers<[1], [1], [0], [0], [0, 0, 1, 0], [], []>, transpose_lhs_hint = false} : vector<1x256xf32>, vector<512x256xf32>, vector<1x512xf32> -> vector<1x512xf32>
    %mul3A_93 = vector.broadcast %convert_element_type3A_77 : vector<16x1xf32> to vector<16x512xf32>
    %mul3A_94 = vector.broadcast %dot_general3A_92 : vector<1x512xf32> to vector<16x512xf32>
    %mul3A_95 = arith.mulf %mul3A_93, %mul3A_94 : vector<16x512xf32>
    %mul3A_96 = vector.broadcast %div3A_60 : vector<1024x1xf32> to vector<1024x16xf32>
    %mul3A_97 = arith.mulf %convert_element_type3A_68, %mul3A_96 : vector<1024x16xf32>
    %concatenate3A_98 = tpu.concatenate %mul3A_97, %convert_element_type3A_68 in 1 : vector<1024x16xf32>, vector<1024x16xf32> -> vector<1024x32xf32>
    %concatenate3A_99 = tpu.concatenate %dot_general3A_87, %mul3A_95 in 0 : vector<16x512xf32>, vector<16x512xf32> -> vector<32x512xf32>
    %dot_general3A_100 = arith.constant dense<0.000000e+00> : vector<1024x512xf32>
    %dot_general3A_101 = tpu.matmul %concatenate3A_98, %concatenate3A_99, %dot_general3A_100 {dimension_numbers = #tpu.dot_dimension_numbers<[1], [0], [0], [1], [0, 0, 1, 1], [], []>, transpose_lhs_hint = false} : vector<1024x32xf32>, vector<32x512xf32>, vector<1024x512xf32> -> vector<1024x512xf32>
    %add3A_102 = arith.addf %dot_general3A_43, %dot_general3A_101 : vector<1024x512xf32>
    %get3A_103 = arith.constant 0 : index
    %get3A_104 = arith.constant 0 : index
    %get3A_105 = vector.load %arg10[%get3A_103, %get3A_104] : memref<1x224xf32, #tpu.memory_space<vmem>>, vector<1x224xf32>
    %get3A_106 = arith.constant 0 : index
    %get3A_107 = arith.constant 0 : index
    %get3A_108 = vector.load %arg11[%get3A_106, %get3A_107] : memref<128x224xf32, #tpu.memory_space<vmem>>, vector<128x224xf32>
    %dot_general3A_109 = arith.constant dense<0.000000e+00> : vector<1x128xf32>
    %dot_general3A_110 = tpu.matmul %get3A_105, %get3A_108, %dot_general3A_109 {dimension_numbers = #tpu.dot_dimension_numbers<[1], [1], [0], [0], [0, 0, 1, 0], [], []>, transpose_lhs_hint = false} : vector<1x224xf32>, vector<128x224xf32>, vector<1x128xf32> -> vector<1x128xf32>
    %get3A_111 = arith.constant 0 : index
    %get3A_112 = arith.constant 0 : index
    %get3A_113 = vector.load %arg12[%get3A_111, %get3A_112] : memref<1x128xf32, #tpu.memory_space<vmem>>, vector<1x128xf32>
    %add3A_114 = arith.addf %dot_general3A_110, %get3A_113 : vector<1x128xf32>
    %reduce_sum3A_115 = arith.constant dense<0.000000e+00> : vector<1xf32>
    %reduce_sum3A_116 = vector.multi_reduction <add>, %add3A_114, %reduce_sum3A_115 [1] : vector<1x128xf32> to vector<1xf32>
    %broadcast_in_dim3A_117 = vector.shape_cast %reduce_sum3A_116 : vector<1xf32> to vector<1x1xf32>
    %div3A_118 = arith.constant 1.280000e+02 : f32
    %div3A_119 = vector.broadcast %div3A_118 : f32 to vector<1x1xf32>
    %div3A_120 = arith.divf %broadcast_in_dim3A_117, %div3A_119 : vector<1x1xf32>
    %sub3A_121 = vector.broadcast %div3A_120 : vector<1x1xf32> to vector<1x128xf32>
    %sub3A_122 = arith.subf %add3A_114, %sub3A_121 : vector<1x128xf32>
    %integer_pow3A = arith.mulf %sub3A_122, %sub3A_122 : vector<1x128xf32>
    %reduce_sum3A_123 = arith.constant dense<0.000000e+00> : vector<1xf32>
    %reduce_sum3A_124 = vector.multi_reduction <add>, %integer_pow3A, %reduce_sum3A_123 [1] : vector<1x128xf32> to vector<1xf32>
    %broadcast_in_dim3A_125 = vector.shape_cast %reduce_sum3A_124 : vector<1xf32> to vector<1x1xf32>
    %div3A_126 = arith.constant 1.280000e+02 : f32
    %div3A_127 = vector.broadcast %div3A_126 : f32 to vector<1x1xf32>
    %div3A_128 = arith.divf %broadcast_in_dim3A_125, %div3A_127 : vector<1x1xf32>
    %sub3A_129 = vector.broadcast %div3A_120 : vector<1x1xf32> to vector<1x128xf32>
    %sub3A_130 = arith.subf %add3A_114, %sub3A_129 : vector<1x128xf32>
    %add3A_131 = arith.constant 9.99999974E-6 : f32
    %add3A_132 = vector.broadcast %add3A_131 : f32 to vector<1x1xf32>
    %add3A_133 = arith.addf %div3A_128, %add3A_132 : vector<1x1xf32>
    %rsqrt3A_134 = math.rsqrt %add3A_133 : vector<1x1xf32>
    %mul3A_135 = vector.broadcast %rsqrt3A_134 : vector<1x1xf32> to vector<1x128xf32>
    %mul3A_136 = arith.mulf %sub3A_130, %mul3A_135 : vector<1x128xf32>
    %get3A_137 = arith.constant 0 : index
    %get3A_138 = arith.constant 0 : index
    %get3A_139 = vector.load %arg13[%get3A_137, %get3A_138] : memref<1x128xf32, #tpu.memory_space<vmem>>, vector<1x128xf32>
    %mul3A_140 = arith.mulf %mul3A_136, %get3A_139 : vector<1x128xf32>
    %get3A_141 = arith.constant 0 : index
    %get3A_142 = arith.constant 0 : index
    %get3A_143 = vector.load %arg14[%get3A_141, %get3A_142] : memref<1x128xf32, #tpu.memory_space<vmem>>, vector<1x128xf32>
    %add3A_144 = arith.addf %mul3A_140, %get3A_143 : vector<1x128xf32>
    %dot_general3A_145 = arith.constant dense<0.000000e+00> : vector<1x512xf32>
    %dot_general3A_146 = tpu.matmul %add3A_144, %get3A_41, %dot_general3A_145 {dimension_numbers = #tpu.dot_dimension_numbers<[1], [1], [0], [0], [0, 0, 1, 0], [], []>, transpose_lhs_hint = false} : vector<1x128xf32>, vector<512x128xf32>, vector<1x512xf32> -> vector<1x512xf32>
    %get3A_147 = arith.constant 0 : index
    %get3A_148 = arith.constant 0 : index
    %get3A_149 = vector.load %arg16[%get3A_147, %get3A_148] : memref<1x512xf32, #tpu.memory_space<vmem>>, vector<1x512xf32>
    %add3A_150 = arith.addf %dot_general3A_146, %get3A_149 : vector<1x512xf32>
    %add3A_151 = vector.broadcast %add3A_150 : vector<1x512xf32> to vector<1024x512xf32>
    %add3A_152 = arith.addf %add3A_102, %add3A_151 : vector<1024x512xf32>
    %mul3A_153 = arith.constant 5.000000e-01 : f32
    %mul3A_154 = vector.broadcast %mul3A_153 : f32 to vector<1024x512xf32>
    %mul3A_155 = arith.mulf %add3A_152, %mul3A_154 : vector<1024x512xf32>
    %mul3A_156 = arith.constant 0.707106769 : f32
    %mul3A_157 = vector.broadcast %mul3A_156 : f32 to vector<1024x512xf32>
    %mul3A_158 = arith.mulf %add3A_152, %mul3A_157 : vector<1024x512xf32>
    %erf3A = math.erf %mul3A_158 : vector<1024x512xf32>
    %add3A_159 = arith.constant 1.000000e+00 : f32
    %add3A_160 = vector.broadcast %add3A_159 : f32 to vector<1024x512xf32>
    %add3A_161 = arith.addf %add3A_160, %erf3A : vector<1024x512xf32>
    %mul3A_162 = arith.mulf %mul3A_155, %add3A_161 : vector<1024x512xf32>
    %dot_general3A_163 = arith.constant dense<0.000000e+00> : vector<1024x1xf32>
    %dot_general3A_164 = tpu.matmul %mul3A_162, %broadcast_in_dim3A_0, %dot_general3A_163 {dimension_numbers = #tpu.dot_dimension_numbers<[1], [0], [0], [1], [0, 0, 1, 1], [], []>, transpose_lhs_hint = false} : vector<1024x512xf32>, vector<512x1xf32>, vector<1024x1xf32> -> vector<1024x1xf32>
    %mul3A_165 = arith.constant 0.001953125 : f32
    %mul3A_166 = vector.broadcast %mul3A_165 : f32 to vector<1024x1xf32>
    %mul3A_167 = arith.mulf %dot_general3A_164, %mul3A_166 : vector<1024x1xf32>
    %mul3A_168 = arith.mulf %mul3A_162, %mul3A_162 : vector<1024x512xf32>
    %dot_general3A_169 = arith.constant dense<0.000000e+00> : vector<1024x1xf32>
    %dot_general3A_170 = tpu.matmul %mul3A_168, %broadcast_in_dim3A_0, %dot_general3A_169 {dimension_numbers = #tpu.dot_dimension_numbers<[1], [0], [0], [1], [0, 0, 1, 1], [], []>, transpose_lhs_hint = false} : vector<1024x512xf32>, vector<512x1xf32>, vector<1024x1xf32> -> vector<1024x1xf32>
    %mul3A_171 = arith.constant 0.001953125 : f32
    %mul3A_172 = vector.broadcast %mul3A_171 : f32 to vector<1024x1xf32>
    %mul3A_173 = arith.mulf %dot_general3A_170, %mul3A_172 : vector<1024x1xf32>
    %mul3A_174 = arith.mulf %mul3A_167, %mul3A_167 : vector<1024x1xf32>
    %sub3A_175 = arith.subf %mul3A_173, %mul3A_174 : vector<1024x1xf32>
    %sub3A_176 = vector.broadcast %mul3A_167 : vector<1024x1xf32> to vector<1024x512xf32>
    %sub3A_177 = arith.subf %mul3A_162, %sub3A_176 : vector<1024x512xf32>
    %add3A_178 = arith.constant 9.99999974E-6 : f32
    %add3A_179 = vector.broadcast %add3A_178 : f32 to vector<1024x1xf32>
    %add3A_180 = arith.addf %sub3A_175, %add3A_179 : vector<1024x1xf32>
    %rsqrt3A_181 = math.rsqrt %add3A_180 : vector<1024x1xf32>
    %mul3A_182 = vector.broadcast %rsqrt3A_181 : vector<1024x1xf32> to vector<1024x512xf32>
    %mul3A_183 = arith.mulf %sub3A_177, %mul3A_182 : vector<1024x512xf32>
    %get3A_184 = arith.constant 0 : index
    %get3A_185 = arith.constant 0 : index
    %get3A_186 = vector.load %arg17[%get3A_184, %get3A_185] : memref<1x512xf32, #tpu.memory_space<vmem>>, vector<1x512xf32>
    %mul3A_187 = vector.broadcast %get3A_186 : vector<1x512xf32> to vector<1024x512xf32>
    %mul3A_188 = arith.mulf %mul3A_183, %mul3A_187 : vector<1024x512xf32>
    %get3A_189 = arith.constant 0 : index
    %get3A_190 = arith.constant 0 : index
    %get3A_191 = vector.load %arg18[%get3A_189, %get3A_190] : memref<1x512xf32, #tpu.memory_space<vmem>>, vector<1x512xf32>
    %add3A_192 = vector.broadcast %get3A_191 : vector<1x512xf32> to vector<1024x512xf32>
    %add3A_193 = arith.addf %mul3A_188, %add3A_192 : vector<1024x512xf32>
    %reshape3A = vector.shape_cast %add3A_193 : vector<1024x512xf32> to vector<2x512x512xf32>
    %swap3A = arith.constant 0 : index
    %swap3A_194 = arith.constant 0 : index
    %swap3A_195 = arith.constant 0 : index
    %swap3A_196 = vector.load %arg19[%swap3A, %swap3A_194, %swap3A_195] : memref<2x512x512xf32, #tpu.memory_space<vmem>>, vector<2x512x512xf32>
    tpu.vector_store %arg19[%swap3A, %swap3A_194, %swap3A_195], %reshape3A {strides = array<i32>} : memref<2x512x512xf32, #tpu.memory_space<vmem>>, vector<2x512x512xf32>,
    return
  }
  func.func @transform_1(%arg0: i32) -> (i32, i32) {
    %c0_i32 = arith.constant 0 : i32
    %c0_i32_0 = arith.constant 0 : i32
    return %arg0, %c0_i32 : i32, i32
  }
  func.func @transform_2(%arg0: i32) -> (i32, i32) {
    %c0_i32 = arith.constant 0 : i32
    %c0_i32_0 = arith.constant 0 : i32
    return %arg0, %c0_i32 : i32, i32
  }
  func.func @transform_3(%arg0: i32) -> (i32, i32) {
    %c0_i32 = arith.constant 0 : i32
    %c0_i32_0 = arith.constant 0 : i32
    %c0_i32_1 = arith.constant 0 : i32
    return %c0_i32, %c0_i32_0 : i32, i32
  }
  func.func @transform_4(%arg0: i32) -> (i32, i32) {
    %c0_i32 = arith.constant 0 : i32
    %c0_i32_0 = arith.constant 0 : i32
    %c0_i32_1 = arith.constant 0 : i32
    return %c0_i32, %c0_i32_0 : i32, i32
  }
  func.func @transform_5(%arg0: i32) -> (i32, i32) {
    %c0_i32 = arith.constant 0 : i32
    %c0_i32_0 = arith.constant 0 : i32
    %c0_i32_1 = arith.constant 0 : i32
    return %c0_i32, %c0_i32_0 : i32, i32
  }
  func.func @transform_6(%arg0: i32) -> (i32, i32) {
    %c0_i32 = arith.constant 0 : i32
    %c0_i32_0 = arith.constant 0 : i32
    %c0_i32_1 = arith.constant 0 : i32
    return %c0_i32, %c0_i32_0 : i32, i32
  }
  func.func @transform_7(%arg0: i32) -> (i32, i32) {
    %c0_i32 = arith.constant 0 : i32
    %c0_i32_0 = arith.constant 0 : i32
    %c0_i32_1 = arith.constant 0 : i32
    return %c0_i32, %c0_i32_0 : i32, i32
  }
  func.func @transform_8(%arg0: i32) -> (i32, i32) {
    %c0_i32 = arith.constant 0 : i32
    %c0_i32_0 = arith.constant 0 : i32
    %c0_i32_1 = arith.constant 0 : i32
    return %c0_i32, %c0_i32_0 : i32, i32
  }
  func.func @transform_9(%arg0: i32) -> (i32, i32) {
    %c0_i32 = arith.constant 0 : i32
    %c0_i32_0 = arith.constant 0 : i32
    %c0_i32_1 = arith.constant 0 : i32
    return %c0_i32, %c0_i32_0 : i32, i32
  }
  func.func @transform_10(%arg0: i32) -> (i32, i32) {
    %c0_i32 = arith.constant 0 : i32
    %c0_i32_0 = arith.constant 0 : i32
    %c0_i32_1 = arith.constant 0 : i32
    return %c0_i32, %c0_i32_0 : i32, i32
  }
  func.func @transform_11(%arg0: i32) -> (i32, i32) {
    %c0_i32 = arith.constant 0 : i32
    %c0_i32_0 = arith.constant 0 : i32
    %c0_i32_1 = arith.constant 0 : i32
    return %c0_i32, %c0_i32_0 : i32, i32
  }
  func.func @transform_12(%arg0: i32) -> (i32, i32) {
    %c0_i32 = arith.constant 0 : i32
    %c0_i32_0 = arith.constant 0 : i32
    %c0_i32_1 = arith.constant 0 : i32
    return %c0_i32, %c0_i32_0 : i32, i32
  }
  func.func @transform_13(%arg0: i32) -> (i32, i32) {
    %c0_i32 = arith.constant 0 : i32
    %c0_i32_0 = arith.constant 0 : i32
    %c0_i32_1 = arith.constant 0 : i32
    return %c0_i32, %c0_i32_0 : i32, i32
  }
  func.func @transform_14(%arg0: i32) -> (i32, i32) {
    %c0_i32 = arith.constant 0 : i32
    %c0_i32_0 = arith.constant 0 : i32
    %c0_i32_1 = arith.constant 0 : i32
    return %c0_i32, %c0_i32_0 : i32, i32
  }
  func.func @transform_15(%arg0: i32) -> (i32, i32) {
    %c0_i32 = arith.constant 0 : i32
    %c0_i32_0 = arith.constant 0 : i32
    %c0_i32_1 = arith.constant 0 : i32
    return %c0_i32, %c0_i32_0 : i32, i32
  }
  func.func @transform_16(%arg0: i32) -> (i32, i32) {
    %c0_i32 = arith.constant 0 : i32
    %c0_i32_0 = arith.constant 0 : i32
    %c0_i32_1 = arith.constant 0 : i32
    return %c0_i32, %c0_i32_0 : i32, i32
  }
  func.func @transform_17(%arg0: i32) -> (i32, i32) {
    %c0_i32 = arith.constant 0 : i32
    %c0_i32_0 = arith.constant 0 : i32
    %c0_i32_1 = arith.constant 0 : i32
    return %c0_i32, %c0_i32_0 : i32, i32
  }
  func.func @transform_18(%arg0: i32) -> (i32, i32, i32) {
    %add3A = arith.constant 16 : i32
    %add3A_0 = arith.addi %add3A, %arg0 : i32
    %c0_i32 = arith.constant 0 : i32
    %c0_i32_1 = arith.constant 0 : i32
    %c0_i32_2 = arith.constant 0 : i32
    return %add3A_0, %c0_i32, %c0_i32_1 : i32, i32, i32
  }
}

module attributes {stable_mosaic.version = 14 : i64} {
  func.func @_tc_body_chain(%arg0: i32, %arg1: memref<64x512x512xf32, #tpu.memory_space<any>>, %arg2: memref<1024x512xf32, #tpu.memory_space<vmem>>, %arg3: memref<1024x128xf32, #tpu.memory_space<vmem>>, %arg4: memref<512x512xf32, #tpu.memory_space<vmem>>, %arg5: memref<16x256xf32, #tpu.memory_space<vmem>>, %arg6: memref<256x256xf32, #tpu.memory_space<vmem>>, %arg7: memref<1x256xf32, #tpu.memory_space<vmem>>, %arg8: memref<1x512xf32, #tpu.memory_space<vmem>>, %arg9: memref<1x512xf32, #tpu.memory_space<vmem>>, %arg10: memref<1x224xf32, #tpu.memory_space<vmem>>, %arg11: memref<128x224xf32, #tpu.memory_space<vmem>>, %arg12: memref<1x128xf32, #tpu.memory_space<vmem>>, %arg13: memref<1x128xf32, #tpu.memory_space<vmem>>, %arg14: memref<1x128xf32, #tpu.memory_space<vmem>>, %arg15: memref<512x896xf32, #tpu.memory_space<vmem>>, %arg16: memref<1x512xf32, #tpu.memory_space<vmem>>, %arg17: memref<1x512xf32, #tpu.memory_space<vmem>>, %arg18: memref<1x512xf32, #tpu.memory_space<vmem>>, %arg19: memref<2x512x512xf32, #tpu.memory_space<vmem>>) attributes {dimension_semantics = [#tpu.dimension_semantics<arbitrary>], iteration_bounds = array<i64: 8>, scalar_prefetch = 0 : i64, scratch_operands = 0 : i64, tpu.core_type = #tpu.core_type<tc>, window_params = [{}, {transform_indices = @transform_1, window_bounds = array<i64: 1024, 512>}, {transform_indices = @transform_2, window_bounds = array<i64: 1024, 128>}, {pipeline_mode = #tpu.pipeline_mode<synchronous>, transform_indices = @transform_3, window_bounds = array<i64: 512, 512>}, {pipeline_mode = #tpu.pipeline_mode<synchronous>, transform_indices = @transform_4, window_bounds = array<i64: 16, 256>}, {pipeline_mode = #tpu.pipeline_mode<synchronous>, transform_indices = @transform_5, window_bounds = array<i64: 256, 256>}, {pipeline_mode = #tpu.pipeline_mode<synchronous>, transform_indices = @transform_6, window_bounds = array<i64: 1, 256>}, {pipeline_mode = #tpu.pipeline_mode<synchronous>, transform_indices = @transform_7, window_bounds = array<i64: 1, 512>}, {pipeline_mode = #tpu.pipeline_mode<synchronous>, transform_indices = @transform_8, window_bounds = array<i64: 1, 512>}, {pipeline_mode = #tpu.pipeline_mode<synchronous>, transform_indices = @transform_9, window_bounds = array<i64: 1, 224>}, {pipeline_mode = #tpu.pipeline_mode<synchronous>, transform_indices = @transform_10, window_bounds = array<i64: 128, 224>}, {pipeline_mode = #tpu.pipeline_mode<synchronous>, transform_indices = @transform_11, window_bounds = array<i64: 1, 128>}, {pipeline_mode = #tpu.pipeline_mode<synchronous>, transform_indices = @transform_12, window_bounds = array<i64: 1, 128>}, {pipeline_mode = #tpu.pipeline_mode<synchronous>, transform_indices = @transform_13, window_bounds = array<i64: 1, 128>}, {pipeline_mode = #tpu.pipeline_mode<synchronous>, transform_indices = @transform_14, window_bounds = array<i64: 512, 896>}, {pipeline_mode = #tpu.pipeline_mode<synchronous>, transform_indices = @transform_15, window_bounds = array<i64: 1, 512>}, {pipeline_mode = #tpu.pipeline_mode<synchronous>, transform_indices = @transform_16, window_bounds = array<i64: 1, 512>}, {pipeline_mode = #tpu.pipeline_mode<synchronous>, transform_indices = @transform_17, window_bounds = array<i64: 1, 512>}, {transform_indices = @transform_18, window_bounds = array<i64: 2, 512, 512>}]} {
    %broadcast_in_dim3A = arith.constant 1.000000e+00 : f32
    %broadcast_in_dim3A_0 = vector.broadcast %broadcast_in_dim3A : f32 to vector<512x1xf32>
    %get3A = arith.constant 0 : index
    %get3A_1 = arith.constant 0 : index
    %get3A_2 = vector.load %arg4[%get3A, %get3A_1] : memref<512x512xf32, #tpu.memory_space<vmem>>, vector<512x512xf32>
    %get3A_3 = arith.constant 0 : index
    %get3A_4 = arith.constant 0 : index
    %get3A_5 = vector.load %arg2[%get3A_3, %get3A_4] : memref<1024x512xf32, #tpu.memory_space<vmem>>, vector<1024x512xf32>
    %concatenate3A = tpu.concatenate %get3A_2, %get3A_2 in 0 : vector<512x512xf32>, vector<512x512xf32> -> vector<1024x512xf32>
    %add3A = arith.addf %get3A_5, %concatenate3A : vector<1024x512xf32>
    %dot_general3A = arith.constant dense<0.000000e+00> : vector<1024x1xf32>
    %dot_general3A_6 = tpu.matmul %add3A, %broadcast_in_dim3A_0, %dot_general3A {dimension_numbers = #tpu.dot_dimension_numbers<[1], [0], [0], [1], [0, 0, 1, 1], [], []>, transpose_lhs_hint = false} : vector<1024x512xf32>, vector<512x1xf32>, vector<1024x1xf32> -> vector<1024x1xf32>
    %mul3A = arith.constant 0.001953125 : f32
    %mul3A_7 = vector.broadcast %mul3A : f32 to vector<1024x1xf32>
    %mul3A_8 = arith.mulf %dot_general3A_6, %mul3A_7 : vector<1024x1xf32>
    %mul3A_9 = arith.mulf %add3A, %add3A : vector<1024x512xf32>
    %dot_general3A_10 = arith.constant dense<0.000000e+00> : vector<1024x1xf32>
    %dot_general3A_11 = tpu.matmul %mul3A_9, %broadcast_in_dim3A_0, %dot_general3A_10 {dimension_numbers = #tpu.dot_dimension_numbers<[1], [0], [0], [1], [0, 0, 1, 1], [], []>, transpose_lhs_hint = false} : vector<1024x512xf32>, vector<512x1xf32>, vector<1024x1xf32> -> vector<1024x1xf32>
    %mul3A_12 = arith.constant 0.001953125 : f32
    %mul3A_13 = vector.broadcast %mul3A_12 : f32 to vector<1024x1xf32>
    %mul3A_14 = arith.mulf %dot_general3A_11, %mul3A_13 : vector<1024x1xf32>
    %mul3A_15 = arith.mulf %mul3A_8, %mul3A_8 : vector<1024x1xf32>
    %sub3A = arith.subf %mul3A_14, %mul3A_15 : vector<1024x1xf32>
    %sub3A_16 = vector.broadcast %mul3A_8 : vector<1024x1xf32> to vector<1024x512xf32>
    %sub3A_17 = arith.subf %add3A, %sub3A_16 : vector<1024x512xf32>
    %add3A_18 = arith.constant 9.99999974E-6 : f32
    %add3A_19 = vector.broadcast %add3A_18 : f32 to vector<1024x1xf32>
    %add3A_20 = arith.addf %sub3A, %add3A_19 : vector<1024x1xf32>
    %rsqrt3A = math.rsqrt %add3A_20 : vector<1024x1xf32>
    %mul3A_21 = vector.broadcast %rsqrt3A : vector<1024x1xf32> to vector<1024x512xf32>
    %mul3A_22 = arith.mulf %sub3A_17, %mul3A_21 : vector<1024x512xf32>
    %get3A_23 = arith.constant 0 : index
    %get3A_24 = arith.constant 0 : index
    %get3A_25 = vector.load %arg8[%get3A_23, %get3A_24] : memref<1x512xf32, #tpu.memory_space<vmem>>, vector<1x512xf32>
    %mul3A_26 = vector.broadcast %get3A_25 : vector<1x512xf32> to vector<1024x512xf32>
    %mul3A_27 = arith.mulf %mul3A_22, %mul3A_26 : vector<1024x512xf32>
    %get3A_28 = arith.constant 0 : index
    %get3A_29 = arith.constant 0 : index
    %get3A_30 = vector.load %arg9[%get3A_28, %get3A_29] : memref<1x512xf32, #tpu.memory_space<vmem>>, vector<1x512xf32>
    %add3A_31 = vector.broadcast %get3A_30 : vector<1x512xf32> to vector<1024x512xf32>
    %add3A_32 = arith.addf %mul3A_27, %add3A_31 : vector<1024x512xf32>
    %get3A_33 = arith.constant 0 : index
    %get3A_34 = arith.constant 0 : index
    %get3A_35 = vector.load %arg15[%get3A_33, %get3A_34] : memref<512x896xf32, #tpu.memory_space<vmem>>, vector<512x512xf32>
    %get3A_36 = arith.constant 0 : index
    %get3A_37 = arith.constant 512 : index
    %get3A_38 = vector.load %arg15[%get3A_36, %get3A_37] : memref<512x896xf32, #tpu.memory_space<vmem>>, vector<512x256xf32>
    %get3A_39 = arith.constant 0 : index
    %get3A_40 = arith.constant 768 : index
    %get3A_41 = vector.load %arg15[%get3A_39, %get3A_40] : memref<512x896xf32, #tpu.memory_space<vmem>>, vector<512x128xf32>
    %dot_general3A_42 = arith.constant dense<0.000000e+00> : vector<1024x512xf32>
    %dot_general3A_43 = tpu.matmul %add3A_32, %get3A_35, %dot_general3A_42 {dimension_numbers = #tpu.dot_dimension_numbers<[1], [1], [0], [0], [0, 0, 1, 0], [], []>, transpose_lhs_hint = false} : vector<1024x512xf32>, vector<512x512xf32>, vector<1024x512xf32> -> vector<1024x512xf32>
    %get3A_44 = arith.constant 0 : index
    %get3A_45 = arith.constant 0 : index
    %get3A_46 = vector.load %arg3[%get3A_44, %get3A_45] : memref<1024x128xf32, #tpu.memory_space<vmem>>, vector<1024x16xf32>
    %iota3A = tpu.iota {dimensions = array<i32: 1>} : vector<1024x16xi32>
    %lt3A = arith.constant 10 : i32
    %lt3A_47 = vector.broadcast %lt3A : i32 to vector<1024x16xi32>
    %lt3A_48 = arith.cmpi slt, %iota3A, %lt3A_47 : vector<1024x16xi32>
    %jit3A = arith.constant -1.000000e+30 : f32
    %broadcast_in_dim3A_49 = vector.broadcast %jit3A : f32 to vector<1024x16xf32>
    %select_n3A = arith.select %lt3A_48, %get3A_46, %broadcast_in_dim3A_49 : vector<1024x16xi1>, vector<1024x16xf32>
    %reduce_max3A = arith.constant dense<0xFF800000> : vector<1024xf32>
    %reduce_max3A_50 = vector.multi_reduction <maximumf>, %select_n3A, %reduce_max3A [1] : vector<1024x16xf32> to vector<1024xf32>
    %broadcast_in_dim3A_51 = vector.shape_cast %reduce_max3A_50 : vector<1024xf32> to vector<1024x1xf32>
    %sub3A_52 = vector.broadcast %broadcast_in_dim3A_51 : vector<1024x1xf32> to vector<1024x16xf32>
    %sub3A_53 = arith.subf %get3A_46, %sub3A_52 : vector<1024x16xf32>
    %exp3A = math.exp %sub3A_53 : vector<1024x16xf32>
    %jit3A_54 = arith.constant 0.000000e+00 : f32
    %broadcast_in_dim3A_55 = vector.broadcast %jit3A_54 : f32 to vector<1024x16xf32>
    %select_n3A_56 = arith.select %lt3A_48, %exp3A, %broadcast_in_dim3A_55 : vector<1024x16xi1>, vector<1024x16xf32>
    %reduce_sum3A = arith.constant dense<0.000000e+00> : vector<1024xf32>
    %reduce_sum3A_57 = vector.multi_reduction <add>, %select_n3A_56, %reduce_sum3A [1] : vector<1024x16xf32> to vector<1024xf32>
    %broadcast_in_dim3A_58 = vector.shape_cast %reduce_sum3A_57 : vector<1024xf32> to vector<1024x1xf32>
    %div3A = arith.constant 1.000000e+00 : f32
    %div3A_59 = vector.broadcast %div3A : f32 to vector<1024x1xf32>
    %div3A_60 = arith.divf %div3A_59, %broadcast_in_dim3A_58 : vector<1024x1xf32>
    %ge3A = vector.broadcast %broadcast_in_dim3A_51 : vector<1024x1xf32> to vector<1024x16xf32>
    %ge3A_61 = arith.cmpf oge, %get3A_46, %ge3A : vector<1024x16xf32>
    %and3A = arith.andi %lt3A_48, %ge3A_61 : vector<1024x16xi1>
    %jit3A_62 = arith.constant 127 : i32
    %broadcast_in_dim3A_63 = vector.broadcast %jit3A_62 : i32 to vector<1024x16xi32>
    %select_n3A_64 = arith.select %and3A, %iota3A, %broadcast_in_dim3A_63 : vector<1024x16xi1>, vector<1024x16xi32>
    %reduce_min3A = arith.constant dense<2147483647> : vector<1024xi32>
    %reduce_min3A_65 = vector.multi_reduction <minsi>, %select_n3A_64, %reduce_min3A [1] : vector<1024x16xi32> to vector<1024xi32>
    %broadcast_in_dim3A_66 = vector.shape_cast %reduce_min3A_65 : vector<1024xi32> to vector<1024x1xi32>
    %eq3A = vector.broadcast %broadcast_in_dim3A_66 : vector<1024x1xi32> to vector<1024x16xi32>
    %eq3A_67 = arith.cmpi eq, %iota3A, %eq3A : vector<1024x16xi32>
    %convert_element_type3A = arith.extui %eq3A_67 : vector<1024x16xi1> to vector<1024x16xi32>
    %convert_element_type3A_68 = arith.sitofp %convert_element_type3A : vector<1024x16xi32> to vector<1024x16xf32>
    %get3A_69 = arith.constant 0 : index
    %get3A_70 = arith.constant 0 : index
    %get3A_71 = vector.load %arg5[%get3A_69, %get3A_70] : memref<16x256xf32, #tpu.memory_space<vmem>>, vector<16x256xf32>
    %iota3A_72 = tpu.iota {dimensions = array<i32: 0>} : vector<16x1xi32>
    %eq3A_73 = arith.constant 8 : i32
    %eq3A_74 = vector.broadcast %eq3A_73 : i32 to vector<16x1xi32>
    %eq3A_75 = arith.cmpi eq, %iota3A_72, %eq3A_74 : vector<16x1xi32>
    %convert_element_type3A_76 = arith.extui %eq3A_75 : vector<16x1xi1> to vector<16x1xi32>
    %convert_element_type3A_77 = arith.sitofp %convert_element_type3A_76 : vector<16x1xi32> to vector<16x1xf32>
    %get3A_78 = arith.constant 0 : index
    %get3A_79 = arith.constant 0 : index
    %get3A_80 = vector.load %arg6[%get3A_78, %get3A_79] : memref<256x256xf32, #tpu.memory_space<vmem>>, vector<256x256xf32>
    %dot_general3A_81 = arith.constant dense<0.000000e+00> : vector<16x256xf32>
    %dot_general3A_82 = tpu.matmul %get3A_71, %get3A_80, %dot_general3A_81 {dimension_numbers = #tpu.dot_dimension_numbers<[1], [1], [0], [0], [0, 0, 1, 0], [], []>, transpose_lhs_hint = false} : vector<16x256xf32>, vector<256x256xf32>, vector<16x256xf32> -> vector<16x256xf32>
    %mul3A_83 = vector.broadcast %convert_element_type3A_77 : vector<16x1xf32> to vector<16x256xf32>
    %mul3A_84 = arith.mulf %mul3A_83, %dot_general3A_82 : vector<16x256xf32>
    %add3A_85 = arith.addf %get3A_71, %mul3A_84 : vector<16x256xf32>
    %dot_general3A_86 = arith.constant dense<0.000000e+00> : vector<16x512xf32>
    %dot_general3A_87 = tpu.matmul %add3A_85, %get3A_38, %dot_general3A_86 {dimension_numbers = #tpu.dot_dimension_numbers<[1], [1], [0], [0], [0, 0, 1, 0], [], []>, transpose_lhs_hint = false} : vector<16x256xf32>, vector<512x256xf32>, vector<16x512xf32> -> vector<16x512xf32>
    %get3A_88 = arith.constant 0 : index
    %get3A_89 = arith.constant 0 : index
    %get3A_90 = vector.load %arg7[%get3A_88, %get3A_89] : memref<1x256xf32, #tpu.memory_space<vmem>>, vector<1x256xf32>
    %dot_general3A_91 = arith.constant dense<0.000000e+00> : vector<1x512xf32>
    %dot_general3A_92 = tpu.matmul %get3A_90, %get3A_38, %dot_general3A_91 {dimension_numbers = #tpu.dot_dimension_numbers<[1], [1], [0], [0], [0, 0, 1, 0], [], []>, transpose_lhs_hint = false} : vector<1x256xf32>, vector<512x256xf32>, vector<1x512xf32> -> vector<1x512xf32>
    %mul3A_93 = vector.broadcast %convert_element_type3A_77 : vector<16x1xf32> to vector<16x512xf32>
    %mul3A_94 = vector.broadcast %dot_general3A_92 : vector<1x512xf32> to vector<16x512xf32>
    %mul3A_95 = arith.mulf %mul3A_93, %mul3A_94 : vector<16x512xf32>
    %mul3A_96 = vector.broadcast %div3A_60 : vector<1024x1xf32> to vector<1024x16xf32>
    %mul3A_97 = arith.mulf %convert_element_type3A_68, %mul3A_96 : vector<1024x16xf32>
    %concatenate3A_98 = tpu.concatenate %mul3A_97, %convert_element_type3A_68 in 1 : vector<1024x16xf32>, vector<1024x16xf32> -> vector<1024x32xf32>
    %concatenate3A_99 = tpu.concatenate %dot_general3A_87, %mul3A_95 in 0 : vector<16x512xf32>, vector<16x512xf32> -> vector<32x512xf32>
    %dot_general3A_100 = arith.constant dense<0.000000e+00> : vector<1024x512xf32>
    %dot_general3A_101 = tpu.matmul %concatenate3A_98, %concatenate3A_99, %dot_general3A_100 {dimension_numbers = #tpu.dot_dimension_numbers<[1], [0], [0], [1], [0, 0, 1, 1], [], []>, transpose_lhs_hint = false} : vector<1024x32xf32>, vector<32x512xf32>, vector<1024x512xf32> -> vector<1024x512xf32>
    %add3A_102 = arith.addf %dot_general3A_43, %dot_general3A_101 : vector<1024x512xf32>
    %get3A_103 = arith.constant 0 : index
    %get3A_104 = arith.constant 0 : index
    %get3A_105 = vector.load %arg10[%get3A_103, %get3A_104] : memref<1x224xf32, #tpu.memory_space<vmem>>, vector<1x224xf32>
    %get3A_106 = arith.constant 0 : index
    %get3A_107 = arith.constant 0 : index
    %get3A_108 = vector.load %arg11[%get3A_106, %get3A_107] : memref<128x224xf32, #tpu.memory_space<vmem>>, vector<128x224xf32>
    %dot_general3A_109 = arith.constant dense<0.000000e+00> : vector<1x128xf32>
    %dot_general3A_110 = tpu.matmul %get3A_105, %get3A_108, %dot_general3A_109 {dimension_numbers = #tpu.dot_dimension_numbers<[1], [1], [0], [0], [0, 0, 1, 0], [], []>, transpose_lhs_hint = false} : vector<1x224xf32>, vector<128x224xf32>, vector<1x128xf32> -> vector<1x128xf32>
    %get3A_111 = arith.constant 0 : index
    %get3A_112 = arith.constant 0 : index
    %get3A_113 = vector.load %arg12[%get3A_111, %get3A_112] : memref<1x128xf32, #tpu.memory_space<vmem>>, vector<1x128xf32>
    %add3A_114 = arith.addf %dot_general3A_110, %get3A_113 : vector<1x128xf32>
    %reduce_sum3A_115 = arith.constant dense<0.000000e+00> : vector<1xf32>
    %reduce_sum3A_116 = vector.multi_reduction <add>, %add3A_114, %reduce_sum3A_115 [1] : vector<1x128xf32> to vector<1xf32>
    %broadcast_in_dim3A_117 = vector.shape_cast %reduce_sum3A_116 : vector<1xf32> to vector<1x1xf32>
    %div3A_118 = arith.constant 1.280000e+02 : f32
    %div3A_119 = vector.broadcast %div3A_118 : f32 to vector<1x1xf32>
    %div3A_120 = arith.divf %broadcast_in_dim3A_117, %div3A_119 : vector<1x1xf32>
    %sub3A_121 = vector.broadcast %div3A_120 : vector<1x1xf32> to vector<1x128xf32>
    %sub3A_122 = arith.subf %add3A_114, %sub3A_121 : vector<1x128xf32>
    %integer_pow3A = arith.mulf %sub3A_122, %sub3A_122 : vector<1x128xf32>
    %reduce_sum3A_123 = arith.constant dense<0.000000e+00> : vector<1xf32>
    %reduce_sum3A_124 = vector.multi_reduction <add>, %integer_pow3A, %reduce_sum3A_123 [1] : vector<1x128xf32> to vector<1xf32>
    %broadcast_in_dim3A_125 = vector.shape_cast %reduce_sum3A_124 : vector<1xf32> to vector<1x1xf32>
    %div3A_126 = arith.constant 1.280000e+02 : f32
    %div3A_127 = vector.broadcast %div3A_126 : f32 to vector<1x1xf32>
    %div3A_128 = arith.divf %broadcast_in_dim3A_125, %div3A_127 : vector<1x1xf32>
    %sub3A_129 = vector.broadcast %div3A_120 : vector<1x1xf32> to vector<1x128xf32>
    %sub3A_130 = arith.subf %add3A_114, %sub3A_129 : vector<1x128xf32>
    %add3A_131 = arith.constant 9.99999974E-6 : f32
    %add3A_132 = vector.broadcast %add3A_131 : f32 to vector<1x1xf32>
    %add3A_133 = arith.addf %div3A_128, %add3A_132 : vector<1x1xf32>
    %rsqrt3A_134 = math.rsqrt %add3A_133 : vector<1x1xf32>
    %mul3A_135 = vector.broadcast %rsqrt3A_134 : vector<1x1xf32> to vector<1x128xf32>
    %mul3A_136 = arith.mulf %sub3A_130, %mul3A_135 : vector<1x128xf32>
    %get3A_137 = arith.constant 0 : index
    %get3A_138 = arith.constant 0 : index
    %get3A_139 = vector.load %arg13[%get3A_137, %get3A_138] : memref<1x128xf32, #tpu.memory_space<vmem>>, vector<1x128xf32>
    %mul3A_140 = arith.mulf %mul3A_136, %get3A_139 : vector<1x128xf32>
    %get3A_141 = arith.constant 0 : index
    %get3A_142 = arith.constant 0 : index
    %get3A_143 = vector.load %arg14[%get3A_141, %get3A_142] : memref<1x128xf32, #tpu.memory_space<vmem>>, vector<1x128xf32>
    %add3A_144 = arith.addf %mul3A_140, %get3A_143 : vector<1x128xf32>
    %dot_general3A_145 = arith.constant dense<0.000000e+00> : vector<1x512xf32>
    %dot_general3A_146 = tpu.matmul %add3A_144, %get3A_41, %dot_general3A_145 {dimension_numbers = #tpu.dot_dimension_numbers<[1], [1], [0], [0], [0, 0, 1, 0], [], []>, transpose_lhs_hint = false} : vector<1x128xf32>, vector<512x128xf32>, vector<1x512xf32> -> vector<1x512xf32>
    %get3A_147 = arith.constant 0 : index
    %get3A_148 = arith.constant 0 : index
    %get3A_149 = vector.load %arg16[%get3A_147, %get3A_148] : memref<1x512xf32, #tpu.memory_space<vmem>>, vector<1x512xf32>
    %add3A_150 = arith.addf %dot_general3A_146, %get3A_149 : vector<1x512xf32>
    %add3A_151 = vector.broadcast %add3A_150 : vector<1x512xf32> to vector<1024x512xf32>
    %add3A_152 = arith.addf %add3A_102, %add3A_151 : vector<1024x512xf32>
    %mul3A_153 = arith.constant 5.000000e-01 : f32
    %mul3A_154 = vector.broadcast %mul3A_153 : f32 to vector<1024x512xf32>
    %mul3A_155 = arith.mulf %add3A_152, %mul3A_154 : vector<1024x512xf32>
    %mul3A_156 = arith.constant 0.707106769 : f32
    %mul3A_157 = vector.broadcast %mul3A_156 : f32 to vector<1024x512xf32>
    %mul3A_158 = arith.mulf %add3A_152, %mul3A_157 : vector<1024x512xf32>
    %erf3A = math.erf %mul3A_158 : vector<1024x512xf32>
    %add3A_159 = arith.constant 1.000000e+00 : f32
    %add3A_160 = vector.broadcast %add3A_159 : f32 to vector<1024x512xf32>
    %add3A_161 = arith.addf %add3A_160, %erf3A : vector<1024x512xf32>
    %mul3A_162 = arith.mulf %mul3A_155, %add3A_161 : vector<1024x512xf32>
    %dot_general3A_163 = arith.constant dense<0.000000e+00> : vector<1024x1xf32>
    %dot_general3A_164 = tpu.matmul %mul3A_162, %broadcast_in_dim3A_0, %dot_general3A_163 {dimension_numbers = #tpu.dot_dimension_numbers<[1], [0], [0], [1], [0, 0, 1, 1], [], []>, transpose_lhs_hint = false} : vector<1024x512xf32>, vector<512x1xf32>, vector<1024x1xf32> -> vector<1024x1xf32>
    %mul3A_165 = arith.constant 0.001953125 : f32
    %mul3A_166 = vector.broadcast %mul3A_165 : f32 to vector<1024x1xf32>
    %mul3A_167 = arith.mulf %dot_general3A_164, %mul3A_166 : vector<1024x1xf32>
    %mul3A_168 = arith.mulf %mul3A_162, %mul3A_162 : vector<1024x512xf32>
    %dot_general3A_169 = arith.constant dense<0.000000e+00> : vector<1024x1xf32>
    %dot_general3A_170 = tpu.matmul %mul3A_168, %broadcast_in_dim3A_0, %dot_general3A_169 {dimension_numbers = #tpu.dot_dimension_numbers<[1], [0], [0], [1], [0, 0, 1, 1], [], []>, transpose_lhs_hint = false} : vector<1024x512xf32>, vector<512x1xf32>, vector<1024x1xf32> -> vector<1024x1xf32>
    %mul3A_171 = arith.constant 0.001953125 : f32
    %mul3A_172 = vector.broadcast %mul3A_171 : f32 to vector<1024x1xf32>
    %mul3A_173 = arith.mulf %dot_general3A_170, %mul3A_172 : vector<1024x1xf32>
    %mul3A_174 = arith.mulf %mul3A_167, %mul3A_167 : vector<1024x1xf32>
    %sub3A_175 = arith.subf %mul3A_173, %mul3A_174 : vector<1024x1xf32>
    %sub3A_176 = vector.broadcast %mul3A_167 : vector<1024x1xf32> to vector<1024x512xf32>
    %sub3A_177 = arith.subf %mul3A_162, %sub3A_176 : vector<1024x512xf32>
    %add3A_178 = arith.constant 9.99999974E-6 : f32
    %add3A_179 = vector.broadcast %add3A_178 : f32 to vector<1024x1xf32>
    %add3A_180 = arith.addf %sub3A_175, %add3A_179 : vector<1024x1xf32>
    %rsqrt3A_181 = math.rsqrt %add3A_180 : vector<1024x1xf32>
    %mul3A_182 = vector.broadcast %rsqrt3A_181 : vector<1024x1xf32> to vector<1024x512xf32>
    %mul3A_183 = arith.mulf %sub3A_177, %mul3A_182 : vector<1024x512xf32>
    %get3A_184 = arith.constant 0 : index
    %get3A_185 = arith.constant 0 : index
    %get3A_186 = vector.load %arg17[%get3A_184, %get3A_185] : memref<1x512xf32, #tpu.memory_space<vmem>>, vector<1x512xf32>
    %mul3A_187 = vector.broadcast %get3A_186 : vector<1x512xf32> to vector<1024x512xf32>
    %mul3A_188 = arith.mulf %mul3A_183, %mul3A_187 : vector<1024x512xf32>
    %get3A_189 = arith.constant 0 : index
    %get3A_190 = arith.constant 0 : index
    %get3A_191 = vector.load %arg18[%get3A_189, %get3A_190] : memref<1x512xf32, #tpu.memory_space<vmem>>, vector<1x512xf32>
    %add3A_192 = vector.broadcast %get3A_191 : vector<1x512xf32> to vector<1024x512xf32>
    %add3A_193 = arith.addf %mul3A_188, %add3A_192 : vector<1024x512xf32>
    %reshape3A = vector.shape_cast %add3A_193 : vector<1024x512xf32> to vector<2x512x512xf32>
    %swap3A = arith.constant 0 : index
    %swap3A_194 = arith.constant 0 : index
    %swap3A_195 = arith.constant 0 : index
    %swap3A_196 = vector.load %arg19[%swap3A, %swap3A_194, %swap3A_195] : memref<2x512x512xf32, #tpu.memory_space<vmem>>, vector<2x512x512xf32>
    tpu.vector_store %arg19[%swap3A, %swap3A_194, %swap3A_195], %reshape3A {strides = array<i32>} : memref<2x512x512xf32, #tpu.memory_space<vmem>>, vector<2x512x512xf32>,
    return
  }
  func.func @transform_1(%arg0: i32) -> (i32, i32) {
    %c0_i32 = arith.constant 0 : i32
    %c0_i32_0 = arith.constant 0 : i32
    return %arg0, %c0_i32 : i32, i32
  }
  func.func @transform_2(%arg0: i32) -> (i32, i32) {
    %c0_i32 = arith.constant 0 : i32
    %c0_i32_0 = arith.constant 0 : i32
    return %arg0, %c0_i32 : i32, i32
  }
  func.func @transform_3(%arg0: i32) -> (i32, i32) {
    %c0_i32 = arith.constant 0 : i32
    %c0_i32_0 = arith.constant 0 : i32
    %c0_i32_1 = arith.constant 0 : i32
    return %c0_i32, %c0_i32_0 : i32, i32
  }
  func.func @transform_4(%arg0: i32) -> (i32, i32) {
    %c0_i32 = arith.constant 0 : i32
    %c0_i32_0 = arith.constant 0 : i32
    %c0_i32_1 = arith.constant 0 : i32
    return %c0_i32, %c0_i32_0 : i32, i32
  }
  func.func @transform_5(%arg0: i32) -> (i32, i32) {
    %c0_i32 = arith.constant 0 : i32
    %c0_i32_0 = arith.constant 0 : i32
    %c0_i32_1 = arith.constant 0 : i32
    return %c0_i32, %c0_i32_0 : i32, i32
  }
  func.func @transform_6(%arg0: i32) -> (i32, i32) {
    %c0_i32 = arith.constant 0 : i32
    %c0_i32_0 = arith.constant 0 : i32
    %c0_i32_1 = arith.constant 0 : i32
    return %c0_i32, %c0_i32_0 : i32, i32
  }
  func.func @transform_7(%arg0: i32) -> (i32, i32) {
    %c0_i32 = arith.constant 0 : i32
    %c0_i32_0 = arith.constant 0 : i32
    %c0_i32_1 = arith.constant 0 : i32
    return %c0_i32, %c0_i32_0 : i32, i32
  }
  func.func @transform_8(%arg0: i32) -> (i32, i32) {
    %c0_i32 = arith.constant 0 : i32
    %c0_i32_0 = arith.constant 0 : i32
    %c0_i32_1 = arith.constant 0 : i32
    return %c0_i32, %c0_i32_0 : i32, i32
  }
  func.func @transform_9(%arg0: i32) -> (i32, i32) {
    %c0_i32 = arith.constant 0 : i32
    %c0_i32_0 = arith.constant 0 : i32
    %c0_i32_1 = arith.constant 0 : i32
    return %c0_i32, %c0_i32_0 : i32, i32
  }
  func.func @transform_10(%arg0: i32) -> (i32, i32) {
    %c0_i32 = arith.constant 0 : i32
    %c0_i32_0 = arith.constant 0 : i32
    %c0_i32_1 = arith.constant 0 : i32
    return %c0_i32, %c0_i32_0 : i32, i32
  }
  func.func @transform_11(%arg0: i32) -> (i32, i32) {
    %c0_i32 = arith.constant 0 : i32
    %c0_i32_0 = arith.constant 0 : i32
    %c0_i32_1 = arith.constant 0 : i32
    return %c0_i32, %c0_i32_0 : i32, i32
  }
  func.func @transform_12(%arg0: i32) -> (i32, i32) {
    %c0_i32 = arith.constant 0 : i32
    %c0_i32_0 = arith.constant 0 : i32
    %c0_i32_1 = arith.constant 0 : i32
    return %c0_i32, %c0_i32_0 : i32, i32
  }
  func.func @transform_13(%arg0: i32) -> (i32, i32) {
    %c0_i32 = arith.constant 0 : i32
    %c0_i32_0 = arith.constant 0 : i32
    %c0_i32_1 = arith.constant 0 : i32
    return %c0_i32, %c0_i32_0 : i32, i32
  }
  func.func @transform_14(%arg0: i32) -> (i32, i32) {
    %c0_i32 = arith.constant 0 : i32
    %c0_i32_0 = arith.constant 0 : i32
    %c0_i32_1 = arith.constant 0 : i32
    return %c0_i32, %c0_i32_0 : i32, i32
  }
  func.func @transform_15(%arg0: i32) -> (i32, i32) {
    %c0_i32 = arith.constant 0 : i32
    %c0_i32_0 = arith.constant 0 : i32
    %c0_i32_1 = arith.constant 0 : i32
    return %c0_i32, %c0_i32_0 : i32, i32
  }
  func.func @transform_16(%arg0: i32) -> (i32, i32) {
    %c0_i32 = arith.constant 0 : i32
    %c0_i32_0 = arith.constant 0 : i32
    %c0_i32_1 = arith.constant 0 : i32
    return %c0_i32, %c0_i32_0 : i32, i32
  }
  func.func @transform_17(%arg0: i32) -> (i32, i32) {
    %c0_i32 = arith.constant 0 : i32
    %c0_i32_0 = arith.constant 0 : i32
    %c0_i32_1 = arith.constant 0 : i32
    return %c0_i32, %c0_i32_0 : i32, i32
  }
  func.func @transform_18(%arg0: i32) -> (i32, i32, i32) {
    %add3A = arith.constant 24 : i32
    %add3A_0 = arith.addi %add3A, %arg0 : i32
    %c0_i32 = arith.constant 0 : i32
    %c0_i32_1 = arith.constant 0 : i32
    %c0_i32_2 = arith.constant 0 : i32
    return %add3A_0, %c0_i32, %c0_i32_1 : i32, i32, i32
  }
}

</mosaic_0001>

<sc_bundles>
// kernel: kernel.11.cloned.1.call-start
scs
__scs_entry_jumppad:
0x0: {  	(pc) =	sbr.rel $0x88, $3  }
0x1: {  	(tag) =	ssettag $0x0;
	lr =	simm.s32 $0x1  }
0x2: {  	[smem:$0x3F8C] =	sst lr;
	_ =	strace $0xD0000000  }
0x3: {  	_ = 	snop  }
0x4: {  	_ = 	snop  }
0x5: {  	_ = 	snop  }
0x6: {  	_ = 	snop  }
0x7: {  	_ = 	snop  }
__scs_overlays_trampoline_lowered:
0x8: {  	[smem:$0x3F9B] =	sst s0  }
0x9: {  	[smem:$0x3F9C] =	sst s1  }
0xa: {  	[smem:$0x3F9D] =	sst s2  }
0xb: {  	[smem:$0x3F9E] =	sst s3  }
0xc: {  	[smem:$0x3F9F] =	sst s4  }
0xd: {  	[smem:$0x3FA0] =	sst s5  }
0xe: {  	[smem:$0x3FA1] =	sst s6  }
0xf: {  	[smem:$0x3FA2] =	sst s7  }
0x10: {  	[smem:$0x3FA3] =	sst s8  }
0x11: {  	[smem:$0x3FA4] =	sst s9;
	s0 =	simm.s32 @!p0 $0x0  }
0x12: {  	s1 =	sld [smem:$0x3F8A];
	s0 =	simm.s32 @p0 $0x1  }
0x13: {  	[smem:$0x3FA5] =	sst s0;
	s0 =	simm.s32 @!p1 $0x0  }
0x14: {  	s2 =	sld [smem:$0x3F89];
	s0 =	simm.s32 @p1 $0x1  }
0x15: {  	[smem:$0x3FA6] =	sst s0;
	s0 =	simm.s32 @!p2 $0x0  }
0x16: {  	s3 =	sld [smem:$0x3FDB];
	s0 =	simm.s32 @p2 $0x1  }
0x17: {  	s4 =	simm.s32 $0x1BF5;
	[smem:$0x3FA8] =	sst s0  }
0x18: {  	s0 =	sld [smem:$0x3F8B];
	_ =	swait.ge [sflag:s4], $0x0  }
0x19: {  	s7 =	sld [smem:$0x3F8C]  }
0x1a: {  	s8 =	sadd.s32 $0xFFFFE003, lr  }
0x1b: {  	s9 =	sadd.s32 $0xFFFFFEF7, lr;
	s5 =	simm.s32 $0xFFFFFFFF;
	p2 =	slt.u32 s8, $0xFFFFF086  }
0x1c: {  	p1 =	slt.u32 s9, $0xF7A;
	s5 =	simm.s32 @!p2 $0x0  }
0x1d: {  	s5 =	simm.s32 @p1 $0x1;
	p0 =	seq.s32 s7, s2  }
0x1e: {  	s7 =	smul.u32 @!p0 $0xF7A, s2;
	p2 =	seq.s32 @!p0 s5, $0x0  }
0x1f: {  	s9 =	smul.u32 $0xF7A, s1;
	s8 =	simm.s32 @!p0 $0x1BF5;
	p2 =	por !p2, p0  }
0x20: {  	[sflag:s8] =	ssyncset.s32 @!p0 $0xFFFFF086;
	s6 =	sadd.s32 @!p0 s3, s7;
	s7 =	simm.s32 @!p0 $0x108  }
0x21: {  	s3 =	sadd.s32 s3, s9;
	s6 =	sadd.s32 @!p0 $0x88, s6;
	s7 =	simm.s32 @p2 $0x1082  }
0x22: {  	[simem:s7], [sflag:s8] =	dma.local @!p0 [hbm:s6], $0xF7A  }
0x23: {  	s9 =	sor.u32 $0xD0000000, s2;
	s6 =	simm.s32 $0x108;
	_ =	swait.ge @!p0 [sflag:s8], $0x0  }
0x24: {  	s3 =	sadd.s32 $0x88, s3;
	s6 =	simm.s32 @!p1 $0x1082;
	[sflag:s4] =	ssyncset.s32 $0xFFFFF086  }
0x25: {  	[simem:s6], [sflag:s4] =	dma.local [hbm:s3], $0xF7A  }
0x26: {  	[smem:$0x3F8C] =	sst s1;
	(tag) =	ssettag s2;
	_ =	strace s9  }
0x27: {  	s1 =	sld [smem:$0x3F9C]  }
0x28: {  	s2 =	sld [smem:$0x3F9D]  }
0x29: {  	s4 =	sld [smem:$0x3F9F]  }
0x2a: {  	p0 =	seq.s32 s5, $0x0;
	s5 =	sld [smem:$0x3FA0]  }
0x2b: {  	s6 =	sld [smem:$0x3FA1]  }
0x2c: {  	s7 =	sld [smem:$0x3FA2]  }
0x2d: {  	s3 =	simm.s32 $0x108;
	s8 =	sld [smem:$0x3FA3]  }
0x2e: {  	s3 =	simm.s32 @!p0 $0x1082;
	s9 =	sld [smem:$0x3FA4]  }
0x2f: {  	lr =	sadd.s32 s0, s3;
	s0 =	sld [smem:$0x3F9B]  }
0x30: {  	s3 =	sld [smem:$0x3F9E]  }
0x31: {  	[smem:$0x3FA7] =	sst s10  }
0x32: {  	s10 =	sld [smem:$0x3FA5];
	_ =	sdelay $0x3  }
0x33: {  	p0 =	seq.s32 s10, $0x1;
	s10 =	sld [smem:$0x3FA7];
	_ =	sdelay $0x3  }
0x34: {  	[smem:$0x3FA7] =	sst s10  }
0x35: {  	s10 =	sld [smem:$0x3FA6];
	_ =	sdelay $0x3  }
0x36: {  	p1 =	seq.s32 s10, $0x1;
	s10 =	sld [smem:$0x3FA7];
	_ =	sdelay $0x3  }
0x37: {  	[smem:$0x3FA7] =	sst s10  }
0x38: {  	s10 =	sld [smem:$0x3FA8]  }
0x39: {  	_ = 	snop;
	(pc) =	sbr.ind lr, $3  }
0x3a: {  	_ = 	snop  }
0x3b: {  	_ = 	snop  }
0x3c: {  	p2 =	seq.s32 s10, $0x1;
	s10 =	sld [smem:$0x3FA7]  }
0x3d: {  	_ =	shalt  }
0x3e: {  	_ =	shalt  }
0x3f: {  	_ =	shalt  }
0x40: {  	_ =	shalt  }
0x41: {  	_ =	shalt  }
0x42: {  	_ =	shalt  }
0x43: {  	_ =	shalt  }
0x44: {  	_ =	shalt  }
0x45: {  	_ =	shalt  }
0x46: {  	_ =	shalt  }
0x47: {  	_ =	shalt  }
0x48: {  	_ =	shalt  }
0x49: {  	_ =	shalt  }
0x4a: {  	_ =	shalt  }
0x4b: {  	_ =	shalt  }
0x4c: {  	_ =	shalt  }
0x4d: {  	_ =	shalt  }
0x4e: {  	_ =	shalt  }
0x4f: {  	_ =	shalt  }
0x50: {  	_ =	shalt  }
0x51: {  	_ =	shalt  }
0x52: {  	_ =	shalt  }
0x53: {  	_ =	shalt  }
0x54: {  	_ =	shalt  }
0x55: {  	_ =	shalt  }
0x56: {  	_ =	shalt  }
0x57: {  	_ =	shalt  }
0x58: {  	_ =	shalt  }
0x59: {  	_ =	shalt  }
0x5a: {  	_ =	shalt  }
0x5b: {  	_ =	shalt  }
0x5c: {  	_ =	shalt  }
0x5d: {  	_ =	shalt  }
0x5e: {  	_ =	shalt  }
0x5f: {  	_ =	shalt  }
0x60: {  	_ =	shalt  }
0x61: {  	_ =	shalt  }
0x62: {  	_ =	shalt  }
0x63: {  	_ =	shalt  }
0x64: {  	_ =	shalt  }
0x65: {  	_ =	shalt  }
0x66: {  	_ =	shalt  }
0x67: {  	_ =	shalt  }
0x68: {  	_ =	shalt  }
0x69: {  	_ =	shalt  }
0x6a: {  	_ =	shalt  }
0x6b: {  	_ =	shalt  }
0x6c: {  	_ =	shalt  }
0x6d: {  	_ =	shalt  }
0x6e: {  	_ =	shalt  }
0x6f: {  	_ =	shalt  }
0x70: {  	_ =	shalt  }
0x71: {  	_ =	shalt  }
0x72: {  	_ =	shalt  }
0x73: {  	_ =	shalt  }
0x74: {  	_ =	shalt  }
0x75: {  	_ =	shalt  }
0x76: {  	_ =	shalt  }
0x77: {  	_ =	shalt  }
0x78: {  	_ =	shalt  }
0x79: {  	_ =	shalt  }
0x7a: {  	_ =	shalt  }
0x7b: {  	_ =	shalt  }
0x7c: {  	_ =	shalt  }
0x7d: {  	_ =	shalt  }
0x7e: {  	_ =	shalt  }
0x7f: {  	_ =	shalt  }
0x80: {  	_ =	shalt  }
0x81: {  	_ =	shalt  }
0x82: {  	_ =	shalt  }
0x83: {  	_ =	shalt  }
0x84: {  	_ =	shalt  }
0x85: {  	_ =	shalt  }
0x86: {  	_ =	shalt  }
0x87: {  	_ =	shalt  }
.Lfunc_end0:
.L_simem_size_0:
called_computation_lowered:
.L_overlay_start_0:
0x88: {  	s2 =	sld [smem:$0x3FD9]  }
0x89: {  	s3 =	sld [smem:$0x3FFE];
	_ =	sdelay $0x1  }
0x8a: {  	s1 =	srdreg.scid  }
0x8b: {  	s0 =	sand.u32 $0x1, s1  }
0x8c: {  	s17 =	sshll.u32 s0, $0xA;
	s2 =	sadd.s32 s3, s2  }
0x8d: {  	s2 =	sadd.s32 s2, s17  }
0x8e: {  	[smem:$0x3FB3] =	sst s2  }
0x8f: {  	_ = 	snop  }
0x90: {  	s2 =	sld [smem:$0x3FC9]  }
0x91: {  	s18 =	sld [smem:$0x3FC8];
	(tm) =	ssettm $0x1  }
0x92: {  	s4 =	sld [smem:$0x3FFB];
	_ =	sdelay $0x3  }
0x93: {  	_ =	strace s4  }
0x94: {  	s4 =	sld [smem:$0x3FFC];
	_ =	sdelay $0x3  }
0x95: {  	_ =	strace s4  }
0x96: {  	s4 =	sld [smem:$0x3FFD];
	_ =	sdelay $0x3  }
0x97: {  	_ =	strace s4  }
0x98: {  	_ =	strace $0x8FFFFFFF  }
0x99: {  	s19 =	sld [smem:$0x3FDB];
	_ =	sdelay $0x1  }
0x9a: {  	s5 =	simm.s32 $_scs_section_size  }
0x9b: {  	s6 =	simm.s32 $_size__tile_overlayer_lowered;
	s7 =	simm.s32 $_tile_overlayer_lowered  }
0x9c: {  	s22 =	simm.s32 $0x1BFF;
	s21 =	sshll.u32 s7, $0x1;
	s4 =	sadd.s32 s5, s19  }
0x9d: {  	s8 =	simm.s32 $0x0;
	s20 =	sshll.u32 s6, $0x1;
	s6 =	sadd.s32 s21, s4  }
0x9e: {  	[timem:s8], [sflag:s22] =	dma.local [hbm:s6], s20  }
0x9f: {  	_ =	swait.ge [sflag:s22], s20  }
0xa0: {  	s5 =	ssub.s32 $0x0, s20;
	[sflag:s22] =	ssyncset.done $0x0  }
0xa1: {  	[sflag:s22] =	ssyncadd.s32 s5;
	_ =	sdelay $0x1  }
0xa2: {  	s23 =	simm.s32 $0x1B8B  }
0xa3: {  	_ =	swait.ge [sflag:s23], $0x1  }
0xa4: {  	[sflag:s23] =	ssyncset.done $0x0  }
0xa5: {  	s25 =	simm.s32 $0x1B8E;
	s24 =	sld [smem:$0x3FFE];
	[sflag:s23] =	ssyncadd.s32 $0xFFFFFFFF  }
0xa6: {  	s26 =	simm.s32 $execute0_lowered;
	[smem:$0x3FD2] =	sst s25  }
0xa7: {  	s6 =	sshll.u32 s26, $0x1;
	_ =	strace $0x80000046;
	[dreg:$0x1] =	wrdreg $0xFFFFFFFF  }
0xa8: {  	s28 =	simm.s32 $_size_execute0_lowered;
	s4 =	sadd.s32 s4, s6;
	[dreg:$0x0] =	wrdreg $0x0  }
0xa9: {  	s6 =	sshll.u32 s28, $0x1;
	[dreg:$0x2] =	wrdreg s4  }
0xaa: {  	[dreg:$0x3] =	wrdreg s6  }
0xab: {  	[dreg:$0x4] =	wrdreg $0xC0  }
0xac: {  	_ =	task [dreg:s8], $0x5FFFF  }
0xad: {  	[dreg:$0x1] =	wrdreg $0xFFFFFFFF  }
0xae: {  	[dreg:$0x0] =	wrdreg $0x60  }
0xaf: {  	[dreg:$0x2] =	wrdreg s2  }
0xb0: {  	[dreg:$0x3] =	wrdreg s18  }
0xb1: {  	[dreg:$0x4] =	wrdreg s24  }
0xb2: {  	[dreg:$0x5] =	wrdreg $0x9  }
0xb3: {  	_ =	task.clear_ibuf [dreg:s8], $0x6FFFF;
	_ =	strace $0x90000046  }
0xb4: {  	s29 =	simm.s32 $0x9;
	_ =	strace $0x80000048  }
0xb5: {  	_ =	swait.ge [sflag:s29], $0x1  }
0xb6: {  	[sflag:s29] =	ssyncadd.s32 $0xFFFFFFFF  }
0xb7: {  	_ =	strace $0x90000048  }
0xb8: {  	_ =	sfence  }
0xb9: {  	s30 =	sld [smem:$0x0];
	_ =	sdelay $0x2  }
0xba: {  	s31 =	sshll.u32 s1, $0xD;
	s1 =	sshrl.u32 s1, $0x2  }
0xbb: {  	s3 =	sand.u32 $0x4000, s31;
	s1 =	sadd.s32 s1, s30  }
0xbc: {  	s0 =	sor.u32 s3, s0;
	s1 =	sshll.u32 s1, $0x11  }
0xbd: {  	s0 =	sor.u32 s1, s0  }
0xbe: {  	s0 =	sadd.s32 $0x8F2B, s0  }
0xbf: {  	[sflag:s0] =	ssyncadd.remote.s32 $0x1  }
0xc0: {  	_ =	sfence.sel $0xFFFF  }
0xc1: {  	[dreg:$0x0] =	wrdreg $0xFFFFFFFF;
	(pc) =	sbr.abs _section_cstart, $3  }
0xc2: {  	[dreg:$0x1] =	wrdreg $0xFFFFFFFF  }
0xc3: {  	_ =	task.clear_ibuf [dreg:s8], $0x2FFFF;
	_ =	strace $0x9FFFFFFF  }
0xc4: {  	(tm) =	ssettm $0x7FFFFFFF  }
0xc5: {  	_ =	shalt  }
tec
execute0_lowered:
.L_overlay_start_1:
0x0: {  	(tag) =	ssettag $0x1  }
0x1: {  	s0 =	rddreg [dreg:$0x0]  }
0x2: {  	s2 =	rddreg [dreg:$0x1]  }
0x3: {  	s4 =	rddreg [dreg:$0x2];
	s3 =	simm.s32 $0x0;
	s1 =	stileid.u32  }
0x4: {  	s29 =	srdreg.scid;
	s10 =	simm.s32 $0x880;
	s11 =	simm.s32 $0x1880  }
0x5: {  	s12 =	simm.s32 $0x2080;
	s13 =	simm.s32 $0x2880;
	s14 =	simm.s32 $0x3080  }
0x6: {  	s15 =	simm.s32 $0x3880;
	s16 =	simm.s32 $0x4080;
	s17 =	simm.s32 $0x4880  }
0x7: {  	s18 =	simm.s32 $0x5080;
	s19 =	simm.s32 $0x5880;
	s20 =	simm.s32 $0x6080  }
0x8: {  	s21 =	simm.s32 $0x6880;
	s22 =	simm.s32 $0x7080;
	s23 =	simm.s32 $0x7880  }
0x9: {  	s24 =	simm.s32 $0x1;
	s25 =	simm.s32 $0x0;
	[dreg:$0x4] =	wrdreg s0  }
0xa: {  	[smem:$0x7FF] =	sst s3;
	s5 =	sshll.u32 s1, $0xF;
	s7 =	sand.u32 $0x1, s29  }
0xb: {  	s30 =	sshll.u32 s1, $0x9;
	s6 =	sshll.u32 s1, $0x7;
	_ =	strace $0x80000047  }
0xc: {  	s4 =	sadd.s32 s5, s4;
	s8 =	ssub.s32 $0x2, s7;
	s5 =	sand.u32 $0x1000, s30  }
0xd: {  	s6 =	sand.u32 $0x380, s6;
	s31 =	sshll.u32 s7, $0xE;
	s7 =	sshll.u32 s7, $0xB  }
0xe: {  	[dreg:$0x6] =	wrdreg s10;
	s10 =	simm.s32 $0x1080;
	s9 =	sshrl.u32 s8, $0x1  }
0xf: {  	v2 =	vlaneseq.u32;
	s5 =	sor.u32 s6, s5;
	s6 =	sadd.s32 s31, s4;
	s4 =	sadd.s32 $0x100, s2  }
0x10: {  	vm0 =	vmmov $0xffff;
	v1 =	vshrl.u32 v2, $0x3;
	s8 =	ssub.s32 s8, s9;
	[dreg:$0x5] =	wrdreg s5;
	s6 =	sadd.s32 $0x4800, s6  }
0x11: {  	v0 =	vand.u32 $0x7, v2;
	v2 =	vor.u32 $0x8, v2;
	v1 =	vmul.u32 $0x8, v1;
	s9 =	simm.s32 $0x80;
	s5 =	smax.u32 s8, $0x1;
	s8 =	simm.s32 $0x2  }
.LBB2_1:
0x12: {  	s26 =	smov.u32 s7;
	s28 =	smov.u32 s6;
	s29 =	simm.s32 $0x0  }
.LBB2_2:
0x13: {  	s31 =	sand.u32 $0xC00, s26;
	s0 =	sand.u32 $0x40, s29  }
0x14: {  	s30 =	rddreg [dreg:$0x5];
	s0 =	sor.u32 s0, s31  }
0x15: {  	s0 =	sor.u32 s30, s0  }
0x16: {  	s31 =	rddreg [dreg:$0x4];
	s0 =	sshrl.u32 s0, $0x3  }
0x17: {  	s0 =	sadd.s32 s31, s0  }
0x18: {  	[tilespmem:s3], [sflag:$0x2] =	stream.linear.gather [hbm4b:s0+s3], $0x40, $0x38;
	[tilespmem:$0x8080] =	vst v63  }
0x19: {  	_ =	swait.ge [sflag:s8], $0x40  }
0x1a: {  	[sflag:s8] =	ssyncset.done $0x0  }
0x1b: {  	[sflag:s8] =	ssyncadd.s32 $0xFFFFFFC0  }
0x1c: {  	v3 =	vld [tilespmem:$0x0];
	_ =	sdelay $0x4  }
0x1d: {  	v4 =	vshll.u32 v3, $0x2  }
0x1e: {  	v3 =	vand.u32 $0x7, v3;
	v4 =	vand.u32 $0xFFFFFFE0, v4  }
0x1f: {  	v3 =	vor.u32 v3, v4  }
0x20: {  	v4 =	vperm.xlane v3, v0;
	_ =	sdelay $0x1  }
0x21: {  	v4 =	vadd.s32 v1, v4;
	_ =	sdelay $0x1  }
0x22: {  	v3 =	vperm.xlane v3, v2;
	_ =	sdelay $0x1  }
0x23: {  	v3 =	vadd.s32 v1, v3  }
0x24: {  	[tilespmem:s9], [sflag:$0x1] =	stream.indirect_vreg.gather [hbm4b:s2+s3], $0x80, v4, vm0, $0xb8;
	[tilespmem:$0x8080] =	vst v63  }
0x25: {  	s31 =	rddreg [dreg:$0x6]  }
0x26: {  	[tilespmem:s31], [sflag:$0x1] =	stream.indirect_vreg.gather [hbm4b:s4+s3], $0x80, v4, vm0, $0xb8;
	[tilespmem:$0x8080] =	vst v63  }
0x27: {  	_ = 	snop  }
0x28: {  	[tilespmem:s10], [sflag:$0x1] =	stream.indirect_vreg.gather [hbm4b:s2+s3], $0x80, v3, vm0, $0xb8;
	[tilespmem:$0x8080] =	vst v63  }
0x29: {  	_ = 	snop  }
0x2a: {  	[tilespmem:s11], [sflag:$0x1] =	stream.indirect_vreg.gather [hbm4b:s4+s3], $0x80, v3, vm0, $0xb8;
	[tilespmem:$0x8080] =	vst v63  }
0x2b: {  	v3 =	vld [tilespmem:$0x10];
	_ =	sdelay $0x4  }
0x2c: {  	v61 =	vshll.u32 v3, $0x2  }
0x2d: {  	v3 =	vand.u32 $0x7, v3;
	v4 =	vand.u32 $0xFFFFFFE0, v61  }
0x2e: {  	v3 =	vor.u32 v3, v4  }
0x2f: {  	v4 =	vperm.xlane v3, v0;
	_ =	sdelay $0x1  }
0x30: {  	v4 =	vadd.s32 v1, v4;
	_ =	sdelay $0x1  }
0x31: {  	v3 =	vperm.xlane v3, v2;
	_ =	sdelay $0x1  }
0x32: {  	v3 =	vadd.s32 v1, v3  }
0x33: {  	[tilespmem:s12], [sflag:$0x1] =	stream.indirect_vreg.gather [hbm4b:s2+s3], $0x80, v4, vm0, $0xb8;
	[tilespmem:$0x8080] =	vst v63  }
0x34: {  	_ = 	snop  }
0x35: {  	[tilespmem:s13], [sflag:$0x1] =	stream.indirect_vreg.gather [hbm4b:s4+s3], $0x80, v4, vm0, $0xb8;
	[tilespmem:$0x8080] =	vst v63  }
0x36: {  	_ = 	snop  }
0x37: {  	[tilespmem:s14], [sflag:$0x1] =	stream.indirect_vreg.gather [hbm4b:s2+s3], $0x80, v3, vm0, $0xb8;
	[tilespmem:$0x8080] =	vst v63  }
0x38: {  	_ = 	snop  }
0x39: {  	[tilespmem:s15], [sflag:$0x1] =	stream.indirect_vreg.gather [hbm4b:s4+s3], $0x80, v3, vm0, $0xb8;
	[tilespmem:$0x8080] =	vst v63  }
0x3a: {  	v3 =	vld [tilespmem:$0x20];
	_ =	sdelay $0x4  }
0x3b: {  	v62 =	vshll.u32 v3, $0x2  }
0x3c: {  	v3 =	vand.u32 $0x7, v3;
	v4 =	vand.u32 $0xFFFFFFE0, v62  }
0x3d: {  	v3 =	vor.u32 v3, v4  }
0x3e: {  	v4 =	vperm.xlane v3, v0;
	_ =	sdelay $0x1  }
0x3f: {  	v4 =	vadd.s32 v1, v4;
	_ =	sdelay $0x1  }
0x40: {  	v3 =	vperm.xlane v3, v2;
	_ =	sdelay $0x1  }
0x41: {  	v3 =	vadd.s32 v1, v3  }
0x42: {  	[tilespmem:s16], [sflag:$0x1] =	stream.indirect_vreg.gather [hbm4b:s2+s3], $0x80, v4, vm0, $0xb8;
	[tilespmem:$0x8080] =	vst v63  }
0x43: {  	_ = 	snop  }
0x44: {  	[tilespmem:s17], [sflag:$0x1] =	stream.indirect_vreg.gather [hbm4b:s4+s3], $0x80, v4, vm0, $0xb8;
	[tilespmem:$0x8080] =	vst v63  }
0x45: {  	_ = 	snop  }
0x46: {  	[tilespmem:s18], [sflag:$0x1] =	stream.indirect_vreg.gather [hbm4b:s2+s3], $0x80, v3, vm0, $0xb8;
	[tilespmem:$0x8080] =	vst v63  }
0x47: {  	_ = 	snop  }
0x48: {  	[tilespmem:s19], [sflag:$0x1] =	stream.indirect_vreg.gather [hbm4b:s4+s3], $0x80, v3, vm0, $0xb8;
	[tilespmem:$0x8080] =	vst v63  }
0x49: {  	v3 =	vld [tilespmem:$0x30];
	_ =	sdelay $0x4  }
0x4a: {  	v63 =	vshll.u32 v3, $0x2  }
0x4b: {  	v3 =	vand.u32 $0x7, v3;
	v4 =	vand.u32 $0xFFFFFFE0, v63  }
0x4c: {  	v3 =	vor.u32 v3, v4  }
0x4d: {  	v4 =	vperm.xlane v3, v0;
	_ =	sdelay $0x1  }
0x4e: {  	v4 =	vadd.s32 v1, v4;
	_ =	sdelay $0x1  }
0x4f: {  	v3 =	vperm.xlane v3, v2;
	_ =	sdelay $0x1  }
0x50: {  	v3 =	vadd.s32 v1, v3  }
0x51: {  	[tilespmem:s20], [sflag:$0x1] =	stream.indirect_vreg.gather [hbm4b:s2+s3], $0x80, v4, vm0, $0xb8;
	[tilespmem:$0x8080] =	vst v63  }
0x52: {  	_ = 	snop  }
0x53: {  	[tilespmem:s21], [sflag:$0x1] =	stream.indirect_vreg.gather [hbm4b:s4+s3], $0x80, v4, vm0, $0xb8;
	[tilespmem:$0x8080] =	vst v63  }
0x54: {  	_ = 	snop  }
0x55: {  	[tilespmem:s22], [sflag:$0x1] =	stream.indirect_vreg.gather [hbm4b:s2+s3], $0x80, v3, vm0, $0xb8;
	[tilespmem:$0x8080] =	vst v63  }
0x56: {  	_ = 	snop  }
0x57: {  	[tilespmem:s23], [sflag:$0x1] =	stream.indirect_vreg.gather [hbm4b:s4+s3], $0x80, v3, vm0, $0xb8;
	[tilespmem:$0x8080] =	vst v63  }
0x58: {  	_ =	swait.ge [sflag:s24], $0x8000  }
0x59: {  	p0 =	sne.s32 s29, $0xC0;
	[sflag:s24] =	ssyncset.done $0x0  }
.Ltmp0:
0x5a: {  	[sflag:s24] =	ssyncadd.s32 $0xFFFF8000;
	(pc) =	sbr.rel @p0 .LBB2_2-.Ltmp0, $4  }
0x5b: {  	[hbm4b:s28+s3] =	stream.linear.scatter [tilespmem:s9], [sflag:$0x2], $0x8000, $0x38;
	[tilespmem:$0x8080] =	vst v63  }
0x5c: {  	_ =	swait.ge [sflag:s8], $0x8000  }
0x5d: {  	s26 =	sadd.s32 $0x200, s26;
	[sflag:s8] =	ssyncset.done $0x0  }
0x5e: {  	s29 =	sadd.s32 $0x40, s29;
	s28 =	sadd.s32 $0x1000, s28;
	[sflag:s8] =	ssyncadd.s32 $0xFFFF8000  }
0x5f: {  	s25 =	sadd.s32 $0x1, s25  }
0x60: {  	p0 =	sne.s32 s25, s5  }
.Ltmp1:
0x61: {  	_ = 	snop;
	(pc) =	sbr.rel @p0 .LBB2_1-.Ltmp1, $1  }
0x62: {  	_ =	sdelay $0x3  }
0x63: {  	_ =	sfence.sel $0x180000  }
0x64: {  	[bflag:$0x0] =	sbarrier.arrive $0xFFFF  }
0x65: {  	_ =	strace $0x90000047  }
0x66: {  	[bflag:$0x2] =	sbarrier.arrive $0xFFFF  }
0x67: {  	p0 =	sne.s32 s1, $0x0;
	s0 =	rddreg [dreg:$0x3]  }
0x68: {  	s0 =	sadd.s32 @!p0 $0x100000, s0  }
0x69: {  	[sflag:s0] =	ssyncadd.tile.s32 @!p0 $0x1;
	_ =	shalt  }
.Lfunc_end2:
_tile_overlayer_lowered:
.L_overlay_start_2:
0x6a: {  	(tag) =	ssettag $0x2  }
0x6b: {  	s0 =	rddreg [dreg:$0x0];
	s2 =	stileid.u32  }
0x6c: {  	s1 =	rddreg [dreg:$0x1];
	p0 =	sne.s32 s2, $0x0  }
0x6d: {  	s3 =	rddreg [dreg:$0x2];
	[bflag:$0x3] =	sbarrier.arrive $0xFFFF;
	s2 =	simm.s32 @!p0 $0x1C02  }
0x6e: {  	[timem:s3], [sflag:s2] =	dma.local @!p0 [hbm:s0], s1  }
0x6f: {  	s0 =	simm.s32 @!p0 $0x2  }
0x70: {  	_ =	swait.ge @!p0 [sflag:s0], s1  }
0x71: {  	s1 =	ssub.s32 @!p0 $0x0, s1;
	[sflag:s0] =	ssyncset.done @!p0 $0x0  }
0x72: {  	[sflag:s0] =	ssyncadd.s32 @!p0 s1  }
0x73: {  	[bflag:$0x3] =	sbarrier.arrive $0xFFFF  }
0x74: {  	_ =	shalt  }

// kernel: kernel.14.cloned.1.call-start
scs
__scs_entry_jumppad:
0x0: {  	(pc) =	sbr.rel $0x88, $3  }
0x1: {  	(tag) =	ssettag $0x0;
	lr =	simm.s32 $0x1  }
0x2: {  	[smem:$0x3F8C] =	sst lr;
	_ =	strace $0xD0000000  }
0x3: {  	_ = 	snop  }
0x4: {  	_ = 	snop  }
0x5: {  	_ = 	snop  }
0x6: {  	_ = 	snop  }
0x7: {  	_ = 	snop  }
__scs_overlays_trampoline_lowered:
0x8: {  	[smem:$0x3F9B] =	sst s0  }
0x9: {  	[smem:$0x3F9C] =	sst s1  }
0xa: {  	[smem:$0x3F9D] =	sst s2  }
0xb: {  	[smem:$0x3F9E] =	sst s3  }
0xc: {  	[smem:$0x3F9F] =	sst s4  }
0xd: {  	[smem:$0x3FA0] =	sst s5  }
0xe: {  	[smem:$0x3FA1] =	sst s6  }
0xf: {  	[smem:$0x3FA2] =	sst s7  }
0x10: {  	[smem:$0x3FA3] =	sst s8  }
0x11: {  	[smem:$0x3FA4] =	sst s9;
	s0 =	simm.s32 @!p0 $0x0  }
0x12: {  	s1 =	sld [smem:$0x3F8A];
	s0 =	simm.s32 @p0 $0x1  }
0x13: {  	[smem:$0x3FA5] =	sst s0;
	s0 =	simm.s32 @!p1 $0x0  }
0x14: {  	s2 =	sld [smem:$0x3F89];
	s0 =	simm.s32 @p1 $0x1  }
0x15: {  	[smem:$0x3FA6] =	sst s0;
	s0 =	simm.s32 @!p2 $0x0  }
0x16: {  	s3 =	sld [smem:$0x3FDB];
	s0 =	simm.s32 @p2 $0x1  }
0x17: {  	s4 =	simm.s32 $0x1BF5;
	[smem:$0x3FA8] =	sst s0  }
0x18: {  	s0 =	sld [smem:$0x3F8B];
	_ =	swait.ge [sflag:s4], $0x0  }
0x19: {  	s7 =	sld [smem:$0x3F8C]  }
0x1a: {  	s8 =	sadd.s32 $0xFFFFE003, lr  }
0x1b: {  	s9 =	sadd.s32 $0xFFFFFEF7, lr;
	s5 =	simm.s32 $0xFFFFFFFF;
	p2 =	slt.u32 s8, $0xFFFFF086  }
0x1c: {  	p1 =	slt.u32 s9, $0xF7A;
	s5 =	simm.s32 @!p2 $0x0  }
0x1d: {  	s5 =	simm.s32 @p1 $0x1;
	p0 =	seq.s32 s7, s2  }
0x1e: {  	s7 =	smul.u32 @!p0 $0xF7A, s2;
	p2 =	seq.s32 @!p0 s5, $0x0  }
0x1f: {  	s9 =	smul.u32 $0xF7A, s1;
	s8 =	simm.s32 @!p0 $0x1BF5;
	p2 =	por !p2, p0  }
0x20: {  	[sflag:s8] =	ssyncset.s32 @!p0 $0xFFFFF086;
	s6 =	sadd.s32 @!p0 s3, s7;
	s7 =	simm.s32 @!p0 $0x108  }
0x21: {  	s3 =	sadd.s32 s3, s9;
	s6 =	sadd.s32 @!p0 $0x88, s6;
	s7 =	simm.s32 @p2 $0x1082  }
0x22: {  	[simem:s7], [sflag:s8] =	dma.local @!p0 [hbm:s6], $0xF7A  }
0x23: {  	s9 =	sor.u32 $0xD0000000, s2;
	s6 =	simm.s32 $0x108;
	_ =	swait.ge @!p0 [sflag:s8], $0x0  }
0x24: {  	s3 =	sadd.s32 $0x88, s3;
	s6 =	simm.s32 @!p1 $0x1082;
	[sflag:s4] =	ssyncset.s32 $0xFFFFF086  }
0x25: {  	[simem:s6], [sflag:s4] =	dma.local [hbm:s3], $0xF7A  }
0x26: {  	[smem:$0x3F8C] =	sst s1;
	(tag) =	ssettag s2;
	_ =	strace s9  }
0x27: {  	s1 =	sld [smem:$0x3F9C]  }
0x28: {  	s2 =	sld [smem:$0x3F9D]  }
0x29: {  	s4 =	sld [smem:$0x3F9F]  }
0x2a: {  	p0 =	seq.s32 s5, $0x0;
	s5 =	sld [smem:$0x3FA0]  }
0x2b: {  	s6 =	sld [smem:$0x3FA1]  }
0x2c: {  	s7 =	sld [smem:$0x3FA2]  }
0x2d: {  	s3 =	simm.s32 $0x108;
	s8 =	sld [smem:$0x3FA3]  }
0x2e: {  	s3 =	simm.s32 @!p0 $0x1082;
	s9 =	sld [smem:$0x3FA4]  }
0x2f: {  	lr =	sadd.s32 s0, s3;
	s0 =	sld [smem:$0x3F9B]  }
0x30: {  	s3 =	sld [smem:$0x3F9E]  }
0x31: {  	[smem:$0x3FA7] =	sst s10  }
0x32: {  	s10 =	sld [smem:$0x3FA5];
	_ =	sdelay $0x3  }
0x33: {  	p0 =	seq.s32 s10, $0x1;
	s10 =	sld [smem:$0x3FA7];
	_ =	sdelay $0x3  }
0x34: {  	[smem:$0x3FA7] =	sst s10  }
0x35: {  	s10 =	sld [smem:$0x3FA6];
	_ =	sdelay $0x3  }
0x36: {  	p1 =	seq.s32 s10, $0x1;
	s10 =	sld [smem:$0x3FA7];
	_ =	sdelay $0x3  }
0x37: {  	[smem:$0x3FA7] =	sst s10  }
0x38: {  	s10 =	sld [smem:$0x3FA8]  }
0x39: {  	_ = 	snop;
	(pc) =	sbr.ind lr, $3  }
0x3a: {  	_ = 	snop  }
0x3b: {  	_ = 	snop  }
0x3c: {  	p2 =	seq.s32 s10, $0x1;
	s10 =	sld [smem:$0x3FA7]  }
0x3d: {  	_ =	shalt  }
0x3e: {  	_ =	shalt  }
0x3f: {  	_ =	shalt  }
0x40: {  	_ =	shalt  }
0x41: {  	_ =	shalt  }
0x42: {  	_ =	shalt  }
0x43: {  	_ =	shalt  }
0x44: {  	_ =	shalt  }
0x45: {  	_ =	shalt  }
0x46: {  	_ =	shalt  }
0x47: {  	_ =	shalt  }
0x48: {  	_ =	shalt  }
0x49: {  	_ =	shalt  }
0x4a: {  	_ =	shalt  }
0x4b: {  	_ =	shalt  }
0x4c: {  	_ =	shalt  }
0x4d: {  	_ =	shalt  }
0x4e: {  	_ =	shalt  }
0x4f: {  	_ =	shalt  }
0x50: {  	_ =	shalt  }
0x51: {  	_ =	shalt  }
0x52: {  	_ =	shalt  }
0x53: {  	_ =	shalt  }
0x54: {  	_ =	shalt  }
0x55: {  	_ =	shalt  }
0x56: {  	_ =	shalt  }
0x57: {  	_ =	shalt  }
0x58: {  	_ =	shalt  }
0x59: {  	_ =	shalt  }
0x5a: {  	_ =	shalt  }
0x5b: {  	_ =	shalt  }
0x5c: {  	_ =	shalt  }
0x5d: {  	_ =	shalt  }
0x5e: {  	_ =	shalt  }
0x5f: {  	_ =	shalt  }
0x60: {  	_ =	shalt  }
0x61: {  	_ =	shalt  }
0x62: {  	_ =	shalt  }
0x63: {  	_ =	shalt  }
0x64: {  	_ =	shalt  }
0x65: {  	_ =	shalt  }
0x66: {  	_ =	shalt  }
0x67: {  	_ =	shalt  }
0x68: {  	_ =	shalt  }
0x69: {  	_ =	shalt  }
0x6a: {  	_ =	shalt  }
0x6b: {  	_ =	shalt  }
0x6c: {  	_ =	shalt  }
0x6d: {  	_ =	shalt  }
0x6e: {  	_ =	shalt  }
0x6f: {  	_ =	shalt  }
0x70: {  	_ =	shalt  }
0x71: {  	_ =	shalt  }
0x72: {  	_ =	shalt  }
0x73: {  	_ =	shalt  }
0x74: {  	_ =	shalt  }
0x75: {  	_ =	shalt  }
0x76: {  	_ =	shalt  }
0x77: {  	_ =	shalt  }
0x78: {  	_ =	shalt  }
0x79: {  	_ =	shalt  }
0x7a: {  	_ =	shalt  }
0x7b: {  	_ =	shalt  }
0x7c: {  	_ =	shalt  }
0x7d: {  	_ =	shalt  }
0x7e: {  	_ =	shalt  }
0x7f: {  	_ =	shalt  }
0x80: {  	_ =	shalt  }
0x81: {  	_ =	shalt  }
0x82: {  	_ =	shalt  }
0x83: {  	_ =	shalt  }
0x84: {  	_ =	shalt  }
0x85: {  	_ =	shalt  }
0x86: {  	_ =	shalt  }
0x87: {  	_ =	shalt  }
.Lfunc_end0:
.L_simem_size_0:
called_computation.1_lowered:
.L_overlay_start_0:
0x88: {  	s2 =	sld [smem:$0x3FD9]  }
0x89: {  	s3 =	sld [smem:$0x3FFE];
	_ =	sdelay $0x1  }
0x8a: {  	s1 =	srdreg.scid  }
0x8b: {  	s0 =	sand.u32 $0x1, s1  }
0x8c: {  	s17 =	sshll.u32 s0, $0xA;
	s2 =	sadd.s32 s3, s2  }
0x8d: {  	s2 =	sadd.s32 s2, s17  }
0x8e: {  	[smem:$0x3FB3] =	sst s2  }
0x8f: {  	_ = 	snop  }
0x90: {  	s2 =	sld [smem:$0x3FD0];
	(tm) =	ssettm $0x1  }
0x91: {  	s18 =	sld [smem:$0x3FFB];
	_ =	sdelay $0x3  }
0x92: {  	_ =	strace s18  }
0x93: {  	s3 =	sld [smem:$0x3FFC];
	_ =	sdelay $0x3  }
0x94: {  	_ =	strace s3  }
0x95: {  	s3 =	sld [smem:$0x3FFD];
	_ =	sdelay $0x3  }
0x96: {  	_ =	strace s3  }
0x97: {  	_ =	strace $0x8FFFFFFF  }
0x98: {  	s19 =	sld [smem:$0x3FDB];
	_ =	sdelay $0x1  }
0x99: {  	s4 =	simm.s32 $_scs_section_size  }
0x9a: {  	s5 =	simm.s32 $_size__tile_overlayer_lowered;
	s6 =	simm.s32 $_tile_overlayer_lowered  }
0x9b: {  	s22 =	simm.s32 $0x1BFF;
	s21 =	sshll.u32 s6, $0x1;
	s3 =	sadd.s32 s4, s19  }
0x9c: {  	s7 =	simm.s32 $0x0;
	s20 =	sshll.u32 s5, $0x1;
	s5 =	sadd.s32 s21, s3  }
0x9d: {  	[timem:s7], [sflag:s22] =	dma.local [hbm:s5], s20  }
0x9e: {  	_ =	swait.ge [sflag:s22], s20  }
0x9f: {  	s4 =	ssub.s32 $0x0, s20;
	[sflag:s22] =	ssyncset.done $0x0  }
0xa0: {  	[sflag:s22] =	ssyncadd.s32 s4;
	_ =	sdelay $0x1  }
0xa1: {  	s23 =	simm.s32 $0x1B8B  }
0xa2: {  	_ =	swait.ge [sflag:s23], $0x1  }
0xa3: {  	[sflag:s23] =	ssyncset.done $0x0  }
0xa4: {  	s25 =	simm.s32 $0x1B8E;
	s24 =	sld [smem:$0x3FFE];
	[sflag:s23] =	ssyncadd.s32 $0xFFFFFFFF  }
0xa5: {  	s26 =	simm.s32 $execute0_lowered;
	[smem:$0x3FD2] =	sst s25  }
0xa6: {  	s5 =	sshll.u32 s26, $0x1;
	_ =	strace $0x80000049;
	[dreg:$0x1] =	wrdreg $0xFFFFFFFF  }
0xa7: {  	s28 =	simm.s32 $_size_execute0_lowered;
	s3 =	sadd.s32 s3, s5;
	[dreg:$0x0] =	wrdreg $0x0  }
0xa8: {  	s5 =	sshll.u32 s28, $0x1;
	[dreg:$0x2] =	wrdreg s3  }
0xa9: {  	[dreg:$0x3] =	wrdreg s5  }
0xaa: {  	[dreg:$0x4] =	wrdreg $0xC0  }
0xab: {  	_ =	task [dreg:s7], $0x5FFFF  }
0xac: {  	[dreg:$0x1] =	wrdreg $0xFFFFFFFF  }
0xad: {  	[dreg:$0x0] =	wrdreg $0x60  }
0xae: {  	[dreg:$0x2] =	wrdreg s24  }
0xaf: {  	[dreg:$0x3] =	wrdreg s2  }
0xb0: {  	[dreg:$0x4] =	wrdreg $0x9  }
0xb1: {  	_ =	task.clear_ibuf [dreg:s7], $0x5FFFF;
	_ =	strace $0x90000049  }
0xb2: {  	s29 =	simm.s32 $0x9;
	_ =	strace $0x8000004B  }
0xb3: {  	_ =	swait.ge [sflag:s29], $0x1  }
0xb4: {  	[sflag:s29] =	ssyncadd.s32 $0xFFFFFFFF  }
0xb5: {  	_ =	strace $0x9000004B  }
0xb6: {  	_ =	sfence  }
0xb7: {  	s30 =	sld [smem:$0x0];
	_ =	sdelay $0x2  }
0xb8: {  	s31 =	sshll.u32 s1, $0xD;
	s1 =	sshrl.u32 s1, $0x2  }
0xb9: {  	s3 =	sand.u32 $0x4000, s31;
	s1 =	sadd.s32 s1, s30  }
0xba: {  	s0 =	sor.u32 s3, s0;
	s1 =	sshll.u32 s1, $0x11  }
0xbb: {  	s0 =	sor.u32 s1, s0  }
0xbc: {  	s0 =	sadd.s32 $0x8F2B, s0  }
0xbd: {  	[sflag:s0] =	ssyncadd.remote.s32 $0x1  }
0xbe: {  	_ =	sfence.sel $0xFFFF  }
0xbf: {  	[dreg:$0x0] =	wrdreg $0xFFFFFFFF;
	(pc) =	sbr.abs _section_cstart, $3  }
0xc0: {  	[dreg:$0x1] =	wrdreg $0xFFFFFFFF  }
0xc1: {  	_ =	task.clear_ibuf [dreg:s7], $0x2FFFF;
	_ =	strace $0x9FFFFFFF  }
0xc2: {  	(tm) =	ssettm $0x7FFFFFFF  }
0xc3: {  	_ =	shalt  }
tec
execute0_lowered:
.L_overlay_start_1:
0x0: {  	(tag) =	ssettag $0x1  }
0x1: {  	s5 =	rddreg [dreg:$0x0];
	s0 =	stileid.u32  }
0x2: {  	s1 =	srdreg.scid;
	s2 =	sshll.u32 s0, $0x9;
	s3 =	sshll.u32 s0, $0x7  }
0x3: {  	s16 =	sand.u32 $0x1, s1;
	s26 =	sand.u32 $0x1000, s2;
	s28 =	sand.u32 $0x380, s3  }
0x4: {  	s15 =	rddreg [dreg:$0x1];
	s29 =	sshll.u32 s16, $0xB;
	s13 =	sor.u32 s28, s26  }
0x5: {  	s1 =	rddreg [dreg:$0x2];
	s2 =	simm.s32 $0x0;
	s3 =	sor.u32 s13, s29  }
0x6: {  	s14 =	sadd.s32 $0x148E00, s5;
	[smem:$0x7FF] =	sst s2;
	s3 =	sshrl.u32 s3, $0x3  }
0x7: {  	_ =	strace $0x8000004A;
	s4 =	sadd.s32 s14, s3;
	s3 =	simm.s32 $0x2  }
0x8: {  	[tilespmem:s2], [sflag:$0x2] =	stream.linear.gather [hbm4b:s4+s2], $0x40, $0x38;
	[tilespmem:$0x2080] =	vst v63  }
0x9: {  	_ =	swait.ge [sflag:s3], $0x40  }
0xa: {  	s6 =	simm.s32 $0x40;
	s7 =	simm.s32 $0x80;
	[sflag:s3] =	ssyncset.done $0x0  }
0xb: {  	s8 =	simm.s32 $0x1;
	s5 =	sadd.s32 $0x84800, s5;
	[sflag:s3] =	ssyncadd.s32 $0xFFFFFFC0  }
0xc: {  	[tilespmem:s7], [sflag:$0x1] =	stream.indirect.gather [hbm4b:s5+s6], $0x80, s2, s6, $0xb8;
	[tilespmem:$0x2080] =	vst v63  }
0xd: {  	s17 =	sshll.u32 s0, $0xD;
	s9 =	sshll.u32 s16, $0xC;
	_ =	swait.ge [sflag:s8], $0x2000  }
0xe: {  	s9 =	sor.u32 s9, s17;
	[sflag:s8] =	ssyncset.done $0x0  }
0xf: {  	s9 =	sadd.s32 s15, s9;
	[sflag:s8] =	ssyncadd.s32 $0xFFFFE000  }
0x10: {  	[hbm4b:s9+s2] =	stream.linear.scatter [tilespmem:s7], [sflag:$0x2], $0x2000, $0x38;
	[tilespmem:$0x2080] =	vst v63  }
0x11: {  	_ =	swait.ge [sflag:s3], $0x2000  }
0x12: {  	[sflag:s3] =	ssyncset.done $0x0  }
0x13: {  	s10 =	sadd.s32 $0x8, s4;
	[sflag:s3] =	ssyncadd.s32 $0xFFFFE000  }
0x14: {  	[tilespmem:s2], [sflag:$0x2] =	stream.linear.gather [hbm4b:s10+s2], $0x40, $0x38;
	[tilespmem:$0x2080] =	vst v63  }
0x15: {  	_ =	swait.ge [sflag:s3], $0x40  }
0x16: {  	[sflag:s3] =	ssyncset.done $0x0  }
0x17: {  	[sflag:s3] =	ssyncadd.s32 $0xFFFFFFC0  }
0x18: {  	[tilespmem:s7], [sflag:$0x1] =	stream.indirect.gather [hbm4b:s5+s6], $0x80, s2, s6, $0xb8;
	[tilespmem:$0x2080] =	vst v63  }
0x19: {  	_ =	swait.ge [sflag:s8], $0x2000  }
0x1a: {  	[sflag:s8] =	ssyncset.done $0x0  }
0x1b: {  	s18 =	sshll.u32 s16, $0x8;
	s11 =	sadd.s32 $0x400, s9;
	[sflag:s8] =	ssyncadd.s32 $0xFFFFE000  }
0x1c: {  	[hbm4b:s11+s2] =	stream.linear.scatter [tilespmem:s7], [sflag:$0x2], $0x2000, $0x38;
	[tilespmem:$0x2080] =	vst v63  }
0x1d: {  	s19 =	sor.u32 $0x80, s18;
	s12 =	sshrl.u32 s13, $0x3;
	_ =	swait.ge [sflag:s3], $0x2000  }
0x1e: {  	s12 =	sor.u32 s19, s12;
	[sflag:s3] =	ssyncset.done $0x0  }
0x1f: {  	s12 =	sadd.s32 s14, s12;
	[sflag:s3] =	ssyncadd.s32 $0xFFFFE000  }
0x20: {  	[tilespmem:s2], [sflag:$0x2] =	stream.linear.gather [hbm4b:s12+s2], $0x40, $0x38;
	[tilespmem:$0x2080] =	vst v63  }
0x21: {  	_ =	swait.ge [sflag:s3], $0x40  }
0x22: {  	[sflag:s3] =	ssyncset.done $0x0  }
0x23: {  	s18 =	sor.u32 $0xC0, s18;
	[sflag:s3] =	ssyncadd.s32 $0xFFFFFFC0  }
0x24: {  	[tilespmem:s7], [sflag:$0x1] =	stream.indirect.gather [hbm4b:s5+s6], $0x80, s2, s6, $0xb8;
	[tilespmem:$0x2080] =	vst v63  }
0x25: {  	s20 =	sshll.u32 s18, $0x3;
	s19 =	sshll.u32 s19, $0x4;
	_ =	swait.ge [sflag:s8], $0x2000  }
0x26: {  	s20 =	sand.u32 $0xC00, s20;
	s19 =	sor.u32 s19, s17;
	[sflag:s8] =	ssyncset.done $0x0  }
0x27: {  	s20 =	sor.u32 s13, s20;
	s13 =	sadd.s32 s15, s19;
	[sflag:s8] =	ssyncadd.s32 $0xFFFFE000  }
0x28: {  	[hbm4b:s13+s2] =	stream.linear.scatter [tilespmem:s7], [sflag:$0x2], $0x2000, $0x38;
	[tilespmem:$0x2080] =	vst v63  }
0x29: {  	s30 =	sshrl.u32 s20, $0x3;
	_ =	swait.ge [sflag:s3], $0x2000  }
0x2a: {  	s14 =	sadd.s32 s30, s14;
	[sflag:s3] =	ssyncset.done $0x0  }
0x2b: {  	s16 =	ssub.s32 $0x2, s16;
	s14 =	sadd.s32 $0x8, s14;
	[sflag:s3] =	ssyncadd.s32 $0xFFFFE000  }
0x2c: {  	[tilespmem:s2], [sflag:$0x2] =	stream.linear.gather [hbm4b:s14+s2], $0x40, $0x38;
	[tilespmem:$0x2080] =	vst v63  }
0x2d: {  	s31 =	sshrl.u32 s16, $0x1;
	_ =	swait.ge [sflag:s3], $0x40  }
0x2e: {  	s16 =	ssub.s32 s16, s31;
	[sflag:s3] =	ssyncset.done $0x0  }
0x2f: {  	s16 =	smax.u32 s16, $0x1;
	[sflag:s3] =	ssyncadd.s32 $0xFFFFFFC0  }
0x30: {  	[tilespmem:s7], [sflag:$0x1] =	stream.indirect.gather [hbm4b:s5+s6], $0x80, s2, s6, $0xb8;
	[tilespmem:$0x2080] =	vst v63  }
0x31: {  	s18 =	sshll.u32 s18, $0x4;
	p0 =	sne.s32 s16, $0x1;
	_ =	swait.ge [sflag:s8], $0x2000  }
.Ltmp0:
0x32: {  	s17 =	sor.u32 s18, s17;
	[sflag:s8] =	ssyncset.done $0x0;
	(pc) =	sbr.rel @!p0 .LBB2_2-.Ltmp0, $4  }
0x33: {  	s15 =	sadd.s32 s15, s17;
	[sflag:s8] =	ssyncadd.s32 $0xFFFFE000  }
0x34: {  	[hbm4b:s15+s2] =	stream.linear.scatter [tilespmem:s7], [sflag:$0x2], $0x2000, $0x38;
	[tilespmem:$0x2080] =	vst v63  }
0x35: {  	_ =	swait.ge [sflag:s3], $0x2000  }
0x36: {  	s16 =	sadd.s32 $0xFFFFFFFF, s16;
	[sflag:s3] =	ssyncset.done $0x0  }
.LBB2_1:
0x37: {  	p0 =	sne.s32 s16, $0x1;
	s16 =	sadd.s32 $0xFFFFFFFF, s16;
	[sflag:s3] =	ssyncadd.s32 $0xFFFFE000  }
0x38: {  	[tilespmem:s2], [sflag:$0x2] =	stream.linear.gather [hbm4b:s4+s2], $0x40, $0x38;
	[tilespmem:$0x2080] =	vst v63  }
0x39: {  	_ =	swait.ge [sflag:s3], $0x40  }
0x3a: {  	[sflag:s3] =	ssyncset.done $0x0  }
0x3b: {  	[sflag:s3] =	ssyncadd.s32 $0xFFFFFFC0  }
0x3c: {  	[tilespmem:s7], [sflag:$0x1] =	stream.indirect.gather [hbm4b:s5+s6], $0x80, s2, s6, $0xb8;
	[tilespmem:$0x2080] =	vst v63  }
0x3d: {  	_ =	swait.ge [sflag:s8], $0x2000  }
0x3e: {  	[sflag:s8] =	ssyncset.done $0x0  }
0x3f: {  	[sflag:s8] =	ssyncadd.s32 $0xFFFFE000  }
0x40: {  	[hbm4b:s9+s2] =	stream.linear.scatter [tilespmem:s7], [sflag:$0x2], $0x2000, $0x38;
	[tilespmem:$0x2080] =	vst v63  }
0x41: {  	_ =	swait.ge [sflag:s3], $0x2000  }
0x42: {  	[sflag:s3] =	ssyncset.done $0x0  }
0x43: {  	[sflag:s3] =	ssyncadd.s32 $0xFFFFE000  }
0x44: {  	[tilespmem:s2], [sflag:$0x2] =	stream.linear.gather [hbm4b:s10+s2], $0x40, $0x38;
	[tilespmem:$0x2080] =	vst v63  }
0x45: {  	_ =	swait.ge [sflag:s3], $0x40  }
0x46: {  	[sflag:s3] =	ssyncset.done $0x0  }
0x47: {  	[sflag:s3] =	ssyncadd.s32 $0xFFFFFFC0  }
0x48: {  	[tilespmem:s7], [sflag:$0x1] =	stream.indirect.gather [hbm4b:s5+s6], $0x80, s2, s6, $0xb8;
	[tilespmem:$0x2080] =	vst v63  }
0x49: {  	_ =	swait.ge [sflag:s8], $0x2000  }
0x4a: {  	[sflag:s8] =	ssyncset.done $0x0  }
0x4b: {  	[sflag:s8] =	ssyncadd.s32 $0xFFFFE000  }
0x4c: {  	[hbm4b:s11+s2] =	stream.linear.scatter [tilespmem:s7], [sflag:$0x2], $0x2000, $0x38;
	[tilespmem:$0x2080] =	vst v63  }
0x4d: {  	_ =	swait.ge [sflag:s3], $0x2000  }
0x4e: {  	[sflag:s3] =	ssyncset.done $0x0  }
0x4f: {  	[sflag:s3] =	ssyncadd.s32 $0xFFFFE000  }
0x50: {  	[tilespmem:s2], [sflag:$0x2] =	stream.linear.gather [hbm4b:s12+s2], $0x40, $0x38;
	[tilespmem:$0x2080] =	vst v63  }
0x51: {  	_ =	swait.ge [sflag:s3], $0x40  }
0x52: {  	[sflag:s3] =	ssyncset.done $0x0  }
0x53: {  	[sflag:s3] =	ssyncadd.s32 $0xFFFFFFC0  }
0x54: {  	[tilespmem:s7], [sflag:$0x1] =	stream.indirect.gather [hbm4b:s5+s6], $0x80, s2, s6, $0xb8;
	[tilespmem:$0x2080] =	vst v63  }
0x55: {  	_ =	swait.ge [sflag:s8], $0x2000  }
0x56: {  	[sflag:s8] =	ssyncset.done $0x0  }
0x57: {  	[sflag:s8] =	ssyncadd.s32 $0xFFFFE000  }
0x58: {  	[hbm4b:s13+s2] =	stream.linear.scatter [tilespmem:s7], [sflag:$0x2], $0x2000, $0x38;
	[tilespmem:$0x2080] =	vst v63  }
0x59: {  	_ =	swait.ge [sflag:s3], $0x2000  }
0x5a: {  	[sflag:s3] =	ssyncset.done $0x0  }
0x5b: {  	[sflag:s3] =	ssyncadd.s32 $0xFFFFE000  }
0x5c: {  	[tilespmem:s2], [sflag:$0x2] =	stream.linear.gather [hbm4b:s14+s2], $0x40, $0x38;
	[tilespmem:$0x2080] =	vst v63  }
0x5d: {  	_ =	swait.ge [sflag:s3], $0x40  }
0x5e: {  	[sflag:s3] =	ssyncset.done $0x0  }
0x5f: {  	[sflag:s3] =	ssyncadd.s32 $0xFFFFFFC0  }
0x60: {  	[tilespmem:s7], [sflag:$0x1] =	stream.indirect.gather [hbm4b:s5+s6], $0x80, s2, s6, $0xb8;
	[tilespmem:$0x2080] =	vst v63  }
0x61: {  	_ =	swait.ge [sflag:s8], $0x2000  }
.Ltmp1:
0x62: {  	[sflag:s8] =	ssyncset.done $0x0;
	(pc) =	sbr.rel @p0 .LBB2_1-.Ltmp1, $4  }
0x63: {  	[sflag:s8] =	ssyncadd.s32 $0xFFFFE000  }
0x64: {  	[hbm4b:s15+s2] =	stream.linear.scatter [tilespmem:s7], [sflag:$0x2], $0x2000, $0x38;
	[tilespmem:$0x2080] =	vst v63  }
0x65: {  	_ =	swait.ge [sflag:s3], $0x2000  }
0x66: {  	[sflag:s3] =	ssyncset.done $0x0  }
.LBB2_2:
0x67: {  	[sflag:s3] =	ssyncadd.s32 $0xFFFFE000  }
0x68: {  	_ =	sfence.sel $0x180000  }
0x69: {  	[bflag:$0x0] =	sbarrier.arrive $0xFFFF  }
0x6a: {  	p0 =	sne.s32 s0, $0x0;
	_ =	strace $0x9000004A  }
0x6b: {  	s0 =	sadd.s32 @!p0 $0x100000, s1;
	[bflag:$0x2] =	sbarrier.arrive $0xFFFF  }
0x6c: {  	[sflag:s0] =	ssyncadd.tile.s32 @!p0 $0x1;
	_ =	shalt  }
.Lfunc_end2:
_tile_overlayer_lowered:
.L_overlay_start_2:
0x6d: {  	(tag) =	ssettag $0x2  }
0x6e: {  	s0 =	rddreg [dreg:$0x0];
	s2 =	stileid.u32  }
0x6f: {  	s1 =	rddreg [dreg:$0x1];
	p0 =	sne.s32 s2, $0x0  }
0x70: {  	s3 =	rddreg [dreg:$0x2];
	[bflag:$0x3] =	sbarrier.arrive $0xFFFF;
	s2 =	simm.s32 @!p0 $0x1C02  }
0x71: {  	[timem:s3], [sflag:s2] =	dma.local @!p0 [hbm:s0], s1  }
0x72: {  	s0 =	simm.s32 @!p0 $0x2  }
0x73: {  	_ =	swait.ge @!p0 [sflag:s0], s1  }
0x74: {  	s1 =	ssub.s32 @!p0 $0x0, s1;
	[sflag:s0] =	ssyncset.done @!p0 $0x0  }
0x75: {  	[sflag:s0] =	ssyncadd.s32 @!p0 s1  }
0x76: {  	[bflag:$0x3] =	sbarrier.arrive $0xFFFF  }
0x77: {  	_ =	shalt  }

// kernel: kernel.17.cloned.1.call-start
scs
__scs_entry_jumppad:
0x0: {  	(pc) =	sbr.rel $0x88, $3  }
0x1: {  	(tag) =	ssettag $0x0;
	lr =	simm.s32 $0x1  }
0x2: {  	[smem:$0x3F8C] =	sst lr;
	_ =	strace $0xD0000000  }
0x3: {  	_ = 	snop  }
0x4: {  	_ = 	snop  }
0x5: {  	_ = 	snop  }
0x6: {  	_ = 	snop  }
0x7: {  	_ = 	snop  }
__scs_overlays_trampoline_lowered:
0x8: {  	[smem:$0x3F9B] =	sst s0  }
0x9: {  	[smem:$0x3F9C] =	sst s1  }
0xa: {  	[smem:$0x3F9D] =	sst s2  }
0xb: {  	[smem:$0x3F9E] =	sst s3  }
0xc: {  	[smem:$0x3F9F] =	sst s4  }
0xd: {  	[smem:$0x3FA0] =	sst s5  }
0xe: {  	[smem:$0x3FA1] =	sst s6  }
0xf: {  	[smem:$0x3FA2] =	sst s7  }
0x10: {  	[smem:$0x3FA3] =	sst s8  }
0x11: {  	[smem:$0x3FA4] =	sst s9;
	s0 =	simm.s32 @!p0 $0x0  }
0x12: {  	s1 =	sld [smem:$0x3F8A];
	s0 =	simm.s32 @p0 $0x1  }
0x13: {  	[smem:$0x3FA5] =	sst s0;
	s0 =	simm.s32 @!p1 $0x0  }
0x14: {  	s2 =	sld [smem:$0x3F89];
	s0 =	simm.s32 @p1 $0x1  }
0x15: {  	[smem:$0x3FA6] =	sst s0;
	s0 =	simm.s32 @!p2 $0x0  }
0x16: {  	s3 =	sld [smem:$0x3FDB];
	s0 =	simm.s32 @p2 $0x1  }
0x17: {  	s4 =	simm.s32 $0x1BF5;
	[smem:$0x3FA8] =	sst s0  }
0x18: {  	s0 =	sld [smem:$0x3F8B];
	_ =	swait.ge [sflag:s4], $0x0  }
0x19: {  	s7 =	sld [smem:$0x3F8C]  }
0x1a: {  	s8 =	sadd.s32 $0xFFFFE003, lr  }
0x1b: {  	s9 =	sadd.s32 $0xFFFFFEF7, lr;
	s5 =	simm.s32 $0xFFFFFFFF;
	p2 =	slt.u32 s8, $0xFFFFF086  }
0x1c: {  	p1 =	slt.u32 s9, $0xF7A;
	s5 =	simm.s32 @!p2 $0x0  }
0x1d: {  	s5 =	simm.s32 @p1 $0x1;
	p0 =	seq.s32 s7, s2  }
0x1e: {  	s7 =	smul.u32 @!p0 $0xF7A, s2;
	p2 =	seq.s32 @!p0 s5, $0x0  }
0x1f: {  	s9 =	smul.u32 $0xF7A, s1;
	s8 =	simm.s32 @!p0 $0x1BF5;
	p2 =	por !p2, p0  }
0x20: {  	[sflag:s8] =	ssyncset.s32 @!p0 $0xFFFFF086;
	s6 =	sadd.s32 @!p0 s3, s7;
	s7 =	simm.s32 @!p0 $0x108  }
0x21: {  	s3 =	sadd.s32 s3, s9;
	s6 =	sadd.s32 @!p0 $0x88, s6;
	s7 =	simm.s32 @p2 $0x1082  }
0x22: {  	[simem:s7], [sflag:s8] =	dma.local @!p0 [hbm:s6], $0xF7A  }
0x23: {  	s9 =	sor.u32 $0xD0000000, s2;
	s6 =	simm.s32 $0x108;
	_ =	swait.ge @!p0 [sflag:s8], $0x0  }
0x24: {  	s3 =	sadd.s32 $0x88, s3;
	s6 =	simm.s32 @!p1 $0x1082;
	[sflag:s4] =	ssyncset.s32 $0xFFFFF086  }
0x25: {  	[simem:s6], [sflag:s4] =	dma.local [hbm:s3], $0xF7A  }
0x26: {  	[smem:$0x3F8C] =	sst s1;
	(tag) =	ssettag s2;
	_ =	strace s9  }
0x27: {  	s1 =	sld [smem:$0x3F9C]  }
0x28: {  	s2 =	sld [smem:$0x3F9D]  }
0x29: {  	s4 =	sld [smem:$0x3F9F]  }
0x2a: {  	p0 =	seq.s32 s5, $0x0;
	s5 =	sld [smem:$0x3FA0]  }
0x2b: {  	s6 =	sld [smem:$0x3FA1]  }
0x2c: {  	s7 =	sld [smem:$0x3FA2]  }
0x2d: {  	s3 =	simm.s32 $0x108;
	s8 =	sld [smem:$0x3FA3]  }
0x2e: {  	s3 =	simm.s32 @!p0 $0x1082;
	s9 =	sld [smem:$0x3FA4]  }
0x2f: {  	lr =	sadd.s32 s0, s3;
	s0 =	sld [smem:$0x3F9B]  }
0x30: {  	s3 =	sld [smem:$0x3F9E]  }
0x31: {  	[smem:$0x3FA7] =	sst s10  }
0x32: {  	s10 =	sld [smem:$0x3FA5];
	_ =	sdelay $0x3  }
0x33: {  	p0 =	seq.s32 s10, $0x1;
	s10 =	sld [smem:$0x3FA7];
	_ =	sdelay $0x3  }
0x34: {  	[smem:$0x3FA7] =	sst s10  }
0x35: {  	s10 =	sld [smem:$0x3FA6];
	_ =	sdelay $0x3  }
0x36: {  	p1 =	seq.s32 s10, $0x1;
	s10 =	sld [smem:$0x3FA7];
	_ =	sdelay $0x3  }
0x37: {  	[smem:$0x3FA7] =	sst s10  }
0x38: {  	s10 =	sld [smem:$0x3FA8]  }
0x39: {  	_ = 	snop;
	(pc) =	sbr.ind lr, $3  }
0x3a: {  	_ = 	snop  }
0x3b: {  	_ = 	snop  }
0x3c: {  	p2 =	seq.s32 s10, $0x1;
	s10 =	sld [smem:$0x3FA7]  }
0x3d: {  	_ =	shalt  }
0x3e: {  	_ =	shalt  }
0x3f: {  	_ =	shalt  }
0x40: {  	_ =	shalt  }
0x41: {  	_ =	shalt  }
0x42: {  	_ =	shalt  }
0x43: {  	_ =	shalt  }
0x44: {  	_ =	shalt  }
0x45: {  	_ =	shalt  }
0x46: {  	_ =	shalt  }
0x47: {  	_ =	shalt  }
0x48: {  	_ =	shalt  }
0x49: {  	_ =	shalt  }
0x4a: {  	_ =	shalt  }
0x4b: {  	_ =	shalt  }
0x4c: {  	_ =	shalt  }
0x4d: {  	_ =	shalt  }
0x4e: {  	_ =	shalt  }
0x4f: {  	_ =	shalt  }
0x50: {  	_ =	shalt  }
0x51: {  	_ =	shalt  }
0x52: {  	_ =	shalt  }
0x53: {  	_ =	shalt  }
0x54: {  	_ =	shalt  }
0x55: {  	_ =	shalt  }
0x56: {  	_ =	shalt  }
0x57: {  	_ =	shalt  }
0x58: {  	_ =	shalt  }
0x59: {  	_ =	shalt  }
0x5a: {  	_ =	shalt  }
0x5b: {  	_ =	shalt  }
0x5c: {  	_ =	shalt  }
0x5d: {  	_ =	shalt  }
0x5e: {  	_ =	shalt  }
0x5f: {  	_ =	shalt  }
0x60: {  	_ =	shalt  }
0x61: {  	_ =	shalt  }
0x62: {  	_ =	shalt  }
0x63: {  	_ =	shalt  }
0x64: {  	_ =	shalt  }
0x65: {  	_ =	shalt  }
0x66: {  	_ =	shalt  }
0x67: {  	_ =	shalt  }
0x68: {  	_ =	shalt  }
0x69: {  	_ =	shalt  }
0x6a: {  	_ =	shalt  }
0x6b: {  	_ =	shalt  }
0x6c: {  	_ =	shalt  }
0x6d: {  	_ =	shalt  }
0x6e: {  	_ =	shalt  }
0x6f: {  	_ =	shalt  }
0x70: {  	_ =	shalt  }
0x71: {  	_ =	shalt  }
0x72: {  	_ =	shalt  }
0x73: {  	_ =	shalt  }
0x74: {  	_ =	shalt  }
0x75: {  	_ =	shalt  }
0x76: {  	_ =	shalt  }
0x77: {  	_ =	shalt  }
0x78: {  	_ =	shalt  }
0x79: {  	_ =	shalt  }
0x7a: {  	_ =	shalt  }
0x7b: {  	_ =	shalt  }
0x7c: {  	_ =	shalt  }
0x7d: {  	_ =	shalt  }
0x7e: {  	_ =	shalt  }
0x7f: {  	_ =	shalt  }
0x80: {  	_ =	shalt  }
0x81: {  	_ =	shalt  }
0x82: {  	_ =	shalt  }
0x83: {  	_ =	shalt  }
0x84: {  	_ =	shalt  }
0x85: {  	_ =	shalt  }
0x86: {  	_ =	shalt  }
0x87: {  	_ =	shalt  }
.Lfunc_end0:
.L_simem_size_0:
called_computation.2_lowered:
.L_overlay_start_0:
0x88: {  	s2 =	sld [smem:$0x3FD9]  }
0x89: {  	s3 =	sld [smem:$0x3FFE];
	_ =	sdelay $0x1  }
0x8a: {  	s1 =	srdreg.scid  }
0x8b: {  	s0 =	sand.u32 $0x1, s1  }
0x8c: {  	s17 =	sshll.u32 s0, $0xA;
	s2 =	sadd.s32 s3, s2  }
0x8d: {  	s2 =	sadd.s32 s2, s17  }
0x8e: {  	[smem:$0x3FB3] =	sst s2  }
0x8f: {  	_ = 	snop  }
0x90: {  	s18 =	sld [smem:$0x3FC9]  }
0x91: {  	s4 =	sld [smem:$0x3FC8];
	(tm) =	ssettm $0x1  }
0x92: {  	s19 =	sld [smem:$0x3FFB];
	_ =	sdelay $0x3  }
0x93: {  	_ =	strace s19  }
0x94: {  	s2 =	sld [smem:$0x3FFC];
	_ =	sdelay $0x3  }
0x95: {  	_ =	strace s2  }
0x96: {  	s2 =	sld [smem:$0x3FFD];
	_ =	sdelay $0x3  }
0x97: {  	_ =	strace s2  }
0x98: {  	_ =	strace $0x8FFFFFFF  }
0x99: {  	s20 =	sld [smem:$0x3FDB];
	_ =	sdelay $0x1  }
0x9a: {  	s5 =	simm.s32 $_scs_section_size  }
0x9b: {  	s6 =	simm.s32 $_size__tile_overlayer_lowered;
	s7 =	simm.s32 $_tile_overlayer_lowered  }
0x9c: {  	s8 =	simm.s32 $0x1BFF;
	s21 =	sshll.u32 s7, $0x1;
	s5 =	sadd.s32 s5, s20  }
0x9d: {  	s22 =	simm.s32 $0x0;
	s6 =	sshll.u32 s6, $0x1;
	s7 =	sadd.s32 s21, s5  }
0x9e: {  	[timem:s22], [sflag:s8] =	dma.local [hbm:s7], s6  }
0x9f: {  	_ =	swait.ge [sflag:s8], s6  }
0xa0: {  	s6 =	ssub.s32 $0x0, s6;
	[sflag:s8] =	ssyncset.done $0x0  }
0xa1: {  	[sflag:s8] =	ssyncadd.s32 s6;
	_ =	sdelay $0x1  }
0xa2: {  	s23 =	simm.s32 $0x1B8B  }
0xa3: {  	_ =	swait.ge [sflag:s23], $0x1  }
0xa4: {  	[sflag:s23] =	ssyncset.done $0x0  }
0xa5: {  	[sflag:s23] =	ssyncadd.s32 $0xFFFFFFFF  }
0xa6: {  	s6 =	sld [smem:$0x0]  }
0xa7: {  	s7 =	sand.u32 $0xFFFFFFFE, s1  }
0xa8: {  	p0 =	sne.s32 s1, s7  }
0xa9: {  	s7 =	sshll.u32 @p0 s7, $0xE  }
0xaa: {  	s7 =	sadd.s32 @p0 $0x11B8D, s7;
	s8 =	sshll.u32 @p0 s6, $0x11  }
0xab: {  	s7 =	sor.u32 @p0 s8, s7  }
0xac: {  	[sflag:s7] =	ssyncadd.remote.s32 @p0 $0x1;
	_ =	sdelay $0x1  }
0xad: {  	s7 =	simm.s32 @p0 $0x1B8D  }
0xae: {  	_ =	swait.eq @p0 [sflag:s7], $0x1  }
0xaf: {  	[sflag:s7] =	ssyncadd.s32 @p0 $0xFFFFFFFF  }
0xb0: {  	s8 =	sshll.u32 @!p0 s1, $0xE  }
0xb1: {  	s8 =	sor.u32 @!p0 $0x4000, s8;
	s7 =	simm.s32 @!p0 $0x1B8D  }
0xb2: {  	s6 =	sshll.u32 @!p0 s6, $0x11;
	s8 =	sadd.s32 @!p0 $0x11B8D, s8;
	_ =	swait.eq @!p0 [sflag:s7], $0x1  }
0xb3: {  	s6 =	sor.u32 @!p0 s6, s8;
	[sflag:s7] =	ssyncadd.s32 @!p0 $0xFFFFFFFF  }
0xb4: {  	s25 =	simm.s32 $0x1B8E;
	s24 =	sld [smem:$0x3FFE];
	[sflag:s6] =	ssyncadd.remote.s32 @!p0 $0x1  }
0xb5: {  	s26 =	simm.s32 $execute0_lowered;
	[smem:$0x3FD2] =	sst s25  }
0xb6: {  	s7 =	sshll.u32 s26, $0x1;
	_ =	strace $0x8000004C;
	[dreg:$0x1] =	wrdreg $0xFFFFFFFF  }
0xb7: {  	s28 =	simm.s32 $_size_execute0_lowered;
	s5 =	sadd.s32 s5, s7;
	[dreg:$0x0] =	wrdreg $0x0  }
0xb8: {  	s7 =	sshll.u32 s28, $0x1;
	[dreg:$0x2] =	wrdreg s5  }
0xb9: {  	[dreg:$0x3] =	wrdreg s7  }
0xba: {  	[dreg:$0x4] =	wrdreg $0xC0  }
0xbb: {  	_ =	task [dreg:s22], $0x5FFFF  }
0xbc: {  	[dreg:$0x1] =	wrdreg $0xFFFFFFFF  }
0xbd: {  	[dreg:$0x0] =	wrdreg $0x60  }
0xbe: {  	[dreg:$0x2] =	wrdreg s18  }
0xbf: {  	[dreg:$0x3] =	wrdreg s4  }
0xc0: {  	[dreg:$0x4] =	wrdreg s24  }
0xc1: {  	[dreg:$0x5] =	wrdreg $0xA  }
0xc2: {  	_ =	task.clear_ibuf [dreg:s22], $0x6FFFF;
	_ =	strace $0x9000004C  }
0xc3: {  	s29 =	simm.s32 $0xA;
	_ =	strace $0x8000004E  }
0xc4: {  	_ =	swait.ge [sflag:s29], $0x1  }
0xc5: {  	[sflag:s29] =	ssyncadd.s32 $0xFFFFFFFF  }
0xc6: {  	_ =	strace $0x9000004E  }
0xc7: {  	_ =	sfence  }
0xc8: {  	s30 =	sld [smem:$0x0];
	_ =	sdelay $0x2  }
0xc9: {  	s31 =	sshll.u32 s1, $0xD;
	s1 =	sshrl.u32 s1, $0x2  }
0xca: {  	s4 =	sand.u32 $0x4000, s31;
	s1 =	sadd.s32 s1, s30  }
0xcb: {  	s0 =	sor.u32 s4, s0;
	s1 =	sshll.u32 s1, $0x11  }
0xcc: {  	s0 =	sor.u32 s1, s0  }
0xcd: {  	s0 =	sadd.s32 $0x8F2B, s0  }
0xce: {  	[sflag:s0] =	ssyncadd.remote.s32 $0x1  }
0xcf: {  	_ =	sfence.sel $0xFFFF  }
0xd0: {  	[dreg:$0x0] =	wrdreg $0xFFFFFFFF;
	(pc) =	sbr.abs _section_cstart, $3  }
0xd1: {  	[dreg:$0x1] =	wrdreg $0xFFFFFFFF  }
0xd2: {  	_ =	task.clear_ibuf [dreg:s22], $0x2FFFF;
	_ =	strace $0x9FFFFFFF  }
0xd3: {  	(tm) =	ssettm $0x7FFFFFFF  }
tec
execute0_lowered:
.L_overlay_start_1:
0x0: {  	(tag) =	ssettag $0x1  }
0x1: {  	s4 =	rddreg [dreg:$0x0]  }
0x2: {  	s1 =	rddreg [dreg:$0x1]  }
0x3: {  	s5 =	rddreg [dreg:$0x2]  }
0x4: {  	s3 =	simm.s32 $0x0;
	s2 =	stileid.u32;
	s8 =	srdreg.scid  }
0x5: {  	s26 =	simm.s32 $0x880;
	s28 =	simm.s32 $0x1080;
	s29 =	simm.s32 $0x1880  }
0x6: {  	s30 =	simm.s32 $0x2080;
	s11 =	simm.s32 $0x2880;
	s31 =	simm.s32 $0x3080  }
0x7: {  	s12 =	simm.s32 $0x4080;
	s13 =	simm.s32 $0x4880;
	s14 =	simm.s32 $0x5080  }
0x8: {  	s15 =	simm.s32 $0x5880;
	s16 =	simm.s32 $0x6080;
	s17 =	simm.s32 $0x6880  }
0x9: {  	s18 =	simm.s32 $0x7080;
	s19 =	simm.s32 $0x7880;
	s20 =	simm.s32 $0x40  }
0xa: {  	[smem:$0x7FF] =	sst s3;
	s6 =	sadd.s32 $0x84800, s5;
	s7 =	sshll.u32 s2, $0xF  }
0xb: {  	s4 =	sadd.s32 $0x400, s4;
	_ =	strace $0x8000004D;
	[dreg:$0x4] =	wrdreg s6  }
0xc: {  	s21 =	sshll.u32 s2, $0xD;
	s9 =	sshll.u32 s2, $0x9;
	[dreg:$0x6] =	wrdreg s4  }
0xd: {  	s10 =	sshll.u32 s2, $0x7;
	s8 =	sand.u32 $0x1, s8;
	[dreg:$0x7] =	wrdreg s26  }
0xe: {  	s7 =	sadd.s32 s7, s5;
	s9 =	sand.u32 $0x1000, s9;
	[dreg:$0x8] =	wrdreg s28  }
0xf: {  	s10 =	sand.u32 $0x380, s10;
	s6 =	sadd.s32 s21, s5;
	[dreg:$0x9] =	wrdreg s29  }
0x10: {  	s22 =	ssub.s32 $0x2, s8;
	s24 =	sshll.u32 s8, $0xC;
	[dreg:$0xa] =	wrdreg s30  }
0x11: {  	s4 =	sadd.s32 $0x100, s1;
	s25 =	sshll.u32 s8, $0xE;
	[dreg:$0xb] =	wrdreg s11  }
0x12: {  	s8 =	sshll.u32 s8, $0xB;
	[dreg:$0xc] =	wrdreg s31;
	s11 =	simm.s32 $0x3880  }
0x13: {  	s21 =	simm.s32 $0x8080;
	s9 =	sor.u32 s9, s10;
	s23 =	sshrl.u32 s22, $0x1  }
0x14: {  	s6 =	sadd.s32 s24, s6;
	s7 =	sadd.s32 s25, s7;
	s10 =	simm.s32 $0x80  }
0x15: {  	v2 =	vlaneseq.u32;
	s24 =	simm.s32 $0x0;
	[dreg:$0x5] =	wrdreg s9;
	s5 =	ssub.s32 s22, s23  }
0x16: {  	vm0 =	vmmov $0xffff;
	v1 =	vshrl.u32 v2, $0x3;
	s6 =	sadd.s32 $0x149E00, s6;
	s7 =	sadd.s32 $0x169E00, s7;
	s9 =	simm.s32 $0x3  }
0x17: {  	v0 =	vand.u32 $0x7, v2;
	v2 =	vor.u32 $0x8, v2;
	v1 =	vmul.u32 $0x8, v1;
	s22 =	simm.s32 $0x1;
	s23 =	simm.s32 $0x2;
	s5 =	smax.u32 s5, $0x1  }
.LBB2_1:
0x18: {  	s25 =	smov.u32 s8  }
0x19: {  	s26 =	smov.u32 s7;
	s28 =	smov.u32 s6;
	s29 =	simm.s32 $0x0  }
.LBB2_2:
0x1a: {  	s30 =	rddreg [dreg:$0x5];
	s31 =	sand.u32 $0x40, s29  }
0x1b: {  	s0 =	sand.u32 $0xC00, s25;
	s30 =	sor.u32 s31, s30  }
0x1c: {  	s0 =	sor.u32 s0, s30  }
0x1d: {  	s31 =	rddreg [dreg:$0x6];
	s0 =	sshrl.u32 s0, $0x3  }
0x1e: {  	s0 =	sadd.s32 s0, s31  }
0x1f: {  	[tilespmem:s3], [sflag:$0x3] =	stream.linear.gather [hbm4b:s0+s3], $0x40, $0x38;
	[tilespmem:$0xA080] =	vst v63  }
0x20: {  	_ =	swait.ge [sflag:s9], $0x40  }
0x21: {  	[sflag:s9] =	ssyncset.done $0x0  }
0x22: {  	[sflag:s9] =	ssyncadd.s32 $0xFFFFFFC0  }
0x23: {  	v3 =	vld [tilespmem:$0x0];
	_ =	sdelay $0x4  }
0x24: {  	v4 =	vshll.u32 v3, $0x2  }
0x25: {  	v3 =	vand.u32 $0x7, v3;
	v4 =	vand.u32 $0xFFFFFFE0, v4  }
0x26: {  	v3 =	vor.u32 v3, v4  }
0x27: {  	v4 =	vperm.xlane v3, v0;
	_ =	sdelay $0x1  }
0x28: {  	v4 =	vadd.s32 v1, v4;
	_ =	sdelay $0x1  }
0x29: {  	v3 =	vperm.xlane v3, v2;
	_ =	sdelay $0x1  }
0x2a: {  	v3 =	vadd.s32 v1, v3  }
0x2b: {  	[tilespmem:s10], [sflag:$0x1] =	stream.indirect_vreg.gather [hbm4b:s1+s3], $0x80, v4, vm0, $0xb8;
	[tilespmem:$0xA080] =	vst v63  }
0x2c: {  	s31 =	rddreg [dreg:$0x7]  }
0x2d: {  	[tilespmem:s31], [sflag:$0x1] =	stream.indirect_vreg.gather [hbm4b:s4+s3], $0x80, v4, vm0, $0xb8;
	[tilespmem:$0xA080] =	vst v63  }
0x2e: {  	s30 =	rddreg [dreg:$0x8]  }
0x2f: {  	[tilespmem:s30], [sflag:$0x1] =	stream.indirect_vreg.gather [hbm4b:s1+s3], $0x80, v3, vm0, $0xb8;
	[tilespmem:$0xA080] =	vst v63  }
0x30: {  	s31 =	rddreg [dreg:$0x9]  }
0x31: {  	[tilespmem:s31], [sflag:$0x1] =	stream.indirect_vreg.gather [hbm4b:s4+s3], $0x80, v3, vm0, $0xb8;
	[tilespmem:$0xA080] =	vst v63  }
0x32: {  	v3 =	vld [tilespmem:$0x10];
	_ =	sdelay $0x4  }
0x33: {  	v61 =	vshll.u32 v3, $0x2  }
0x34: {  	v3 =	vand.u32 $0x7, v3;
	v4 =	vand.u32 $0xFFFFFFE0, v61  }
0x35: {  	v3 =	vor.u32 v3, v4  }
0x36: {  	v4 =	vperm.xlane v3, v0;
	_ =	sdelay $0x1  }
0x37: {  	v4 =	vadd.s32 v1, v4;
	_ =	sdelay $0x1  }
0x38: {  	v3 =	vperm.xlane v3, v2;
	_ =	sdelay $0x1  }
0x39: {  	s31 =	rddreg [dreg:$0xa];
	v3 =	vadd.s32 v1, v3  }
0x3a: {  	[tilespmem:s31], [sflag:$0x1] =	stream.indirect_vreg.gather [hbm4b:s1+s3], $0x80, v4, vm0, $0xb8;
	[tilespmem:$0xA080] =	vst v63  }
0x3b: {  	s30 =	rddreg [dreg:$0xb]  }
0x3c: {  	[tilespmem:s30], [sflag:$0x1] =	stream.indirect_vreg.gather [hbm4b:s4+s3], $0x80, v4, vm0, $0xb8;
	[tilespmem:$0xA080] =	vst v63  }
0x3d: {  	s31 =	rddreg [dreg:$0xc]  }
0x3e: {  	[tilespmem:s31], [sflag:$0x1] =	stream.indirect_vreg.gather [hbm4b:s1+s3], $0x80, v3, vm0, $0xb8;
	[tilespmem:$0xA080] =	vst v63  }
0x3f: {  	_ = 	snop  }
0x40: {  	[tilespmem:s11], [sflag:$0x1] =	stream.indirect_vreg.gather [hbm4b:s4+s3], $0x80, v3, vm0, $0xb8;
	[tilespmem:$0xA080] =	vst v63  }
0x41: {  	v3 =	vld [tilespmem:$0x20];
	_ =	sdelay $0x4  }
0x42: {  	v62 =	vshll.u32 v3, $0x2  }
0x43: {  	v3 =	vand.u32 $0x7, v3;
	v4 =	vand.u32 $0xFFFFFFE0, v62  }
0x44: {  	v3 =	vor.u32 v3, v4  }
0x45: {  	v4 =	vperm.xlane v3, v0;
	_ =	sdelay $0x1  }
0x46: {  	v4 =	vadd.s32 v1, v4;
	_ =	sdelay $0x1  }
0x47: {  	v3 =	vperm.xlane v3, v2;
	_ =	sdelay $0x1  }
0x48: {  	v3 =	vadd.s32 v1, v3  }
0x49: {  	[tilespmem:s12], [sflag:$0x1] =	stream.indirect_vreg.gather [hbm4b:s1+s3], $0x80, v4, vm0, $0xb8;
	[tilespmem:$0xA080] =	vst v63  }
0x4a: {  	_ = 	snop  }
0x4b: {  	[tilespmem:s13], [sflag:$0x1] =	stream.indirect_vreg.gather [hbm4b:s4+s3], $0x80, v4, vm0, $0xb8;
	[tilespmem:$0xA080] =	vst v63  }
0x4c: {  	_ = 	snop  }
0x4d: {  	[tilespmem:s14], [sflag:$0x1] =	stream.indirect_vreg.gather [hbm4b:s1+s3], $0x80, v3, vm0, $0xb8;
	[tilespmem:$0xA080] =	vst v63  }
0x4e: {  	_ = 	snop  }
0x4f: {  	[tilespmem:s15], [sflag:$0x1] =	stream.indirect_vreg.gather [hbm4b:s4+s3], $0x80, v3, vm0, $0xb8;
	[tilespmem:$0xA080] =	vst v63  }
0x50: {  	v3 =	vld [tilespmem:$0x30];
	_ =	sdelay $0x4  }
0x51: {  	v63 =	vshll.u32 v3, $0x2  }
0x52: {  	v3 =	vand.u32 $0x7, v3;
	v4 =	vand.u32 $0xFFFFFFE0, v63  }
0x53: {  	v3 =	vor.u32 v3, v4  }
0x54: {  	v4 =	vperm.xlane v3, v0;
	_ =	sdelay $0x1  }
0x55: {  	v4 =	vadd.s32 v1, v4;
	_ =	sdelay $0x1  }
0x56: {  	v3 =	vperm.xlane v3, v2;
	_ =	sdelay $0x1  }
0x57: {  	v3 =	vadd.s32 v1, v3  }
0x58: {  	[tilespmem:s16], [sflag:$0x1] =	stream.indirect_vreg.gather [hbm4b:s1+s3], $0x80, v4, vm0, $0xb8;
	[tilespmem:$0xA080] =	vst v63  }
0x59: {  	_ = 	snop  }
0x5a: {  	[tilespmem:s17], [sflag:$0x1] =	stream.indirect_vreg.gather [hbm4b:s4+s3], $0x80, v4, vm0, $0xb8;
	[tilespmem:$0xA080] =	vst v63  }
0x5b: {  	_ = 	snop  }
0x5c: {  	[tilespmem:s18], [sflag:$0x1] =	stream.indirect_vreg.gather [hbm4b:s1+s3], $0x80, v3, vm0, $0xb8;
	[tilespmem:$0xA080] =	vst v63  }
0x5d: {  	_ = 	snop  }
0x5e: {  	[tilespmem:s19], [sflag:$0x1] =	stream.indirect_vreg.gather [hbm4b:s4+s3], $0x80, v3, vm0, $0xb8;
	[tilespmem:$0xA080] =	vst v63  }
0x5f: {  	s31 =	rddreg [dreg:$0x4]  }
0x60: {  	[tilespmem:s21], [sflag:$0x2] =	stream.indirect.gather [hbm4b:s31+s20], $0x80, s3, s20, $0xb8;
	[tilespmem:$0xA080] =	vst v63  }
0x61: {  	_ =	swait.ge [sflag:s22], $0x8000  }
0x62: {  	[sflag:s22] =	ssyncset.done $0x0  }
0x63: {  	[sflag:s22] =	ssyncadd.s32 $0xFFFF8000  }
0x64: {  	_ =	swait.ge [sflag:s23], $0x2000  }
0x65: {  	[sflag:s23] =	ssyncset.done $0x0  }
0x66: {  	[sflag:s23] =	ssyncadd.s32 $0xFFFFE000  }
0x67: {  	[hbm4b:s26+s3] =	stream.linear.scatter [tilespmem:s10], [sflag:$0x3], $0x8000, $0x38;
	[tilespmem:$0xA080] =	vst v63  }
0x68: {  	_ =	swait.ge [sflag:s9], $0x8000  }
0x69: {  	p0 =	sne.s32 s29, $0xC0;
	[sflag:s9] =	ssyncset.done $0x0  }
.Ltmp0:
0x6a: {  	[sflag:s9] =	ssyncadd.s32 $0xFFFF8000;
	(pc) =	sbr.rel @p0 .LBB2_2-.Ltmp0, $4  }
0x6b: {  	[hbm4b:s28+s3] =	stream.linear.scatter [tilespmem:s21], [sflag:$0x3], $0x2000, $0x38;
	[tilespmem:$0xA080] =	vst v63  }
0x6c: {  	_ =	swait.ge [sflag:s9], $0x2000  }
0x6d: {  	s25 =	sadd.s32 $0x200, s25;
	s29 =	sadd.s32 $0x40, s29;
	[sflag:s9] =	ssyncset.done $0x0  }
0x6e: {  	s26 =	sadd.s32 $0x1000, s26;
	s28 =	sadd.s32 $0x400, s28;
	[sflag:s9] =	ssyncadd.s32 $0xFFFFE000  }
0x6f: {  	s24 =	sadd.s32 $0x1, s24  }
0x70: {  	p0 =	sne.s32 s24, s5  }
.Ltmp1:
0x71: {  	_ = 	snop;
	(pc) =	sbr.rel @p0 .LBB2_1-.Ltmp1, $1  }
0x72: {  	_ =	sdelay $0x3  }
0x73: {  	_ =	sfence.sel $0x180000  }
0x74: {  	[bflag:$0x0] =	sbarrier.arrive $0xFFFF  }
0x75: {  	_ =	strace $0x9000004D  }
0x76: {  	[bflag:$0x2] =	sbarrier.arrive $0xFFFF  }
0x77: {  	p0 =	sne.s32 s2, $0x0;
	s0 =	rddreg [dreg:$0x3]  }
0x78: {  	s0 =	sadd.s32 @!p0 $0x100000, s0  }
0x79: {  	[sflag:s0] =	ssyncadd.tile.s32 @!p0 $0x1;
	_ =	shalt  }
.Lfunc_end2:
_tile_overlayer_lowered:
.L_overlay_start_2:
0x7a: {  	(tag) =	ssettag $0x2  }
0x7b: {  	s0 =	rddreg [dreg:$0x0];
	s2 =	stileid.u32  }
0x7c: {  	s1 =	rddreg [dreg:$0x1];
	p0 =	sne.s32 s2, $0x0  }
0x7d: {  	s3 =	rddreg [dreg:$0x2];
	[bflag:$0x3] =	sbarrier.arrive $0xFFFF;
	s2 =	simm.s32 @!p0 $0x1C03  }
0x7e: {  	[timem:s3], [sflag:s2] =	dma.local @!p0 [hbm:s0], s1  }
0x7f: {  	s0 =	simm.s32 @!p0 $0x3  }
0x80: {  	_ =	swait.ge @!p0 [sflag:s0], s1  }
0x81: {  	s1 =	ssub.s32 @!p0 $0x0, s1;
	[sflag:s0] =	ssyncset.done @!p0 $0x0  }
0x82: {  	[sflag:s0] =	ssyncadd.s32 @!p0 s1  }
0x83: {  	[bflag:$0x3] =	sbarrier.arrive $0xFFFF  }
0x84: {  	_ =	shalt  }

// kernel: kernel.20.cloned.1.call-start
scs
__scs_entry_jumppad:
0x0: {  	(pc) =	sbr.rel $0x88, $3  }
0x1: {  	(tag) =	ssettag $0x0;
	lr =	simm.s32 $0x1  }
0x2: {  	[smem:$0x3F8C] =	sst lr;
	_ =	strace $0xD0000000  }
0x3: {  	_ = 	snop  }
0x4: {  	_ = 	snop  }
0x5: {  	_ = 	snop  }
0x6: {  	_ = 	snop  }
0x7: {  	_ = 	snop  }
__scs_overlays_trampoline_lowered:
0x8: {  	[smem:$0x3F9B] =	sst s0  }
0x9: {  	[smem:$0x3F9C] =	sst s1  }
0xa: {  	[smem:$0x3F9D] =	sst s2  }
0xb: {  	[smem:$0x3F9E] =	sst s3  }
0xc: {  	[smem:$0x3F9F] =	sst s4  }
0xd: {  	[smem:$0x3FA0] =	sst s5  }
0xe: {  	[smem:$0x3FA1] =	sst s6  }
0xf: {  	[smem:$0x3FA2] =	sst s7  }
0x10: {  	[smem:$0x3FA3] =	sst s8  }
0x11: {  	[smem:$0x3FA4] =	sst s9;
	s0 =	simm.s32 @!p0 $0x0  }
0x12: {  	s1 =	sld [smem:$0x3F8A];
	s0 =	simm.s32 @p0 $0x1  }
0x13: {  	[smem:$0x3FA5] =	sst s0;
	s0 =	simm.s32 @!p1 $0x0  }
0x14: {  	s2 =	sld [smem:$0x3F89];
	s0 =	simm.s32 @p1 $0x1  }
0x15: {  	[smem:$0x3FA6] =	sst s0;
	s0 =	simm.s32 @!p2 $0x0  }
0x16: {  	s3 =	sld [smem:$0x3FDB];
	s0 =	simm.s32 @p2 $0x1  }
0x17: {  	s4 =	simm.s32 $0x1BF5;
	[smem:$0x3FA8] =	sst s0  }
0x18: {  	s0 =	sld [smem:$0x3F8B];
	_ =	swait.ge [sflag:s4], $0x0  }
0x19: {  	s7 =	sld [smem:$0x3F8C]  }
0x1a: {  	s8 =	sadd.s32 $0xFFFFE003, lr  }
0x1b: {  	s9 =	sadd.s32 $0xFFFFFEF7, lr;
	s5 =	simm.s32 $0xFFFFFFFF;
	p2 =	slt.u32 s8, $0xFFFFF086  }
0x1c: {  	p1 =	slt.u32 s9, $0xF7A;
	s5 =	simm.s32 @!p2 $0x0  }
0x1d: {  	s5 =	simm.s32 @p1 $0x1;
	p0 =	seq.s32 s7, s2  }
0x1e: {  	s7 =	smul.u32 @!p0 $0xF7A, s2;
	p2 =	seq.s32 @!p0 s5, $0x0  }
0x1f: {  	s9 =	smul.u32 $0xF7A, s1;
	s8 =	simm.s32 @!p0 $0x1BF5;
	p2 =	por !p2, p0  }
0x20: {  	[sflag:s8] =	ssyncset.s32 @!p0 $0xFFFFF086;
	s6 =	sadd.s32 @!p0 s3, s7;
	s7 =	simm.s32 @!p0 $0x108  }
0x21: {  	s3 =	sadd.s32 s3, s9;
	s6 =	sadd.s32 @!p0 $0x88, s6;
	s7 =	simm.s32 @p2 $0x1082  }
0x22: {  	[simem:s7], [sflag:s8] =	dma.local @!p0 [hbm:s6], $0xF7A  }
0x23: {  	s9 =	sor.u32 $0xD0000000, s2;
	s6 =	simm.s32 $0x108;
	_ =	swait.ge @!p0 [sflag:s8], $0x0  }
0x24: {  	s3 =	sadd.s32 $0x88, s3;
	s6 =	simm.s32 @!p1 $0x1082;
	[sflag:s4] =	ssyncset.s32 $0xFFFFF086  }
0x25: {  	[simem:s6], [sflag:s4] =	dma.local [hbm:s3], $0xF7A  }
0x26: {  	[smem:$0x3F8C] =	sst s1;
	(tag) =	ssettag s2;
	_ =	strace s9  }
0x27: {  	s1 =	sld [smem:$0x3F9C]  }
0x28: {  	s2 =	sld [smem:$0x3F9D]  }
0x29: {  	s4 =	sld [smem:$0x3F9F]  }
0x2a: {  	p0 =	seq.s32 s5, $0x0;
	s5 =	sld [smem:$0x3FA0]  }
0x2b: {  	s6 =	sld [smem:$0x3FA1]  }
0x2c: {  	s7 =	sld [smem:$0x3FA2]  }
0x2d: {  	s3 =	simm.s32 $0x108;
	s8 =	sld [smem:$0x3FA3]  }
0x2e: {  	s3 =	simm.s32 @!p0 $0x1082;
	s9 =	sld [smem:$0x3FA4]  }
0x2f: {  	lr =	sadd.s32 s0, s3;
	s0 =	sld [smem:$0x3F9B]  }
0x30: {  	s3 =	sld [smem:$0x3F9E]  }
0x31: {  	[smem:$0x3FA7] =	sst s10  }
0x32: {  	s10 =	sld [smem:$0x3FA5];
	_ =	sdelay $0x3  }
0x33: {  	p0 =	seq.s32 s10, $0x1;
	s10 =	sld [smem:$0x3FA7];
	_ =	sdelay $0x3  }
0x34: {  	[smem:$0x3FA7] =	sst s10  }
0x35: {  	s10 =	sld [smem:$0x3FA6];
	_ =	sdelay $0x3  }
0x36: {  	p1 =	seq.s32 s10, $0x1;
	s10 =	sld [smem:$0x3FA7];
	_ =	sdelay $0x3  }
0x37: {  	[smem:$0x3FA7] =	sst s10  }
0x38: {  	s10 =	sld [smem:$0x3FA8]  }
0x39: {  	_ = 	snop;
	(pc) =	sbr.ind lr, $3  }
0x3a: {  	_ = 	snop  }
0x3b: {  	_ = 	snop  }
0x3c: {  	p2 =	seq.s32 s10, $0x1;
	s10 =	sld [smem:$0x3FA7]  }
0x3d: {  	_ =	shalt  }
0x3e: {  	_ =	shalt  }
0x3f: {  	_ =	shalt  }
0x40: {  	_ =	shalt  }
0x41: {  	_ =	shalt  }
0x42: {  	_ =	shalt  }
0x43: {  	_ =	shalt  }
0x44: {  	_ =	shalt  }
0x45: {  	_ =	shalt  }
0x46: {  	_ =	shalt  }
0x47: {  	_ =	shalt  }
0x48: {  	_ =	shalt  }
0x49: {  	_ =	shalt  }
0x4a: {  	_ =	shalt  }
0x4b: {  	_ =	shalt  }
0x4c: {  	_ =	shalt  }
0x4d: {  	_ =	shalt  }
0x4e: {  	_ =	shalt  }
0x4f: {  	_ =	shalt  }
0x50: {  	_ =	shalt  }
0x51: {  	_ =	shalt  }
0x52: {  	_ =	shalt  }
0x53: {  	_ =	shalt  }
0x54: {  	_ =	shalt  }
0x55: {  	_ =	shalt  }
0x56: {  	_ =	shalt  }
0x57: {  	_ =	shalt  }
0x58: {  	_ =	shalt  }
0x59: {  	_ =	shalt  }
0x5a: {  	_ =	shalt  }
0x5b: {  	_ =	shalt  }
0x5c: {  	_ =	shalt  }
0x5d: {  	_ =	shalt  }
0x5e: {  	_ =	shalt  }
0x5f: {  	_ =	shalt  }
0x60: {  	_ =	shalt  }
0x61: {  	_ =	shalt  }
0x62: {  	_ =	shalt  }
0x63: {  	_ =	shalt  }
0x64: {  	_ =	shalt  }
0x65: {  	_ =	shalt  }
0x66: {  	_ =	shalt  }
0x67: {  	_ =	shalt  }
0x68: {  	_ =	shalt  }
0x69: {  	_ =	shalt  }
0x6a: {  	_ =	shalt  }
0x6b: {  	_ =	shalt  }
0x6c: {  	_ =	shalt  }
0x6d: {  	_ =	shalt  }
0x6e: {  	_ =	shalt  }
0x6f: {  	_ =	shalt  }
0x70: {  	_ =	shalt  }
0x71: {  	_ =	shalt  }
0x72: {  	_ =	shalt  }
0x73: {  	_ =	shalt  }
0x74: {  	_ =	shalt  }
0x75: {  	_ =	shalt  }
0x76: {  	_ =	shalt  }
0x77: {  	_ =	shalt  }
0x78: {  	_ =	shalt  }
0x79: {  	_ =	shalt  }
0x7a: {  	_ =	shalt  }
0x7b: {  	_ =	shalt  }
0x7c: {  	_ =	shalt  }
0x7d: {  	_ =	shalt  }
0x7e: {  	_ =	shalt  }
0x7f: {  	_ =	shalt  }
0x80: {  	_ =	shalt  }
0x81: {  	_ =	shalt  }
0x82: {  	_ =	shalt  }
0x83: {  	_ =	shalt  }
0x84: {  	_ =	shalt  }
0x85: {  	_ =	shalt  }
0x86: {  	_ =	shalt  }
0x87: {  	_ =	shalt  }
.Lfunc_end0:
.L_simem_size_0:
called_computation.3_lowered:
.L_overlay_start_0:
0x88: {  	s2 =	sld [smem:$0x3FD9]  }
0x89: {  	s3 =	sld [smem:$0x3FFE];
	_ =	sdelay $0x1  }
0x8a: {  	s1 =	srdreg.scid  }
0x8b: {  	s0 =	sand.u32 $0x1, s1  }
0x8c: {  	s17 =	sshll.u32 s0, $0xA;
	s2 =	sadd.s32 s3, s2  }
0x8d: {  	s2 =	sadd.s32 s2, s17  }
0x8e: {  	[smem:$0x3FB3] =	sst s2  }
0x8f: {  	_ = 	snop  }
0x90: {  	s18 =	sld [smem:$0x3FC9]  }
0x91: {  	s4 =	sld [smem:$0x3FC8];
	(tm) =	ssettm $0x1  }
0x92: {  	s19 =	sld [smem:$0x3FFB];
	_ =	sdelay $0x3  }
0x93: {  	_ =	strace s19  }
0x94: {  	s2 =	sld [smem:$0x3FFC];
	_ =	sdelay $0x3  }
0x95: {  	_ =	strace s2  }
0x96: {  	s2 =	sld [smem:$0x3FFD];
	_ =	sdelay $0x3  }
0x97: {  	_ =	strace s2  }
0x98: {  	_ =	strace $0x8FFFFFFF  }
0x99: {  	s20 =	sld [smem:$0x3FDB];
	_ =	sdelay $0x1  }
0x9a: {  	s5 =	simm.s32 $_scs_section_size  }
0x9b: {  	s6 =	simm.s32 $_size__tile_overlayer_lowered;
	s7 =	simm.s32 $_tile_overlayer_lowered  }
0x9c: {  	s8 =	simm.s32 $0x1BFF;
	s21 =	sshll.u32 s7, $0x1;
	s5 =	sadd.s32 s5, s20  }
0x9d: {  	s22 =	simm.s32 $0x0;
	s6 =	sshll.u32 s6, $0x1;
	s7 =	sadd.s32 s21, s5  }
0x9e: {  	[timem:s22], [sflag:s8] =	dma.local [hbm:s7], s6  }
0x9f: {  	_ =	swait.ge [sflag:s8], s6  }
0xa0: {  	s6 =	ssub.s32 $0x0, s6;
	[sflag:s8] =	ssyncset.done $0x0  }
0xa1: {  	[sflag:s8] =	ssyncadd.s32 s6;
	_ =	sdelay $0x1  }
0xa2: {  	s23 =	simm.s32 $0x1B8B  }
0xa3: {  	_ =	swait.ge [sflag:s23], $0x1  }
0xa4: {  	[sflag:s23] =	ssyncset.done $0x0  }
0xa5: {  	[sflag:s23] =	ssyncadd.s32 $0xFFFFFFFF  }
0xa6: {  	s6 =	sld [smem:$0x0]  }
0xa7: {  	s7 =	sand.u32 $0xFFFFFFFE, s1  }
0xa8: {  	p0 =	sne.s32 s1, s7  }
0xa9: {  	s7 =	sshll.u32 @p0 s7, $0xE  }
0xaa: {  	s7 =	sadd.s32 @p0 $0x11B8D, s7;
	s8 =	sshll.u32 @p0 s6, $0x11  }
0xab: {  	s7 =	sor.u32 @p0 s8, s7  }
0xac: {  	[sflag:s7] =	ssyncadd.remote.s32 @p0 $0x1;
	_ =	sdelay $0x1  }
0xad: {  	s7 =	simm.s32 @p0 $0x1B8D  }
0xae: {  	_ =	swait.eq @p0 [sflag:s7], $0x1  }
0xaf: {  	[sflag:s7] =	ssyncadd.s32 @p0 $0xFFFFFFFF  }
0xb0: {  	s8 =	sshll.u32 @!p0 s1, $0xE  }
0xb1: {  	s8 =	sor.u32 @!p0 $0x4000, s8;
	s7 =	simm.s32 @!p0 $0x1B8D  }
0xb2: {  	s6 =	sshll.u32 @!p0 s6, $0x11;
	s8 =	sadd.s32 @!p0 $0x11B8D, s8;
	_ =	swait.eq @!p0 [sflag:s7], $0x1  }
0xb3: {  	s6 =	sor.u32 @!p0 s6, s8;
	[sflag:s7] =	ssyncadd.s32 @!p0 $0xFFFFFFFF  }
0xb4: {  	s25 =	simm.s32 $0x1B8E;
	s24 =	sld [smem:$0x3FFE];
	[sflag:s6] =	ssyncadd.remote.s32 @!p0 $0x1  }
0xb5: {  	s26 =	simm.s32 $execute0_lowered;
	[smem:$0x3FD2] =	sst s25  }
0xb6: {  	s7 =	sshll.u32 s26, $0x1;
	_ =	strace $0x8000004F;
	[dreg:$0x1] =	wrdreg $0xFFFFFFFF  }
0xb7: {  	s28 =	simm.s32 $_size_execute0_lowered;
	s5 =	sadd.s32 s5, s7;
	[dreg:$0x0] =	wrdreg $0x0  }
0xb8: {  	s7 =	sshll.u32 s28, $0x1;
	[dreg:$0x2] =	wrdreg s5  }
0xb9: {  	[dreg:$0x3] =	wrdreg s7  }
0xba: {  	[dreg:$0x4] =	wrdreg $0xC0  }
0xbb: {  	_ =	task [dreg:s22], $0x5FFFF  }
0xbc: {  	[dreg:$0x1] =	wrdreg $0xFFFFFFFF  }
0xbd: {  	[dreg:$0x0] =	wrdreg $0x60  }
0xbe: {  	[dreg:$0x2] =	wrdreg s18  }
0xbf: {  	[dreg:$0x3] =	wrdreg s4  }
0xc0: {  	[dreg:$0x4] =	wrdreg s24  }
0xc1: {  	[dreg:$0x5] =	wrdreg $0xB  }
0xc2: {  	_ =	task.clear_ibuf [dreg:s22], $0x6FFFF;
	_ =	strace $0x9000004F  }
0xc3: {  	s29 =	simm.s32 $0xB;
	_ =	strace $0x80000051  }
0xc4: {  	_ =	swait.ge [sflag:s29], $0x1  }
0xc5: {  	[sflag:s29] =	ssyncadd.s32 $0xFFFFFFFF  }
0xc6: {  	_ =	strace $0x90000051  }
0xc7: {  	_ =	sfence  }
0xc8: {  	s30 =	sld [smem:$0x0];
	_ =	sdelay $0x2  }
0xc9: {  	s31 =	sshll.u32 s1, $0xD;
	s1 =	sshrl.u32 s1, $0x2  }
0xca: {  	s4 =	sand.u32 $0x4000, s31;
	s1 =	sadd.s32 s1, s30  }
0xcb: {  	s0 =	sor.u32 s4, s0;
	s1 =	sshll.u32 s1, $0x11  }
0xcc: {  	s0 =	sor.u32 s1, s0  }
0xcd: {  	s0 =	sadd.s32 $0x8F2B, s0  }
0xce: {  	[sflag:s0] =	ssyncadd.remote.s32 $0x1  }
0xcf: {  	_ =	sfence.sel $0xFFFF  }
0xd0: {  	[dreg:$0x0] =	wrdreg $0xFFFFFFFF;
	(pc) =	sbr.abs _section_cstart, $3  }
0xd1: {  	[dreg:$0x1] =	wrdreg $0xFFFFFFFF  }
0xd2: {  	_ =	task.clear_ibuf [dreg:s22], $0x2FFFF;
	_ =	strace $0x9FFFFFFF  }
0xd3: {  	(tm) =	ssettm $0x7FFFFFFF  }
tec
execute0_lowered:
.L_overlay_start_1:
0x0: {  	(tag) =	ssettag $0x1  }
0x1: {  	s4 =	rddreg [dreg:$0x0]  }
0x2: {  	s1 =	rddreg [dreg:$0x1]  }
0x3: {  	s5 =	rddreg [dreg:$0x2]  }
0x4: {  	s3 =	simm.s32 $0x0;
	s2 =	stileid.u32;
	s8 =	srdreg.scid  }
0x5: {  	s26 =	simm.s32 $0x880;
	s28 =	simm.s32 $0x1080;
	s29 =	simm.s32 $0x1880  }
0x6: {  	s30 =	simm.s32 $0x2080;
	s11 =	simm.s32 $0x2880;
	s31 =	simm.s32 $0x3080  }
0x7: {  	s12 =	simm.s32 $0x4080;
	s13 =	simm.s32 $0x4880;
	s14 =	simm.s32 $0x5080  }
0x8: {  	s15 =	simm.s32 $0x5880;
	s16 =	simm.s32 $0x6080;
	s17 =	simm.s32 $0x6880  }
0x9: {  	s18 =	simm.s32 $0x7080;
	s19 =	simm.s32 $0x7880;
	s20 =	simm.s32 $0x40  }
0xa: {  	[smem:$0x7FF] =	sst s3;
	s6 =	sadd.s32 $0x84800, s5;
	s7 =	sshll.u32 s2, $0xF  }
0xb: {  	s4 =	sadd.s32 $0x800, s4;
	_ =	strace $0x80000050;
	[dreg:$0x4] =	wrdreg s6  }
0xc: {  	s21 =	sshll.u32 s2, $0xD;
	s9 =	sshll.u32 s2, $0x9;
	[dreg:$0x6] =	wrdreg s4  }
0xd: {  	s10 =	sshll.u32 s2, $0x7;
	s8 =	sand.u32 $0x1, s8;
	[dreg:$0x7] =	wrdreg s26  }
0xe: {  	s7 =	sadd.s32 s7, s5;
	s9 =	sand.u32 $0x1000, s9;
	[dreg:$0x8] =	wrdreg s28  }
0xf: {  	s10 =	sand.u32 $0x380, s10;
	s6 =	sadd.s32 s21, s5;
	[dreg:$0x9] =	wrdreg s29  }
0x10: {  	s22 =	ssub.s32 $0x2, s8;
	s24 =	sshll.u32 s8, $0xC;
	[dreg:$0xa] =	wrdreg s30  }
0x11: {  	s4 =	sadd.s32 $0x100, s1;
	s25 =	sshll.u32 s8, $0xE;
	[dreg:$0xb] =	wrdreg s11  }
0x12: {  	s8 =	sshll.u32 s8, $0xB;
	[dreg:$0xc] =	wrdreg s31;
	s11 =	simm.s32 $0x3880  }
0x13: {  	s21 =	simm.s32 $0x8080;
	s9 =	sor.u32 s9, s10;
	s23 =	sshrl.u32 s22, $0x1  }
0x14: {  	s6 =	sadd.s32 s24, s6;
	s7 =	sadd.s32 s25, s7;
	s10 =	simm.s32 $0x80  }
0x15: {  	v2 =	vlaneseq.u32;
	s24 =	simm.s32 $0x0;
	[dreg:$0x5] =	wrdreg s9;
	s5 =	ssub.s32 s22, s23  }
0x16: {  	vm0 =	vmmov $0xffff;
	v1 =	vshrl.u32 v2, $0x3;
	s6 =	sadd.s32 $0x1E9E00, s6;
	s7 =	sadd.s32 $0x209E00, s7;
	s9 =	simm.s32 $0x3  }
0x17: {  	v0 =	vand.u32 $0x7, v2;
	v2 =	vor.u32 $0x8, v2;
	v1 =	vmul.u32 $0x8, v1;
	s22 =	simm.s32 $0x1;
	s23 =	simm.s32 $0x2;
	s5 =	smax.u32 s5, $0x1  }
.LBB2_1:
0x18: {  	s25 =	smov.u32 s8  }
0x19: {  	s26 =	smov.u32 s7;
	s28 =	smov.u32 s6;
	s29 =	simm.s32 $0x0  }
.LBB2_2:
0x1a: {  	s30 =	rddreg [dreg:$0x5];
	s31 =	sand.u32 $0x40, s29  }
0x1b: {  	s0 =	sand.u32 $0xC00, s25;
	s30 =	sor.u32 s31, s30  }
0x1c: {  	s0 =	sor.u32 s0, s30  }
0x1d: {  	s31 =	rddreg [dreg:$0x6];
	s0 =	sshrl.u32 s0, $0x3  }
0x1e: {  	s0 =	sadd.s32 s0, s31  }
0x1f: {  	[tilespmem:s3], [sflag:$0x3] =	stream.linear.gather [hbm4b:s0+s3], $0x40, $0x38;
	[tilespmem:$0xA080] =	vst v63  }
0x20: {  	_ =	swait.ge [sflag:s9], $0x40  }
0x21: {  	[sflag:s9] =	ssyncset.done $0x0  }
0x22: {  	[sflag:s9] =	ssyncadd.s32 $0xFFFFFFC0  }
0x23: {  	v3 =	vld [tilespmem:$0x0];
	_ =	sdelay $0x4  }
0x24: {  	v4 =	vshll.u32 v3, $0x2  }
0x25: {  	v3 =	vand.u32 $0x7, v3;
	v4 =	vand.u32 $0xFFFFFFE0, v4  }
0x26: {  	v3 =	vor.u32 v3, v4  }
0x27: {  	v4 =	vperm.xlane v3, v0;
	_ =	sdelay $0x1  }
0x28: {  	v4 =	vadd.s32 v1, v4;
	_ =	sdelay $0x1  }
0x29: {  	v3 =	vperm.xlane v3, v2;
	_ =	sdelay $0x1  }
0x2a: {  	v3 =	vadd.s32 v1, v3  }
0x2b: {  	[tilespmem:s10], [sflag:$0x1] =	stream.indirect_vreg.gather [hbm4b:s1+s3], $0x80, v4, vm0, $0xb8;
	[tilespmem:$0xA080] =	vst v63  }
0x2c: {  	s31 =	rddreg [dreg:$0x7]  }
0x2d: {  	[tilespmem:s31], [sflag:$0x1] =	stream.indirect_vreg.gather [hbm4b:s4+s3], $0x80, v4, vm0, $0xb8;
	[tilespmem:$0xA080] =	vst v63  }
0x2e: {  	s30 =	rddreg [dreg:$0x8]  }
0x2f: {  	[tilespmem:s30], [sflag:$0x1] =	stream.indirect_vreg.gather [hbm4b:s1+s3], $0x80, v3, vm0, $0xb8;
	[tilespmem:$0xA080] =	vst v63  }
0x30: {  	s31 =	rddreg [dreg:$0x9]  }
0x31: {  	[tilespmem:s31], [sflag:$0x1] =	stream.indirect_vreg.gather [hbm4b:s4+s3], $0x80, v3, vm0, $0xb8;
	[tilespmem:$0xA080] =	vst v63  }
0x32: {  	v3 =	vld [tilespmem:$0x10];
	_ =	sdelay $0x4  }
0x33: {  	v61 =	vshll.u32 v3, $0x2  }
0x34: {  	v3 =	vand.u32 $0x7, v3;
	v4 =	vand.u32 $0xFFFFFFE0, v61  }
0x35: {  	v3 =	vor.u32 v3, v4  }
0x36: {  	v4 =	vperm.xlane v3, v0;
	_ =	sdelay $0x1  }
0x37: {  	v4 =	vadd.s32 v1, v4;
	_ =	sdelay $0x1  }
0x38: {  	v3 =	vperm.xlane v3, v2;
	_ =	sdelay $0x1  }
0x39: {  	s31 =	rddreg [dreg:$0xa];
	v3 =	vadd.s32 v1, v3  }
0x3a: {  	[tilespmem:s31], [sflag:$0x1] =	stream.indirect_vreg.gather [hbm4b:s1+s3], $0x80, v4, vm0, $0xb8;
	[tilespmem:$0xA080] =	vst v63  }
0x3b: {  	s30 =	rddreg [dreg:$0xb]  }
0x3c: {  	[tilespmem:s30], [sflag:$0x1] =	stream.indirect_vreg.gather [hbm4b:s4+s3], $0x80, v4, vm0, $0xb8;
	[tilespmem:$0xA080] =	vst v63  }
0x3d: {  	s31 =	rddreg [dreg:$0xc]  }
0x3e: {  	[tilespmem:s31], [sflag:$0x1] =	stream.indirect_vreg.gather [hbm4b:s1+s3], $0x80, v3, vm0, $0xb8;
	[tilespmem:$0xA080] =	vst v63  }
0x3f: {  	_ = 	snop  }
0x40: {  	[tilespmem:s11], [sflag:$0x1] =	stream.indirect_vreg.gather [hbm4b:s4+s3], $0x80, v3, vm0, $0xb8;
	[tilespmem:$0xA080] =	vst v63  }
0x41: {  	v3 =	vld [tilespmem:$0x20];
	_ =	sdelay $0x4  }
0x42: {  	v62 =	vshll.u32 v3, $0x2  }
0x43: {  	v3 =	vand.u32 $0x7, v3;
	v4 =	vand.u32 $0xFFFFFFE0, v62  }
0x44: {  	v3 =	vor.u32 v3, v4  }
0x45: {  	v4 =	vperm.xlane v3, v0;
	_ =	sdelay $0x1  }
0x46: {  	v4 =	vadd.s32 v1, v4;
	_ =	sdelay $0x1  }
0x47: {  	v3 =	vperm.xlane v3, v2;
	_ =	sdelay $0x1  }
0x48: {  	v3 =	vadd.s32 v1, v3  }
0x49: {  	[tilespmem:s12], [sflag:$0x1] =	stream.indirect_vreg.gather [hbm4b:s1+s3], $0x80, v4, vm0, $0xb8;
	[tilespmem:$0xA080] =	vst v63  }
0x4a: {  	_ = 	snop  }
0x4b: {  	[tilespmem:s13], [sflag:$0x1] =	stream.indirect_vreg.gather [hbm4b:s4+s3], $0x80, v4, vm0, $0xb8;
	[tilespmem:$0xA080] =	vst v63  }
0x4c: {  	_ = 	snop  }
0x4d: {  	[tilespmem:s14], [sflag:$0x1] =	stream.indirect_vreg.gather [hbm4b:s1+s3], $0x80, v3, vm0, $0xb8;
	[tilespmem:$0xA080] =	vst v63  }
0x4e: {  	_ = 	snop  }
0x4f: {  	[tilespmem:s15], [sflag:$0x1] =	stream.indirect_vreg.gather [hbm4b:s4+s3], $0x80, v3, vm0, $0xb8;
	[tilespmem:$0xA080] =	vst v63  }
0x50: {  	v3 =	vld [tilespmem:$0x30];
	_ =	sdelay $0x4  }
0x51: {  	v63 =	vshll.u32 v3, $0x2  }
0x52: {  	v3 =	vand.u32 $0x7, v3;
	v4 =	vand.u32 $0xFFFFFFE0, v63  }
0x53: {  	v3 =	vor.u32 v3, v4  }
0x54: {  	v4 =	vperm.xlane v3, v0;
	_ =	sdelay $0x1  }
0x55: {  	v4 =	vadd.s32 v1, v4;
	_ =	sdelay $0x1  }
0x56: {  	v3 =	vperm.xlane v3, v2;
	_ =	sdelay $0x1  }
0x57: {  	v3 =	vadd.s32 v1, v3  }
0x58: {  	[tilespmem:s16], [sflag:$0x1] =	stream.indirect_vreg.gather [hbm4b:s1+s3], $0x80, v4, vm0, $0xb8;
	[tilespmem:$0xA080] =	vst v63  }
0x59: {  	_ = 	snop  }
0x5a: {  	[tilespmem:s17], [sflag:$0x1] =	stream.indirect_vreg.gather [hbm4b:s4+s3], $0x80, v4, vm0, $0xb8;
	[tilespmem:$0xA080] =	vst v63  }
0x5b: {  	_ = 	snop  }
0x5c: {  	[tilespmem:s18], [sflag:$0x1] =	stream.indirect_vreg.gather [hbm4b:s1+s3], $0x80, v3, vm0, $0xb8;
	[tilespmem:$0xA080] =	vst v63  }
0x5d: {  	_ = 	snop  }
0x5e: {  	[tilespmem:s19], [sflag:$0x1] =	stream.indirect_vreg.gather [hbm4b:s4+s3], $0x80, v3, vm0, $0xb8;
	[tilespmem:$0xA080] =	vst v63  }
0x5f: {  	s31 =	rddreg [dreg:$0x4]  }
0x60: {  	[tilespmem:s21], [sflag:$0x2] =	stream.indirect.gather [hbm4b:s31+s20], $0x80, s3, s20, $0xb8;
	[tilespmem:$0xA080] =	vst v63  }
0x61: {  	_ =	swait.ge [sflag:s22], $0x8000  }
0x62: {  	[sflag:s22] =	ssyncset.done $0x0  }
0x63: {  	[sflag:s22] =	ssyncadd.s32 $0xFFFF8000  }
0x64: {  	_ =	swait.ge [sflag:s23], $0x2000  }
0x65: {  	[sflag:s23] =	ssyncset.done $0x0  }
0x66: {  	[sflag:s23] =	ssyncadd.s32 $0xFFFFE000  }
0x67: {  	[hbm4b:s26+s3] =	stream.linear.scatter [tilespmem:s10], [sflag:$0x3], $0x8000, $0x38;
	[tilespmem:$0xA080] =	vst v63  }
0x68: {  	_ =	swait.ge [sflag:s9], $0x8000  }
0x69: {  	p0 =	sne.s32 s29, $0xC0;
	[sflag:s9] =	ssyncset.done $0x0  }
.Ltmp0:
0x6a: {  	[sflag:s9] =	ssyncadd.s32 $0xFFFF8000;
	(pc) =	sbr.rel @p0 .LBB2_2-.Ltmp0, $4  }
0x6b: {  	[hbm4b:s28+s3] =	stream.linear.scatter [tilespmem:s21], [sflag:$0x3], $0x2000, $0x38;
	[tilespmem:$0xA080] =	vst v63  }
0x6c: {  	_ =	swait.ge [sflag:s9], $0x2000  }
0x6d: {  	s25 =	sadd.s32 $0x200, s25;
	s29 =	sadd.s32 $0x40, s29;
	[sflag:s9] =	ssyncset.done $0x0  }
0x6e: {  	s26 =	sadd.s32 $0x1000, s26;
	s28 =	sadd.s32 $0x400, s28;
	[sflag:s9] =	ssyncadd.s32 $0xFFFFE000  }
0x6f: {  	s24 =	sadd.s32 $0x1, s24  }
0x70: {  	p0 =	sne.s32 s24, s5  }
.Ltmp1:
0x71: {  	_ = 	snop;
	(pc) =	sbr.rel @p0 .LBB2_1-.Ltmp1, $1  }
0x72: {  	_ =	sdelay $0x3  }
0x73: {  	_ =	sfence.sel $0x180000  }
0x74: {  	[bflag:$0x0] =	sbarrier.arrive $0xFFFF  }
0x75: {  	_ =	strace $0x90000050  }
0x76: {  	[bflag:$0x2] =	sbarrier.arrive $0xFFFF  }
0x77: {  	p0 =	sne.s32 s2, $0x0;
	s0 =	rddreg [dreg:$0x3]  }
0x78: {  	s0 =	sadd.s32 @!p0 $0x100000, s0  }
0x79: {  	[sflag:s0] =	ssyncadd.tile.s32 @!p0 $0x1;
	_ =	shalt  }
.Lfunc_end2:
_tile_overlayer_lowered:
.L_overlay_start_2:
0x7a: {  	(tag) =	ssettag $0x2  }
0x7b: {  	s0 =	rddreg [dreg:$0x0];
	s2 =	stileid.u32  }
0x7c: {  	s1 =	rddreg [dreg:$0x1];
	p0 =	sne.s32 s2, $0x0  }
0x7d: {  	s3 =	rddreg [dreg:$0x2];
	[bflag:$0x3] =	sbarrier.arrive $0xFFFF;
	s2 =	simm.s32 @!p0 $0x1C03  }
0x7e: {  	[timem:s3], [sflag:s2] =	dma.local @!p0 [hbm:s0], s1  }
0x7f: {  	s0 =	simm.s32 @!p0 $0x3  }
0x80: {  	_ =	swait.ge @!p0 [sflag:s0], s1  }
0x81: {  	s1 =	ssub.s32 @!p0 $0x0, s1;
	[sflag:s0] =	ssyncset.done @!p0 $0x0  }
0x82: {  	[sflag:s0] =	ssyncadd.s32 @!p0 s1  }
0x83: {  	[bflag:$0x3] =	sbarrier.arrive $0xFFFF  }
0x84: {  	_ =	shalt  }

// kernel: kernel.23.cloned.1.call-start
scs
__scs_entry_jumppad:
0x0: {  	(pc) =	sbr.rel $0x88, $3  }
0x1: {  	(tag) =	ssettag $0x0;
	lr =	simm.s32 $0x1  }
0x2: {  	[smem:$0x3F8C] =	sst lr;
	_ =	strace $0xD0000000  }
0x3: {  	_ = 	snop  }
0x4: {  	_ = 	snop  }
0x5: {  	_ = 	snop  }
0x6: {  	_ = 	snop  }
0x7: {  	_ = 	snop  }
__scs_overlays_trampoline_lowered:
0x8: {  	[smem:$0x3F9B] =	sst s0  }
0x9: {  	[smem:$0x3F9C] =	sst s1  }
0xa: {  	[smem:$0x3F9D] =	sst s2  }
0xb: {  	[smem:$0x3F9E] =	sst s3  }
0xc: {  	[smem:$0x3F9F] =	sst s4  }
0xd: {  	[smem:$0x3FA0] =	sst s5  }
0xe: {  	[smem:$0x3FA1] =	sst s6  }
0xf: {  	[smem:$0x3FA2] =	sst s7  }
0x10: {  	[smem:$0x3FA3] =	sst s8  }
0x11: {  	[smem:$0x3FA4] =	sst s9;
	s0 =	simm.s32 @!p0 $0x0  }
0x12: {  	s1 =	sld [smem:$0x3F8A];
	s0 =	simm.s32 @p0 $0x1  }
0x13: {  	[smem:$0x3FA5] =	sst s0;
	s0 =	simm.s32 @!p1 $0x0  }
0x14: {  	s2 =	sld [smem:$0x3F89];
	s0 =	simm.s32 @p1 $0x1  }
0x15: {  	[smem:$0x3FA6] =	sst s0;
	s0 =	simm.s32 @!p2 $0x0  }
0x16: {  	s3 =	sld [smem:$0x3FDB];
	s0 =	simm.s32 @p2 $0x1  }
0x17: {  	s4 =	simm.s32 $0x1BF5;
	[smem:$0x3FA8] =	sst s0  }
0x18: {  	s0 =	sld [smem:$0x3F8B];
	_ =	swait.ge [sflag:s4], $0x0  }
0x19: {  	s7 =	sld [smem:$0x3F8C]  }
0x1a: {  	s8 =	sadd.s32 $0xFFFFE003, lr  }
0x1b: {  	s9 =	sadd.s32 $0xFFFFFEF7, lr;
	s5 =	simm.s32 $0xFFFFFFFF;
	p2 =	slt.u32 s8, $0xFFFFF086  }
0x1c: {  	p1 =	slt.u32 s9, $0xF7A;
	s5 =	simm.s32 @!p2 $0x0  }
0x1d: {  	s5 =	simm.s32 @p1 $0x1;
	p0 =	seq.s32 s7, s2  }
0x1e: {  	s7 =	smul.u32 @!p0 $0xF7A, s2;
	p2 =	seq.s32 @!p0 s5, $0x0  }
0x1f: {  	s9 =	smul.u32 $0xF7A, s1;
	s8 =	simm.s32 @!p0 $0x1BF5;
	p2 =	por !p2, p0  }
0x20: {  	[sflag:s8] =	ssyncset.s32 @!p0 $0xFFFFF086;
	s6 =	sadd.s32 @!p0 s3, s7;
	s7 =	simm.s32 @!p0 $0x108  }
0x21: {  	s3 =	sadd.s32 s3, s9;
	s6 =	sadd.s32 @!p0 $0x88, s6;
	s7 =	simm.s32 @p2 $0x1082  }
0x22: {  	[simem:s7], [sflag:s8] =	dma.local @!p0 [hbm:s6], $0xF7A  }
0x23: {  	s9 =	sor.u32 $0xD0000000, s2;
	s6 =	simm.s32 $0x108;
	_ =	swait.ge @!p0 [sflag:s8], $0x0  }
0x24: {  	s3 =	sadd.s32 $0x88, s3;
	s6 =	simm.s32 @!p1 $0x1082;
	[sflag:s4] =	ssyncset.s32 $0xFFFFF086  }
0x25: {  	[simem:s6], [sflag:s4] =	dma.local [hbm:s3], $0xF7A  }
0x26: {  	[smem:$0x3F8C] =	sst s1;
	(tag) =	ssettag s2;
	_ =	strace s9  }
0x27: {  	s1 =	sld [smem:$0x3F9C]  }
0x28: {  	s2 =	sld [smem:$0x3F9D]  }
0x29: {  	s4 =	sld [smem:$0x3F9F]  }
0x2a: {  	p0 =	seq.s32 s5, $0x0;
	s5 =	sld [smem:$0x3FA0]  }
0x2b: {  	s6 =	sld [smem:$0x3FA1]  }
0x2c: {  	s7 =	sld [smem:$0x3FA2]  }
0x2d: {  	s3 =	simm.s32 $0x108;
	s8 =	sld [smem:$0x3FA3]  }
0x2e: {  	s3 =	simm.s32 @!p0 $0x1082;
	s9 =	sld [smem:$0x3FA4]  }
0x2f: {  	lr =	sadd.s32 s0, s3;
	s0 =	sld [smem:$0x3F9B]  }
0x30: {  	s3 =	sld [smem:$0x3F9E]  }
0x31: {  	[smem:$0x3FA7] =	sst s10  }
0x32: {  	s10 =	sld [smem:$0x3FA5];
	_ =	sdelay $0x3  }
0x33: {  	p0 =	seq.s32 s10, $0x1;
	s10 =	sld [smem:$0x3FA7];
	_ =	sdelay $0x3  }
0x34: {  	[smem:$0x3FA7] =	sst s10  }
0x35: {  	s10 =	sld [smem:$0x3FA6];
	_ =	sdelay $0x3  }
0x36: {  	p1 =	seq.s32 s10, $0x1;
	s10 =	sld [smem:$0x3FA7];
	_ =	sdelay $0x3  }
0x37: {  	[smem:$0x3FA7] =	sst s10  }
0x38: {  	s10 =	sld [smem:$0x3FA8]  }
0x39: {  	_ = 	snop;
	(pc) =	sbr.ind lr, $3  }
0x3a: {  	_ = 	snop  }
0x3b: {  	_ = 	snop  }
0x3c: {  	p2 =	seq.s32 s10, $0x1;
	s10 =	sld [smem:$0x3FA7]  }
0x3d: {  	_ =	shalt  }
0x3e: {  	_ =	shalt  }
0x3f: {  	_ =	shalt  }
0x40: {  	_ =	shalt  }
0x41: {  	_ =	shalt  }
0x42: {  	_ =	shalt  }
0x43: {  	_ =	shalt  }
0x44: {  	_ =	shalt  }
0x45: {  	_ =	shalt  }
0x46: {  	_ =	shalt  }
0x47: {  	_ =	shalt  }
0x48: {  	_ =	shalt  }
0x49: {  	_ =	shalt  }
0x4a: {  	_ =	shalt  }
0x4b: {  	_ =	shalt  }
0x4c: {  	_ =	shalt  }
0x4d: {  	_ =	shalt  }
0x4e: {  	_ =	shalt  }
0x4f: {  	_ =	shalt  }
0x50: {  	_ =	shalt  }
0x51: {  	_ =	shalt  }
0x52: {  	_ =	shalt  }
0x53: {  	_ =	shalt  }
0x54: {  	_ =	shalt  }
0x55: {  	_ =	shalt  }
0x56: {  	_ =	shalt  }
0x57: {  	_ =	shalt  }
0x58: {  	_ =	shalt  }
0x59: {  	_ =	shalt  }
0x5a: {  	_ =	shalt  }
0x5b: {  	_ =	shalt  }
0x5c: {  	_ =	shalt  }
0x5d: {  	_ =	shalt  }
0x5e: {  	_ =	shalt  }
0x5f: {  	_ =	shalt  }
0x60: {  	_ =	shalt  }
0x61: {  	_ =	shalt  }
0x62: {  	_ =	shalt  }
0x63: {  	_ =	shalt  }
0x64: {  	_ =	shalt  }
0x65: {  	_ =	shalt  }
0x66: {  	_ =	shalt  }
0x67: {  	_ =	shalt  }
0x68: {  	_ =	shalt  }
0x69: {  	_ =	shalt  }
0x6a: {  	_ =	shalt  }
0x6b: {  	_ =	shalt  }
0x6c: {  	_ =	shalt  }
0x6d: {  	_ =	shalt  }
0x6e: {  	_ =	shalt  }
0x6f: {  	_ =	shalt  }
0x70: {  	_ =	shalt  }
0x71: {  	_ =	shalt  }
0x72: {  	_ =	shalt  }
0x73: {  	_ =	shalt  }
0x74: {  	_ =	shalt  }
0x75: {  	_ =	shalt  }
0x76: {  	_ =	shalt  }
0x77: {  	_ =	shalt  }
0x78: {  	_ =	shalt  }
0x79: {  	_ =	shalt  }
0x7a: {  	_ =	shalt  }
0x7b: {  	_ =	shalt  }
0x7c: {  	_ =	shalt  }
0x7d: {  	_ =	shalt  }
0x7e: {  	_ =	shalt  }
0x7f: {  	_ =	shalt  }
0x80: {  	_ =	shalt  }
0x81: {  	_ =	shalt  }
0x82: {  	_ =	shalt  }
0x83: {  	_ =	shalt  }
0x84: {  	_ =	shalt  }
0x85: {  	_ =	shalt  }
0x86: {  	_ =	shalt  }
0x87: {  	_ =	shalt  }
.Lfunc_end0:
.L_simem_size_0:
called_computation.4_lowered:
.L_overlay_start_0:
0x88: {  	s2 =	sld [smem:$0x3FD9]  }
0x89: {  	s3 =	sld [smem:$0x3FFE];
	_ =	sdelay $0x1  }
0x8a: {  	s1 =	srdreg.scid  }
0x8b: {  	s0 =	sand.u32 $0x1, s1  }
0x8c: {  	s17 =	sshll.u32 s0, $0xA;
	s2 =	sadd.s32 s3, s2  }
0x8d: {  	s2 =	sadd.s32 s2, s17  }
0x8e: {  	[smem:$0x3FB3] =	sst s2  }
0x8f: {  	_ = 	snop  }
0x90: {  	s18 =	sld [smem:$0x3FC9]  }
0x91: {  	s4 =	sld [smem:$0x3FC8];
	(tm) =	ssettm $0x1  }
0x92: {  	s19 =	sld [smem:$0x3FFB];
	_ =	sdelay $0x3  }
0x93: {  	_ =	strace s19  }
0x94: {  	s2 =	sld [smem:$0x3FFC];
	_ =	sdelay $0x3  }
0x95: {  	_ =	strace s2  }
0x96: {  	s2 =	sld [smem:$0x3FFD];
	_ =	sdelay $0x3  }
0x97: {  	_ =	strace s2  }
0x98: {  	_ =	strace $0x8FFFFFFF  }
0x99: {  	s20 =	sld [smem:$0x3FDB];
	_ =	sdelay $0x1  }
0x9a: {  	s5 =	simm.s32 $_scs_section_size  }
0x9b: {  	s6 =	simm.s32 $_size__tile_overlayer_lowered;
	s7 =	simm.s32 $_tile_overlayer_lowered  }
0x9c: {  	s8 =	simm.s32 $0x1BFF;
	s21 =	sshll.u32 s7, $0x1;
	s5 =	sadd.s32 s5, s20  }
0x9d: {  	s22 =	simm.s32 $0x0;
	s6 =	sshll.u32 s6, $0x1;
	s7 =	sadd.s32 s21, s5  }
0x9e: {  	[timem:s22], [sflag:s8] =	dma.local [hbm:s7], s6  }
0x9f: {  	_ =	swait.ge [sflag:s8], s6  }
0xa0: {  	s6 =	ssub.s32 $0x0, s6;
	[sflag:s8] =	ssyncset.done $0x0  }
0xa1: {  	[sflag:s8] =	ssyncadd.s32 s6;
	_ =	sdelay $0x1  }
0xa2: {  	s23 =	simm.s32 $0x1B8B  }
0xa3: {  	_ =	swait.ge [sflag:s23], $0x1  }
0xa4: {  	[sflag:s23] =	ssyncset.done $0x0  }
0xa5: {  	[sflag:s23] =	ssyncadd.s32 $0xFFFFFFFF  }
0xa6: {  	s6 =	sld [smem:$0x0]  }
0xa7: {  	s7 =	sand.u32 $0xFFFFFFFE, s1  }
0xa8: {  	p0 =	sne.s32 s1, s7  }
0xa9: {  	s7 =	sshll.u32 @p0 s7, $0xE  }
0xaa: {  	s7 =	sadd.s32 @p0 $0x11B8D, s7;
	s8 =	sshll.u32 @p0 s6, $0x11  }
0xab: {  	s7 =	sor.u32 @p0 s8, s7  }
0xac: {  	[sflag:s7] =	ssyncadd.remote.s32 @p0 $0x1;
	_ =	sdelay $0x1  }
0xad: {  	s7 =	simm.s32 @p0 $0x1B8D  }
0xae: {  	_ =	swait.eq @p0 [sflag:s7], $0x1  }
0xaf: {  	[sflag:s7] =	ssyncadd.s32 @p0 $0xFFFFFFFF  }
0xb0: {  	s8 =	sshll.u32 @!p0 s1, $0xE  }
0xb1: {  	s8 =	sor.u32 @!p0 $0x4000, s8;
	s7 =	simm.s32 @!p0 $0x1B8D  }
0xb2: {  	s6 =	sshll.u32 @!p0 s6, $0x11;
	s8 =	sadd.s32 @!p0 $0x11B8D, s8;
	_ =	swait.eq @!p0 [sflag:s7], $0x1  }
0xb3: {  	s6 =	sor.u32 @!p0 s6, s8;
	[sflag:s7] =	ssyncadd.s32 @!p0 $0xFFFFFFFF  }
0xb4: {  	s25 =	simm.s32 $0x1B8E;
	s24 =	sld [smem:$0x3FFE];
	[sflag:s6] =	ssyncadd.remote.s32 @!p0 $0x1  }
0xb5: {  	s26 =	simm.s32 $execute0_lowered;
	[smem:$0x3FD2] =	sst s25  }
0xb6: {  	s7 =	sshll.u32 s26, $0x1;
	_ =	strace $0x80000052;
	[dreg:$0x1] =	wrdreg $0xFFFFFFFF  }
0xb7: {  	s28 =	simm.s32 $_size_execute0_lowered;
	s5 =	sadd.s32 s5, s7;
	[dreg:$0x0] =	wrdreg $0x0  }
0xb8: {  	s7 =	sshll.u32 s28, $0x1;
	[dreg:$0x2] =	wrdreg s5  }
0xb9: {  	[dreg:$0x3] =	wrdreg s7  }
0xba: {  	[dreg:$0x4] =	wrdreg $0xC0  }
0xbb: {  	_ =	task [dreg:s22], $0x5FFFF  }
0xbc: {  	[dreg:$0x1] =	wrdreg $0xFFFFFFFF  }
0xbd: {  	[dreg:$0x0] =	wrdreg $0x60  }
0xbe: {  	[dreg:$0x2] =	wrdreg s18  }
0xbf: {  	[dreg:$0x3] =	wrdreg s4  }
0xc0: {  	[dreg:$0x4] =	wrdreg s24  }
0xc1: {  	[dreg:$0x5] =	wrdreg $0xC  }
0xc2: {  	_ =	task.clear_ibuf [dreg:s22], $0x6FFFF;
	_ =	strace $0x90000052  }
0xc3: {  	s29 =	simm.s32 $0xC;
	_ =	strace $0x80000054  }
0xc4: {  	_ =	swait.ge [sflag:s29], $0x1  }
0xc5: {  	[sflag:s29] =	ssyncadd.s32 $0xFFFFFFFF  }
0xc6: {  	_ =	strace $0x90000054  }
0xc7: {  	_ =	sfence  }
0xc8: {  	s30 =	sld [smem:$0x0];
	_ =	sdelay $0x2  }
0xc9: {  	s31 =	sshll.u32 s1, $0xD;
	s1 =	sshrl.u32 s1, $0x2  }
0xca: {  	s4 =	sand.u32 $0x4000, s31;
	s1 =	sadd.s32 s1, s30  }
0xcb: {  	s0 =	sor.u32 s4, s0;
	s1 =	sshll.u32 s1, $0x11  }
0xcc: {  	s0 =	sor.u32 s1, s0  }
0xcd: {  	s0 =	sadd.s32 $0x8F2B, s0  }
0xce: {  	[sflag:s0] =	ssyncadd.remote.s32 $0x1  }
0xcf: {  	_ =	sfence.sel $0xFFFF  }
0xd0: {  	[dreg:$0x0] =	wrdreg $0xFFFFFFFF;
	(pc) =	sbr.abs _section_cstart, $3  }
0xd1: {  	[dreg:$0x1] =	wrdreg $0xFFFFFFFF  }
0xd2: {  	_ =	task.clear_ibuf [dreg:s22], $0x2FFFF;
	_ =	strace $0x9FFFFFFF  }
0xd3: {  	(tm) =	ssettm $0x7FFFFFFF  }
tec
execute0_lowered:
.L_overlay_start_1:
0x0: {  	(tag) =	ssettag $0x1  }
0x1: {  	s4 =	rddreg [dreg:$0x0]  }
0x2: {  	s1 =	rddreg [dreg:$0x1]  }
0x3: {  	s5 =	rddreg [dreg:$0x2]  }
0x4: {  	s3 =	simm.s32 $0x0;
	s2 =	stileid.u32;
	s8 =	srdreg.scid  }
0x5: {  	s26 =	simm.s32 $0x880;
	s28 =	simm.s32 $0x1080;
	s29 =	simm.s32 $0x1880  }
0x6: {  	s30 =	simm.s32 $0x2080;
	s11 =	simm.s32 $0x2880;
	s31 =	simm.s32 $0x3080  }
0x7: {  	s12 =	simm.s32 $0x4080;
	s13 =	simm.s32 $0x4880;
	s14 =	simm.s32 $0x5080  }
0x8: {  	s15 =	simm.s32 $0x5880;
	s16 =	simm.s32 $0x6080;
	s17 =	simm.s32 $0x6880  }
0x9: {  	s18 =	simm.s32 $0x7080;
	s19 =	simm.s32 $0x7880;
	s20 =	simm.s32 $0x40  }
0xa: {  	[smem:$0x7FF] =	sst s3;
	s6 =	sadd.s32 $0x84800, s5;
	s7 =	sshll.u32 s2, $0xF  }
0xb: {  	s4 =	sadd.s32 $0xC00, s4;
	_ =	strace $0x80000053;
	[dreg:$0x4] =	wrdreg s6  }
0xc: {  	s21 =	sshll.u32 s2, $0xD;
	s9 =	sshll.u32 s2, $0x9;
	[dreg:$0x6] =	wrdreg s4  }
0xd: {  	s10 =	sshll.u32 s2, $0x7;
	s8 =	sand.u32 $0x1, s8;
	[dreg:$0x7] =	wrdreg s26  }
0xe: {  	s7 =	sadd.s32 s7, s5;
	s9 =	sand.u32 $0x1000, s9;
	[dreg:$0x8] =	wrdreg s28  }
0xf: {  	s10 =	sand.u32 $0x380, s10;
	s6 =	sadd.s32 s21, s5;
	[dreg:$0x9] =	wrdreg s29  }
0x10: {  	s22 =	ssub.s32 $0x2, s8;
	s24 =	sshll.u32 s8, $0xC;
	[dreg:$0xa] =	wrdreg s30  }
0x11: {  	s4 =	sadd.s32 $0x100, s1;
	s25 =	sshll.u32 s8, $0xE;
	[dreg:$0xb] =	wrdreg s11  }
0x12: {  	s8 =	sshll.u32 s8, $0xB;
	[dreg:$0xc] =	wrdreg s31;
	s11 =	simm.s32 $0x3880  }
0x13: {  	s21 =	simm.s32 $0x8080;
	s9 =	sor.u32 s9, s10;
	s23 =	sshrl.u32 s22, $0x1  }
0x14: {  	s6 =	sadd.s32 s24, s6;
	s7 =	sadd.s32 s25, s7;
	s10 =	simm.s32 $0x80  }
0x15: {  	v2 =	vlaneseq.u32;
	s24 =	simm.s32 $0x0;
	[dreg:$0x5] =	wrdreg s9;
	s5 =	ssub.s32 s22, s23  }
0x16: {  	vm0 =	vmmov $0xffff;
	v1 =	vshrl.u32 v2, $0x3;
	s6 =	sadd.s32 $0x289E00, s6;
	s7 =	sadd.s32 $0x2A9E00, s7;
	s9 =	simm.s32 $0x3  }
0x17: {  	v0 =	vand.u32 $0x7, v2;
	v2 =	vor.u32 $0x8, v2;
	v1 =	vmul.u32 $0x8, v1;
	s22 =	simm.s32 $0x1;
	s23 =	simm.s32 $0x2;
	s5 =	smax.u32 s5, $0x1  }
.LBB2_1:
0x18: {  	s25 =	smov.u32 s8  }
0x19: {  	s26 =	smov.u32 s7;
	s28 =	smov.u32 s6;
	s29 =	simm.s32 $0x0  }
.LBB2_2:
0x1a: {  	s30 =	rddreg [dreg:$0x5];
	s31 =	sand.u32 $0x40, s29  }
0x1b: {  	s0 =	sand.u32 $0xC00, s25;
	s30 =	sor.u32 s31, s30  }
0x1c: {  	s0 =	sor.u32 s0, s30  }
0x1d: {  	s31 =	rddreg [dreg:$0x6];
	s0 =	sshrl.u32 s0, $0x3  }
0x1e: {  	s0 =	sadd.s32 s0, s31  }
0x1f: {  	[tilespmem:s3], [sflag:$0x3] =	stream.linear.gather [hbm4b:s0+s3], $0x40, $0x38;
	[tilespmem:$0xA080] =	vst v63  }
0x20: {  	_ =	swait.ge [sflag:s9], $0x40  }
0x21: {  	[sflag:s9] =	ssyncset.done $0x0  }
0x22: {  	[sflag:s9] =	ssyncadd.s32 $0xFFFFFFC0  }
0x23: {  	v3 =	vld [tilespmem:$0x0];
	_ =	sdelay $0x4  }
0x24: {  	v4 =	vshll.u32 v3, $0x2  }
0x25: {  	v3 =	vand.u32 $0x7, v3;
	v4 =	vand.u32 $0xFFFFFFE0, v4  }
0x26: {  	v3 =	vor.u32 v3, v4  }
0x27: {  	v4 =	vperm.xlane v3, v0;
	_ =	sdelay $0x1  }
0x28: {  	v4 =	vadd.s32 v1, v4;
	_ =	sdelay $0x1  }
0x29: {  	v3 =	vperm.xlane v3, v2;
	_ =	sdelay $0x1  }
0x2a: {  	v3 =	vadd.s32 v1, v3  }
0x2b: {  	[tilespmem:s10], [sflag:$0x1] =	stream.indirect_vreg.gather [hbm4b:s1+s3], $0x80, v4, vm0, $0xb8;
	[tilespmem:$0xA080] =	vst v63  }
0x2c: {  	s31 =	rddreg [dreg:$0x7]  }
0x2d: {  	[tilespmem:s31], [sflag:$0x1] =	stream.indirect_vreg.gather [hbm4b:s4+s3], $0x80, v4, vm0, $0xb8;
	[tilespmem:$0xA080] =	vst v63  }
0x2e: {  	s30 =	rddreg [dreg:$0x8]  }
0x2f: {  	[tilespmem:s30], [sflag:$0x1] =	stream.indirect_vreg.gather [hbm4b:s1+s3], $0x80, v3, vm0, $0xb8;
	[tilespmem:$0xA080] =	vst v63  }
0x30: {  	s31 =	rddreg [dreg:$0x9]  }
0x31: {  	[tilespmem:s31], [sflag:$0x1] =	stream.indirect_vreg.gather [hbm4b:s4+s3], $0x80, v3, vm0, $0xb8;
	[tilespmem:$0xA080] =	vst v63  }
0x32: {  	v3 =	vld [tilespmem:$0x10];
	_ =	sdelay $0x4  }
0x33: {  	v61 =	vshll.u32 v3, $0x2  }
0x34: {  	v3 =	vand.u32 $0x7, v3;
	v4 =	vand.u32 $0xFFFFFFE0, v61  }
0x35: {  	v3 =	vor.u32 v3, v4  }
0x36: {  	v4 =	vperm.xlane v3, v0;
	_ =	sdelay $0x1  }
0x37: {  	v4 =	vadd.s32 v1, v4;
	_ =	sdelay $0x1  }
0x38: {  	v3 =	vperm.xlane v3, v2;
	_ =	sdelay $0x1  }
0x39: {  	s31 =	rddreg [dreg:$0xa];
	v3 =	vadd.s32 v1, v3  }
0x3a: {  	[tilespmem:s31], [sflag:$0x1] =	stream.indirect_vreg.gather [hbm4b:s1+s3], $0x80, v4, vm0, $0xb8;
	[tilespmem:$0xA080] =	vst v63  }
0x3b: {  	s30 =	rddreg [dreg:$0xb]  }
0x3c: {  	[tilespmem:s30], [sflag:$0x1] =	stream.indirect_vreg.gather [hbm4b:s4+s3], $0x80, v4, vm0, $0xb8;
	[tilespmem:$0xA080] =	vst v63  }
0x3d: {  	s31 =	rddreg [dreg:$0xc]  }
0x3e: {  	[tilespmem:s31], [sflag:$0x1] =	stream.indirect_vreg.gather [hbm4b:s1+s3], $0x80, v3, vm0, $0xb8;
	[tilespmem:$0xA080] =	vst v63  }
0x3f: {  	_ = 	snop  }
0x40: {  	[tilespmem:s11], [sflag:$0x1] =	stream.indirect_vreg.gather [hbm4b:s4+s3], $0x80, v3, vm0, $0xb8;
	[tilespmem:$0xA080] =	vst v63  }
0x41: {  	v3 =	vld [tilespmem:$0x20];
	_ =	sdelay $0x4  }
0x42: {  	v62 =	vshll.u32 v3, $0x2  }
0x43: {  	v3 =	vand.u32 $0x7, v3;
	v4 =	vand.u32 $0xFFFFFFE0, v62  }
0x44: {  	v3 =	vor.u32 v3, v4  }
0x45: {  	v4 =	vperm.xlane v3, v0;
	_ =	sdelay $0x1  }
0x46: {  	v4 =	vadd.s32 v1, v4;
	_ =	sdelay $0x1  }
0x47: {  	v3 =	vperm.xlane v3, v2;
	_ =	sdelay $0x1  }
0x48: {  	v3 =	vadd.s32 v1, v3  }
0x49: {  	[tilespmem:s12], [sflag:$0x1] =	stream.indirect_vreg.gather [hbm4b:s1+s3], $0x80, v4, vm0, $0xb8;
	[tilespmem:$0xA080] =	vst v63  }
0x4a: {  	_ = 	snop  }
0x4b: {  	[tilespmem:s13], [sflag:$0x1] =	stream.indirect_vreg.gather [hbm4b:s4+s3], $0x80, v4, vm0, $0xb8;
	[tilespmem:$0xA080] =	vst v63  }
0x4c: {  	_ = 	snop  }
0x4d: {  	[tilespmem:s14], [sflag:$0x1] =	stream.indirect_vreg.gather [hbm4b:s1+s3], $0x80, v3, vm0, $0xb8;
	[tilespmem:$0xA080] =	vst v63  }
0x4e: {  	_ = 	snop  }
0x4f: {  	[tilespmem:s15], [sflag:$0x1] =	stream.indirect_vreg.gather [hbm4b:s4+s3], $0x80, v3, vm0, $0xb8;
	[tilespmem:$0xA080] =	vst v63  }
0x50: {  	v3 =	vld [tilespmem:$0x30];
	_ =	sdelay $0x4  }
0x51: {  	v63 =	vshll.u32 v3, $0x2  }
0x52: {  	v3 =	vand.u32 $0x7, v3;
	v4 =	vand.u32 $0xFFFFFFE0, v63  }
0x53: {  	v3 =	vor.u32 v3, v4  }
0x54: {  	v4 =	vperm.xlane v3, v0;
	_ =	sdelay $0x1  }
0x55: {  	v4 =	vadd.s32 v1, v4;
	_ =	sdelay $0x1  }
0x56: {  	v3 =	vperm.xlane v3, v2;
	_ =	sdelay $0x1  }
0x57: {  	v3 =	vadd.s32 v1, v3  }
0x58: {  	[tilespmem:s16], [sflag:$0x1] =	stream.indirect_vreg.gather [hbm4b:s1+s3], $0x80, v4, vm0, $0xb8;
	[tilespmem:$0xA080] =	vst v63  }
0x59: {  	_ = 	snop  }
0x5a: {  	[tilespmem:s17], [sflag:$0x1] =	stream.indirect_vreg.gather [hbm4b:s4+s3], $0x80, v4, vm0, $0xb8;
	[tilespmem:$0xA080] =	vst v63  }
0x5b: {  	_ = 	snop  }
0x5c: {  	[tilespmem:s18], [sflag:$0x1] =	stream.indirect_vreg.gather [hbm4b:s1+s3], $0x80, v3, vm0, $0xb8;
	[tilespmem:$0xA080] =	vst v63  }
0x5d: {  	_ = 	snop  }
0x5e: {  	[tilespmem:s19], [sflag:$0x1] =	stream.indirect_vreg.gather [hbm4b:s4+s3], $0x80, v3, vm0, $0xb8;
	[tilespmem:$0xA080] =	vst v63  }
0x5f: {  	s31 =	rddreg [dreg:$0x4]  }
0x60: {  	[tilespmem:s21], [sflag:$0x2] =	stream.indirect.gather [hbm4b:s31+s20], $0x80, s3, s20, $0xb8;
	[tilespmem:$0xA080] =	vst v63  }
0x61: {  	_ =	swait.ge [sflag:s22], $0x8000  }
0x62: {  	[sflag:s22] =	ssyncset.done $0x0  }
0x63: {  	[sflag:s22] =	ssyncadd.s32 $0xFFFF8000  }
0x64: {  	_ =	swait.ge [sflag:s23], $0x2000  }
0x65: {  	[sflag:s23] =	ssyncset.done $0x0  }
0x66: {  	[sflag:s23] =	ssyncadd.s32 $0xFFFFE000  }
0x67: {  	[hbm4b:s26+s3] =	stream.linear.scatter [tilespmem:s10], [sflag:$0x3], $0x8000, $0x38;
	[tilespmem:$0xA080] =	vst v63  }
0x68: {  	_ =	swait.ge [sflag:s9], $0x8000  }
0x69: {  	p0 =	sne.s32 s29, $0xC0;
	[sflag:s9] =	ssyncset.done $0x0  }
.Ltmp0:
0x6a: {  	[sflag:s9] =	ssyncadd.s32 $0xFFFF8000;
	(pc) =	sbr.rel @p0 .LBB2_2-.Ltmp0, $4  }
0x6b: {  	[hbm4b:s28+s3] =	stream.linear.scatter [tilespmem:s21], [sflag:$0x3], $0x2000, $0x38;
	[tilespmem:$0xA080] =	vst v63  }
0x6c: {  	_ =	swait.ge [sflag:s9], $0x2000  }
0x6d: {  	s25 =	sadd.s32 $0x200, s25;
	s29 =	sadd.s32 $0x40, s29;
	[sflag:s9] =	ssyncset.done $0x0  }
0x6e: {  	s26 =	sadd.s32 $0x1000, s26;
	s28 =	sadd.s32 $0x400, s28;
	[sflag:s9] =	ssyncadd.s32 $0xFFFFE000  }
0x6f: {  	s24 =	sadd.s32 $0x1, s24  }
0x70: {  	p0 =	sne.s32 s24, s5  }
.Ltmp1:
0x71: {  	_ = 	snop;
	(pc) =	sbr.rel @p0 .LBB2_1-.Ltmp1, $1  }
0x72: {  	_ =	sdelay $0x3  }
0x73: {  	_ =	sfence.sel $0x180000  }
0x74: {  	[bflag:$0x0] =	sbarrier.arrive $0xFFFF  }
0x75: {  	_ =	strace $0x90000053  }
0x76: {  	[bflag:$0x2] =	sbarrier.arrive $0xFFFF  }
0x77: {  	p0 =	sne.s32 s2, $0x0;
	s0 =	rddreg [dreg:$0x3]  }
0x78: {  	s0 =	sadd.s32 @!p0 $0x100000, s0  }
0x79: {  	[sflag:s0] =	ssyncadd.tile.s32 @!p0 $0x1;
	_ =	shalt  }
.Lfunc_end2:
_tile_overlayer_lowered:
.L_overlay_start_2:
0x7a: {  	(tag) =	ssettag $0x2  }
0x7b: {  	s0 =	rddreg [dreg:$0x0];
	s2 =	stileid.u32  }
0x7c: {  	s1 =	rddreg [dreg:$0x1];
	p0 =	sne.s32 s2, $0x0  }
0x7d: {  	s3 =	rddreg [dreg:$0x2];
	[bflag:$0x3] =	sbarrier.arrive $0xFFFF;
	s2 =	simm.s32 @!p0 $0x1C03  }
0x7e: {  	[timem:s3], [sflag:s2] =	dma.local @!p0 [hbm:s0], s1  }
0x7f: {  	s0 =	simm.s32 @!p0 $0x3  }
0x80: {  	_ =	swait.ge @!p0 [sflag:s0], s1  }
0x81: {  	s1 =	ssub.s32 @!p0 $0x0, s1;
	[sflag:s0] =	ssyncset.done @!p0 $0x0  }
0x82: {  	[sflag:s0] =	ssyncadd.s32 @!p0 s1  }
0x83: {  	[bflag:$0x3] =	sbarrier.arrive $0xFFFF  }
0x84: {  	_ =	shalt  }

</sc_bundles>
